<compile_context>
chip_gen: v7x
topology: tpu7x:2x2x1
jax: 0.10.2.dev20260603
libtpu: 0.0.44.dev20260713+nightly
codegen_flags: <defaults>
</compile_context>

<pallas_src>
import functools

import jax
import jax.numpy as jnp
from jax import lax
from jax.experimental import pallas as pl
from jax.experimental.pallas import tpu as pltpu
from jax.experimental.pallas import tpu_sc as plsc

_N = 524288
_C = 100
_NB = 15
_TOTAL_EPOCH = 350
_LAMBDA_CLASSWISE = 2.0

_ROWS_A = 8192
_NB_H = 4096
_NSC = 16
_SEG = _N // _NSC
_BS = _N // _NB


def _bucketize(lp):
    return jnp.clip((lp * 128.0).astype(jnp.int32) + (_NB_H - 1), 0, _NB_H - 1)


def _pass_a_body(x_ref, tgt_ref, cw_ref, logpt_ref, cwv_ref):
    ng = _ROWS_A // 128
    x = x_ref[...]
    tgt_p = tgt_ref[...]
    tgt_f = tgt_p.astype(jnp.float32)
    ident = (lax.broadcasted_iota(jnp.int32, (128, 128), 0)
             == lax.broadcasted_iota(jnp.int32, (128, 128), 1)
             ).astype(jnp.float32)
    t_all = lax.dot_general(ident, tgt_f, (((1,), (1,)), ((), ())),
                            preferred_element_type=jnp.float32)
    tgt_col = jnp.concatenate(
        [t_all[:, g:g + 1] for g in range(ng)], axis=0)
    ones_col = jnp.ones((_C, 1), jnp.float32)
    e = jnp.exp(x)
    s = lax.dot_general(e, ones_col, (((1,), (0,)), ((), ())),
                        preferred_element_type=jnp.float32)
    onehot = (lax.broadcasted_iota(jnp.int32, x.shape, 1).astype(jnp.float32)
              == tgt_col)
    xsel = jnp.where(onehot, x, 0.0)
    xt = lax.dot_general(xsel, ones_col, (((1,), (0,)), ((), ())),
                         preferred_element_type=jnp.float32)
    sx = jnp.concatenate([s, xt], axis=1)
    rows = [lax.dot_general(sx[128 * g:128 * (g + 1), :], ident,
                            (((0,), (0,)), ((), ())),
                            preferred_element_type=jnp.float32)
            for g in range(ng)]
    sp = jnp.concatenate([r[0:1, :] for r in rows], axis=0)
    xtp = jnp.concatenate([r[1:2, :] for r in rows], axis=0)
    logpt_ref[...] = xtp - jnp.log(sp)
    cwv = jnp.zeros((ng, 128), jnp.float32)
    for c in range(_C):
        cwv = jnp.where(tgt_p == c, cw_ref[c], cwv)
    cwv_ref[...] = cwv


def _pass_a(x, tgt_p, cw):
    grid = _N // _ROWS_A
    pr = _ROWS_A // 128
    return pl.pallas_call(
        _pass_a_body,
        grid=(grid,),
        in_specs=[
            pl.BlockSpec((_ROWS_A, _C), lambda i: (i, 0)),
            pl.BlockSpec((pr, 128), lambda i: (i, 0)),
            pl.BlockSpec(memory_space=pltpu.SMEM),
        ],
        out_specs=[
            pl.BlockSpec((pr, 128), lambda i: (i, 0)),
            pl.BlockSpec((pr, 128), lambda i: (i, 0)),
        ],
        out_shape=[
            jax.ShapeDtypeStruct((_N // 128, 128), jnp.float32),
            jax.ShapeDtypeStruct((_N // 128, 128), jnp.float32),
        ],
        compiler_params=pltpu.CompilerParams(
            dimension_semantics=("arbitrary",),
        ),
    )(x, tgt_p, cw)


def _pass_b_body(lp_hbm, thr_hbm, frac_hbm,
                 stage, hist, merged, ghist, cum, tmp, thr_v, frac_v, shh):
    s = lax.axis_index("s")
    lanes = lax.iota(jnp.int32, 16)
    zeros16 = jnp.zeros((16,), jnp.int32)
    ones16 = jnp.ones((16,), jnp.int32)

    def _zrow(c, carry):
        hist[pl.ds(c * 16, 16)] = zeros16
        return carry
    lax.fori_loop(0, 16 * _NB_H // 16, _zrow, 0)

    pltpu.sync_copy(lp_hbm.at[pl.ds(s * _SEG, _SEG)], stage)
    lane_base = lanes * _NB_H

    def _hbody(i, carry):
        v = stage[pl.ds(i * 16, 16)]
        b = _bucketize(v)
        plsc.addupdate_scatter(hist, [lane_base + b], ones16)
        return carry
    lax.fori_loop(0, _SEG // 16, _hbody, 0)

    def _mrow(c, carry):
        acc = hist[pl.ds(c * 16, 16)]
        for j in range(1, 16):
            acc = acc + hist[pl.ds(j * _NB_H + c * 16, 16)]
        merged[pl.ds(c * 16, 16)] = acc
        return carry
    lax.fori_loop(0, _NB_H // 16, _mrow, 0)

    pltpu.sync_copy(merged, shh.at[s])
    plsc.subcore_barrier()

    @pl.when(s == 0)
    def _():
        pltpu.sync_copy(shh.at[0], ghist)
        for j in range(1, _NSC):
            pltpu.sync_copy(shh.at[j], tmp)

            def _arow(c, carry):
                ghist[pl.ds(c * 16, 16)] += tmp[pl.ds(c * 16, 16)]
                return carry
            lax.fori_loop(0, _NB_H // 16, _arow, 0)

        def _crow(c, carry):
            v = ghist[pl.ds(c * 16, 16)]
            cum[pl.ds(c * 16, 16)] = plsc.cumsum(v) + carry
            return carry + jnp.sum(v)
        lax.fori_loop(0, _NB_H // 16, _crow, jnp.int32(0))

        rk = jnp.minimum((lanes + 1) * _BS, _N - 1)
        lo = jnp.zeros((16,), jnp.int32)
        hi = jnp.full((16,), _NB_H - 1, jnp.int32)
        for _ in range(12):
            mid = (lo + hi) >> 1
            c = plsc.load_gather(cum, [mid])
            pred = c > rk
            hi = jnp.where(pred, mid, hi)
            lo = jnp.where(pred, lo, mid + 1)
        bk = hi
        cnt = plsc.load_gather(ghist, [bk])
        cinc = plsc.load_gather(cum, [bk])
        cexcl = cinc - cnt
        frac_above = 1.0 - (rk - cexcl).astype(jnp.float32) / cnt.astype(jnp.float32)
        thr_v[...] = bk
        frac_v[...] = frac_above
        pltpu.sync_copy(thr_v, thr_hbm)
        pltpu.sync_copy(frac_v, frac_hbm)


def _pass_b(lp_flat):
    mesh = plsc.VectorSubcoreMesh(
        core_axis_name="c", subcore_axis_name="s", num_cores=1)
    return pl.kernel(
        _pass_b_body,
        out_type=[
            jax.ShapeDtypeStruct((16,), jnp.int32),
            jax.ShapeDtypeStruct((16,), jnp.float32),
        ],
        mesh=mesh,
        compiler_params=pltpu.CompilerParams(needs_layout_passes=False),
        scratch_types=[
            pltpu.VMEM((_SEG,), jnp.float32),
            pltpu.VMEM((16 * _NB_H,), jnp.int32),
            pltpu.VMEM((_NB_H,), jnp.int32),
            pltpu.VMEM((_NB_H,), jnp.int32),
            pltpu.VMEM((_NB_H,), jnp.int32),
            pltpu.VMEM((_NB_H,), jnp.int32),
            pltpu.VMEM((16,), jnp.int32),
            pltpu.VMEM((16,), jnp.float32),
            pltpu.VMEM_SHARED((_NSC, _NB_H), jnp.int32),
        ],
    )(lp_flat)


def _pass_c_body(lp_ref, cwv_ref, thr_ref, frac_ref, dk_ref, be_ref,
                 out_ref, acc_ref):
    i = pl.program_id(0)

    @pl.when(i == 0)
    def _():
        acc_ref[0] = 0.0
        acc_ref[1] = 0.0
        acc_ref[2] = 0.0
        acc_ref[3] = 0.0

    lp = lp_ref[...]
    p = jnp.exp(lp)
    bin15 = jnp.clip((p * jnp.float32(_NB)).astype(jnp.int32), 0, _NB - 1)
    ece = jnp.zeros_like(lp)
    for k in range(_NB):
        ece = jnp.where(bin15 == k, be_ref[k], ece)
    b = _bucketize(lp)
    w = jnp.zeros_like(lp)
    for k in range(_NB - 1):
        bk = thr_ref[k]
        w = w + dk_ref[k] * (jnp.where(b > bk, 1.0, 0.0)
                             + frac_ref[k] * jnp.where(b == bk, 1.0, 0.0))
    acc_ref[0] += jnp.sum(lp)
    acc_ref[1] += jnp.sum(jnp.abs(ece) * lp)
    acc_ref[2] += jnp.sum(jnp.abs(cwv_ref[...]) * lp)
    acc_ref[3] += jnp.sum(w * lp)

    @pl.when(i == pl.num_programs(0) - 1)
    def _():
        out_ref[0] = acc_ref[0]
        out_ref[1] = acc_ref[1]
        out_ref[2] = acc_ref[2]
        out_ref[3] = acc_ref[3]


def _pass_c(lp2, cwv2, thr, frac, dk, be):
    rows = 512
    grid = lp2.shape[0] // rows
    return pl.pallas_call(
        _pass_c_body,
        grid=(grid,),
        in_specs=[
            pl.BlockSpec((rows, 128), lambda i: (i, 0)),
            pl.BlockSpec((rows, 128), lambda i: (i, 0)),
            pl.BlockSpec(memory_space=pltpu.SMEM),
            pl.BlockSpec(memory_space=pltpu.SMEM),
            pl.BlockSpec(memory_space=pltpu.SMEM),
            pl.BlockSpec(memory_space=pltpu.SMEM),
        ],
        out_specs=pl.BlockSpec(memory_space=pltpu.SMEM),
        out_shape=jax.ShapeDtypeStruct((4,), jnp.float32),
        scratch_shapes=[pltpu.SMEM((4,), jnp.float32)],
        compiler_params=pltpu.CompilerParams(
            dimension_semantics=("arbitrary",),
        ),
    )(lp2, cwv2, thr, frac, dk, be)


def kernel(input, target, current_epoch, bin_lower, bin_upper, bin_ece,
           ada_gap, classwise_ece):
    n = input.shape[0]
    tgt_p = target.reshape(n // 128, 128).astype(jnp.int32)
    logpt2, cwv2 = _pass_a(input, tgt_p, classwise_ece)

    thr, frac = _pass_b(logpt2.reshape(n))

    aa = jnp.abs(ada_gap)
    dk = jnp.concatenate([aa[1:] - aa[:-1], jnp.zeros((2,), jnp.float32)])
    be16 = jnp.concatenate([bin_ece, jnp.zeros((1,), jnp.float32)])
    sums = _pass_c(logpt2, cwv2, thr, frac, dk, be16)

    s0, se, sc, tprime = sums[0], sums[1], sums[2], sums[3]
    t_ada = aa[0] * s0 + tprime
    lam = 1.0 - current_epoch / _TOTAL_EPOCH
    loss = -(lam * s0
             + (1.0 - lam) * (se + t_ada + _LAMBDA_CLASSWISE * sc) / 3.0)
    return jnp.float32(loss)

# --- scband reference (transcript-rebuilt; emitter-appended) ---
"""Pipeline reference for scband-eceloss-66898410602955 (READ-ONLY COPY).

The authoritative reference and input builder live on the scoring server;
editing this copy changes nothing except your own understanding.
"""

import jax, jax.numpy as jnp
import numpy as np

N = 524288
C = 100
NB = 15
TOTAL_EPOCH = 350
LAMBDA_CLASSWISE = 2.0


def setup_inputs(seed: int = 0) -> dict:
    key = jax.random.key(seed)
    k1, k2, k3, k4, k5 = jax.random.split(key, 5)
    inp = {}
    inp["input"] = jax.random.normal(k1, (N, C), dtype=jnp.float32)
    inp["target"] = jax.random.randint(k2, (N,), 0, C)
    inp["current_epoch"] = 100
    # Module state normally installed via update_bin_stats(): materialize as dense tables.
    edges = jnp.linspace(0.0, 1.0, NB + 1, dtype=jnp.float32)
    inp["bin_lower"] = edges[:-1]
    inp["bin_upper"] = edges[1:]
    inp["bin_ece"] = jax.random.uniform(k3, (NB,), dtype=jnp.float32, minval=-0.1, maxval=0.1)
    inp["ada_gap"] = jax.random.uniform(k4, (NB,), dtype=jnp.float32, minval=-0.1, maxval=0.1)
    inp["classwise_ece"] = jax.random.uniform(k5, (C,), dtype=jnp.float32, minval=-0.1, maxval=0.1)
    return inp


def reference(input, target, current_epoch, bin_lower, bin_upper, bin_ece, ada_gap, classwise_ece):
    tgt = target.reshape(-1, 1)
    logpt = jax.nn.log_softmax(input, axis=-1)
    logpt = jnp.take_along_axis(logpt, tgt, axis=1).reshape(-1)
    prob = jnp.exp(logpt)
    # torch.no_grad() block -> stop_gradient
    p = jax.lax.stop_gradient(prob)
    # equal-width bin lookup: first bin with lower <= p < upper, else 0
    in_bin = (p[:, None] >= bin_lower[None, :]) & (p[:, None] < bin_upper[None, :])
    first = jnp.argmax(in_bin, axis=1)
    ece_value = jnp.where(in_bin.any(axis=1), bin_ece[first], 0.0)
    # adaptive (equal-mass) binning over sorted probabilities
    n = p.shape[0]
    nb = ada_gap.shape[0]
    bin_size = n // nb
    sorted_indices = jnp.argsort(p)
    pos_bins = jnp.minimum(jnp.arange(n) // bin_size, nb - 1)  # remainder -> last bin
    ada_sorted = ada_gap[pos_bins]
    inv_perm = jnp.argsort(sorted_indices)
    ada_ece_values = ada_sorted[inv_perm]
    classwise_vals = classwise_ece[tgt.reshape(-1)]
    weight = (jnp.abs(ece_value) + jnp.abs(ada_ece_values) + LAMBDA_CLASSWISE * jnp.abs(classwise_vals)) / 3.0
    weight = jax.lax.stop_gradient(weight)
    lambda_weight = 1.0 - current_epoch / TOTAL_EPOCH
    weight = lambda_weight + (1.0 - lambda_weight) * weight
    loss = -1.0 * weight * logpt
    return loss.sum()  # size_average=False

if __name__ == "__main__":
    import jax
    _d = setup_inputs()
    print(jax.jit(kernel)(*tuple(_d.values())))

</pallas_src>

<mosaic_0001>
#map = affine_map<(d0, d1) -> (0)>
module attributes {stable_mosaic.version = 14 : i64} {
  func.func @_pass_b_body(%arg0: i32, %arg1: i32, %arg2: memref<524288xf32, #tpu.memory_space<hbm>>, %arg3: memref<16xi32, #tpu.memory_space<hbm>>, %arg4: memref<16xf32, #tpu.memory_space<hbm>>, %arg5: memref<32768xf32, #tpu.memory_space<vmem>>, %arg6: memref<65536xi32, #tpu.memory_space<vmem>>, %arg7: memref<4096xi32, #tpu.memory_space<vmem>>, %arg8: memref<4096xi32, #tpu.memory_space<vmem>>, %arg9: memref<4096xi32, #tpu.memory_space<vmem>>, %arg10: memref<4096xi32, #tpu.memory_space<vmem>>, %arg11: memref<16xi32, #tpu.memory_space<vmem>>, %arg12: memref<16xf32, #tpu.memory_space<vmem>>, %arg13: memref<16x4096xi32, #tpu.memory_space<vmem_shared>>) attributes {dimension_semantics = [#tpu.dimension_semantics<core_parallel>, #tpu.dimension_semantics<subcore_parallel>], iteration_bounds = array<i64: 1, 16>, scalar_prefetch = 0 : i64, scratch_operands = 9 : i64, tpu.core_type = #tpu.core_type<sc_vector_subcore>, window_params = [{transform_indices = #map}, {transform_indices = #map}, {transform_indices = #map}]} {
    %iota3A = tpu.iota {dimensions = array<i32: 0>} : vector<16xi32>
    %broadcast_in_dim3A = arith.constant 0 : i32
    %broadcast_in_dim3A_0 = vector.broadcast %broadcast_in_dim3A : i32 to vector<16xi32>
    %broadcast_in_dim3A_1 = arith.constant 1 : i32
    %broadcast_in_dim3A_2 = vector.broadcast %broadcast_in_dim3A_1 : i32 to vector<16xi32>
    %scan3A = arith.constant 0 : i32
    %scan3A_3 = arith.constant 0 : i32
    %scan3A_4 = arith.constant 4096 : i32
    %scan3A_5 = arith.addi %scan3A_3, %scan3A_4 : i32
    %scan3A_6 = arith.constant 1 : i32
    scf.for %scan3A_26 = %scan3A_3 to %scan3A_5 step %scan3A_6  : i32 {
      %mul3A_27 = arith.constant 16 : i32
      %mul3A_28 = arith.muli %scan3A_26, %mul3A_27 : i32
      %swap3A = arith.index_cast %mul3A_28 : i32 to index
      %swap3A_29 = tpu.vector_load %arg6[%swap3A] {strides = array<i32>} : memref<65536xi32, #tpu.memory_space<vmem>>, vector<16xi32>,
      tpu.vector_store %arg6[%swap3A], %broadcast_in_dim3A_0 {strides = array<i32>} : memref<65536xi32, #tpu.memory_space<vmem>>, vector<16xi32>,
    }
    %scan3A_7 = arith.constant 4096 : i32
    %mul3A = arith.constant 32768 : i32
    %mul3A_8 = arith.muli %arg1, %mul3A : i32
    "tpu.region"() ({
      %run_scoped3A = tpu.sem_alloc : memref<!tpu.dma_semaphore, #tpu.memory_space<semaphore_mem>>
      %dma_start3A = tpu.memref_slice %arg2[%mul3A_8] : memref<524288xf32, #tpu.memory_space<hbm>> -> memref<32768xf32, #tpu.memory_space<hbm>>
      %dma_start3A_26 = tpu.memref_slice %arg2[%mul3A_8] : memref<524288xf32, #tpu.memory_space<hbm>> -> memref<32768xf32, #tpu.memory_space<hbm>>
      tpu.enqueue_dma source(%dma_start3A_26 : memref<32768xf32, #tpu.memory_space<hbm>>) target(%arg5 : memref<32768xf32, #tpu.memory_space<vmem>>) target_semaphore(%run_scoped3A : memref<!tpu.dma_semaphore, #tpu.memory_space<semaphore_mem>>)
      %dma_wait3A = tpu.memref_slice %arg2[%mul3A_8] : memref<524288xf32, #tpu.memory_space<hbm>> -> memref<32768xf32, #tpu.memory_space<hbm>>
      %dma_wait3A_27 = tpu.memref_slice %arg2[%mul3A_8] : memref<524288xf32, #tpu.memory_space<hbm>> -> memref<32768xf32, #tpu.memory_space<hbm>>
      tpu.wait_dma2 semaphore(%run_scoped3A : memref<!tpu.dma_semaphore, #tpu.memory_space<semaphore_mem>>) src(%dma_wait3A_27 : memref<32768xf32, #tpu.memory_space<hbm>>) dst(%arg5 : memref<32768xf32, #tpu.memory_space<vmem>>)
      tpu.yield
    }) : () -> ()
    %mul3A_9 = arith.constant 4096 : i32
    %mul3A_10 = vector.broadcast %mul3A_9 : i32 to vector<16xi32>
    %mul3A_11 = arith.muli %iota3A, %mul3A_10 : vector<16xi32>
    %scan3A_12 = arith.constant 0 : i32
    %scan3A_13 = arith.constant 0 : i32
    %scan3A_14 = arith.constant 2048 : i32
    %scan3A_15 = arith.addi %scan3A_13, %scan3A_14 : i32
    %scan3A_16 = arith.constant 1 : i32
    scf.for %scan3A_26 = %scan3A_13 to %scan3A_15 step %scan3A_16  : i32 {
      %mul3A_27 = arith.constant 16 : i32
      %mul3A_28 = arith.muli %scan3A_26, %mul3A_27 : i32
      %get3A = arith.index_cast %mul3A_28 : i32 to index
      %get3A_29 = tpu.vector_load %arg5[%get3A] {strides = array<i32>} : memref<32768xf32, #tpu.memory_space<vmem>>, vector<16xf32>,
      %mul3A_30 = arith.constant 1.280000e+02 : f32
      %mul3A_31 = vector.broadcast %mul3A_30 : f32 to vector<16xf32>
      %mul3A_32 = arith.mulf %get3A_29, %mul3A_31 : vector<16xf32>
      %convert_element_type3A_33 = arith.fptosi %mul3A_32 : vector<16xf32> to vector<16xi32>
      %add3A = arith.constant 4095 : i32
      %add3A_34 = vector.broadcast %add3A : i32 to vector<16xi32>
      %add3A_35 = arith.addi %convert_element_type3A_33, %add3A_34 : vector<16xi32>
      %jit3A = arith.constant 0 : i32
      %jit3A_36 = arith.constant 4095 : i32
      %max3A = vector.broadcast %jit3A : i32 to vector<16xi32>
      %max3A_37 = arith.maxsi %max3A, %add3A_35 : vector<16xi32>
      %min3A = vector.broadcast %jit3A_36 : i32 to vector<16xi32>
      %min3A_38 = arith.minsi %min3A, %max3A_37 : vector<16xi32>
      %add3A_39 = arith.addi %mul3A_11, %min3A_38 : vector<16xi32>
      tpu.vector_store_idx %arg6[%add3A_39], %broadcast_in_dim3A_2 {add = true} : memref<65536xi32, #tpu.memory_space<vmem>>[vector<16xi32>], vector<16xi32>,
    }
    %scan3A_17 = arith.constant 2048 : i32
    %scan3A_18 = arith.constant 0 : i32
    %scan3A_19 = arith.constant 0 : i32
    %scan3A_20 = arith.constant 256 : i32
    %scan3A_21 = arith.addi %scan3A_19, %scan3A_20 : i32
    %scan3A_22 = arith.constant 1 : i32
    scf.for %scan3A_26 = %scan3A_19 to %scan3A_21 step %scan3A_22  : i32 {
      %mul3A_27 = arith.constant 16 : i32
      %mul3A_28 = arith.muli %scan3A_26, %mul3A_27 : i32
      %get3A = arith.index_cast %mul3A_28 : i32 to index
      %get3A_29 = tpu.vector_load %arg6[%get3A] {strides = array<i32>} : memref<65536xi32, #tpu.memory_space<vmem>>, vector<16xi32>,
      %mul3A_30 = arith.constant 16 : i32
      %mul3A_31 = arith.muli %scan3A_26, %mul3A_30 : i32
      %add3A = arith.constant 4096 : i32
      %add3A_32 = arith.addi %add3A, %mul3A_31 : i32
      %get3A_33 = arith.index_cast %add3A_32 : i32 to index
      %get3A_34 = tpu.vector_load %arg6[%get3A_33] {strides = array<i32>} : memref<65536xi32, #tpu.memory_space<vmem>>, vector<16xi32>,
      %add3A_35 = arith.addi %get3A_29, %get3A_34 : vector<16xi32>
      %mul3A_36 = arith.constant 16 : i32
      %mul3A_37 = arith.muli %scan3A_26, %mul3A_36 : i32
      %add3A_38 = arith.constant 8192 : i32
      %add3A_39 = arith.addi %add3A_38, %mul3A_37 : i32
      %get3A_40 = arith.index_cast %add3A_39 : i32 to index
      %get3A_41 = tpu.vector_load %arg6[%get3A_40] {strides = array<i32>} : memref<65536xi32, #tpu.memory_space<vmem>>, vector<16xi32>,
      %add3A_42 = arith.addi %add3A_35, %get3A_41 : vector<16xi32>
      %mul3A_43 = arith.constant 16 : i32
      %mul3A_44 = arith.muli %scan3A_26, %mul3A_43 : i32
      %add3A_45 = arith.constant 12288 : i32
      %add3A_46 = arith.addi %add3A_45, %mul3A_44 : i32
      %get3A_47 = arith.index_cast %add3A_46 : i32 to index
      %get3A_48 = tpu.vector_load %arg6[%get3A_47] {strides = array<i32>} : memref<65536xi32, #tpu.memory_space<vmem>>, vector<16xi32>,
      %add3A_49 = arith.addi %add3A_42, %get3A_48 : vector<16xi32>
      %mul3A_50 = arith.constant 16 : i32
      %mul3A_51 = arith.muli %scan3A_26, %mul3A_50 : i32
      %add3A_52 = arith.constant 16384 : i32
      %add3A_53 = arith.addi %add3A_52, %mul3A_51 : i32
      %get3A_54 = arith.index_cast %add3A_53 : i32 to index
      %get3A_55 = tpu.vector_load %arg6[%get3A_54] {strides = array<i32>} : memref<65536xi32, #tpu.memory_space<vmem>>, vector<16xi32>,
      %add3A_56 = arith.addi %add3A_49, %get3A_55 : vector<16xi32>
      %mul3A_57 = arith.constant 16 : i32
      %mul3A_58 = arith.muli %scan3A_26, %mul3A_57 : i32
      %add3A_59 = arith.constant 20480 : i32
      %add3A_60 = arith.addi %add3A_59, %mul3A_58 : i32
      %get3A_61 = arith.index_cast %add3A_60 : i32 to index
      %get3A_62 = tpu.vector_load %arg6[%get3A_61] {strides = array<i32>} : memref<65536xi32, #tpu.memory_space<vmem>>, vector<16xi32>,
      %add3A_63 = arith.addi %add3A_56, %get3A_62 : vector<16xi32>
      %mul3A_64 = arith.constant 16 : i32
      %mul3A_65 = arith.muli %scan3A_26, %mul3A_64 : i32
      %add3A_66 = arith.constant 24576 : i32
      %add3A_67 = arith.addi %add3A_66, %mul3A_65 : i32
      %get3A_68 = arith.index_cast %add3A_67 : i32 to index
      %get3A_69 = tpu.vector_load %arg6[%get3A_68] {strides = array<i32>} : memref<65536xi32, #tpu.memory_space<vmem>>, vector<16xi32>,
      %add3A_70 = arith.addi %add3A_63, %get3A_69 : vector<16xi32>
      %mul3A_71 = arith.constant 16 : i32
      %mul3A_72 = arith.muli %scan3A_26, %mul3A_71 : i32
      %add3A_73 = arith.constant 28672 : i32
      %add3A_74 = arith.addi %add3A_73, %mul3A_72 : i32
      %get3A_75 = arith.index_cast %add3A_74 : i32 to index
      %get3A_76 = tpu.vector_load %arg6[%get3A_75] {strides = array<i32>} : memref<65536xi32, #tpu.memory_space<vmem>>, vector<16xi32>,
      %add3A_77 = arith.addi %add3A_70, %get3A_76 : vector<16xi32>
      %mul3A_78 = arith.constant 16 : i32
      %mul3A_79 = arith.muli %scan3A_26, %mul3A_78 : i32
      %add3A_80 = arith.constant 32768 : i32
      %add3A_81 = arith.addi %add3A_80, %mul3A_79 : i32
      %get3A_82 = arith.index_cast %add3A_81 : i32 to index
      %get3A_83 = tpu.vector_load %arg6[%get3A_82] {strides = array<i32>} : memref<65536xi32, #tpu.memory_space<vmem>>, vector<16xi32>,
      %add3A_84 = arith.addi %add3A_77, %get3A_83 : vector<16xi32>
      %mul3A_85 = arith.constant 16 : i32
      %mul3A_86 = arith.muli %scan3A_26, %mul3A_85 : i32
      %add3A_87 = arith.constant 36864 : i32
      %add3A_88 = arith.addi %add3A_87, %mul3A_86 : i32
      %get3A_89 = arith.index_cast %add3A_88 : i32 to index
      %get3A_90 = tpu.vector_load %arg6[%get3A_89] {strides = array<i32>} : memref<65536xi32, #tpu.memory_space<vmem>>, vector<16xi32>,
      %add3A_91 = arith.addi %add3A_84, %get3A_90 : vector<16xi32>
      %mul3A_92 = arith.constant 16 : i32
      %mul3A_93 = arith.muli %scan3A_26, %mul3A_92 : i32
      %add3A_94 = arith.constant 40960 : i32
      %add3A_95 = arith.addi %add3A_94, %mul3A_93 : i32
      %get3A_96 = arith.index_cast %add3A_95 : i32 to index
      %get3A_97 = tpu.vector_load %arg6[%get3A_96] {strides = array<i32>} : memref<65536xi32, #tpu.memory_space<vmem>>, vector<16xi32>,
      %add3A_98 = arith.addi %add3A_91, %get3A_97 : vector<16xi32>
      %mul3A_99 = arith.constant 16 : i32
      %mul3A_100 = arith.muli %scan3A_26, %mul3A_99 : i32
      %add3A_101 = arith.constant 45056 : i32
      %add3A_102 = arith.addi %add3A_101, %mul3A_100 : i32
      %get3A_103 = arith.index_cast %add3A_102 : i32 to index
      %get3A_104 = tpu.vector_load %arg6[%get3A_103] {strides = array<i32>} : memref<65536xi32, #tpu.memory_space<vmem>>, vector<16xi32>,
      %add3A_105 = arith.addi %add3A_98, %get3A_104 : vector<16xi32>
      %mul3A_106 = arith.constant 16 : i32
      %mul3A_107 = arith.muli %scan3A_26, %mul3A_106 : i32
      %add3A_108 = arith.constant 49152 : i32
      %add3A_109 = arith.addi %add3A_108, %mul3A_107 : i32
      %get3A_110 = arith.index_cast %add3A_109 : i32 to index
      %get3A_111 = tpu.vector_load %arg6[%get3A_110] {strides = array<i32>} : memref<65536xi32, #tpu.memory_space<vmem>>, vector<16xi32>,
      %add3A_112 = arith.addi %add3A_105, %get3A_111 : vector<16xi32>
      %mul3A_113 = arith.constant 16 : i32
      %mul3A_114 = arith.muli %scan3A_26, %mul3A_113 : i32
      %add3A_115 = arith.constant 53248 : i32
      %add3A_116 = arith.addi %add3A_115, %mul3A_114 : i32
      %get3A_117 = arith.index_cast %add3A_116 : i32 to index
      %get3A_118 = tpu.vector_load %arg6[%get3A_117] {strides = array<i32>} : memref<65536xi32, #tpu.memory_space<vmem>>, vector<16xi32>,
      %add3A_119 = arith.addi %add3A_112, %get3A_118 : vector<16xi32>
      %mul3A_120 = arith.constant 16 : i32
      %mul3A_121 = arith.muli %scan3A_26, %mul3A_120 : i32
      %add3A_122 = arith.constant 57344 : i32
      %add3A_123 = arith.addi %add3A_122, %mul3A_121 : i32
      %get3A_124 = arith.index_cast %add3A_123 : i32 to index
      %get3A_125 = tpu.vector_load %arg6[%get3A_124] {strides = array<i32>} : memref<65536xi32, #tpu.memory_space<vmem>>, vector<16xi32>,
      %add3A_126 = arith.addi %add3A_119, %get3A_125 : vector<16xi32>
      %mul3A_127 = arith.constant 16 : i32
      %mul3A_128 = arith.muli %scan3A_26, %mul3A_127 : i32
      %add3A_129 = arith.constant 61440 : i32
      %add3A_130 = arith.addi %add3A_129, %mul3A_128 : i32
      %get3A_131 = arith.index_cast %add3A_130 : i32 to index
      %get3A_132 = tpu.vector_load %arg6[%get3A_131] {strides = array<i32>} : memref<65536xi32, #tpu.memory_space<vmem>>, vector<16xi32>,
      %add3A_133 = arith.addi %add3A_126, %get3A_132 : vector<16xi32>
      %mul3A_134 = arith.constant 16 : i32
      %mul3A_135 = arith.muli %scan3A_26, %mul3A_134 : i32
      %swap3A = arith.index_cast %mul3A_135 : i32 to index
      %swap3A_136 = tpu.vector_load %arg7[%swap3A] {strides = array<i32>} : memref<4096xi32, #tpu.memory_space<vmem>>, vector<16xi32>,
      tpu.vector_store %arg7[%swap3A], %add3A_133 {strides = array<i32>} : memref<4096xi32, #tpu.memory_space<vmem>>, vector<16xi32>,
    }
    %scan3A_23 = arith.constant 256 : i32
    "tpu.region"() ({
      %run_scoped3A = tpu.sem_alloc : memref<!tpu.dma_semaphore, #tpu.memory_space<semaphore_mem>>
      %dma_start3A = arith.constant 0 : i32
      %dma_start3A_26 = tpu.memref_slice %arg13[%arg1, %dma_start3A] : memref<16x4096xi32, #tpu.memory_space<vmem_shared>> -> memref<1x4096xi32, #tpu.memory_space<vmem_shared>>
      %dma_start3A_27 = tpu.memref_squeeze %dma_start3A_26 : memref<1x4096xi32, #tpu.memory_space<vmem_shared>> -> memref<4096xi32, #tpu.memory_space<vmem_shared>>
      %dma_start3A_28 = arith.constant 0 : i32
      %dma_start3A_29 = tpu.memref_slice %arg13[%arg1, %dma_start3A_28] : memref<16x4096xi32, #tpu.memory_space<vmem_shared>> -> memref<1x4096xi32, #tpu.memory_space<vmem_shared>>
      %dma_start3A_30 = tpu.memref_squeeze %dma_start3A_29 : memref<1x4096xi32, #tpu.memory_space<vmem_shared>> -> memref<4096xi32, #tpu.memory_space<vmem_shared>>
      tpu.enqueue_dma source(%arg7 : memref<4096xi32, #tpu.memory_space<vmem>>) target(%dma_start3A_30 : memref<4096xi32, #tpu.memory_space<vmem_shared>>) target_semaphore(%run_scoped3A : memref<!tpu.dma_semaphore, #tpu.memory_space<semaphore_mem>>)
      %dma_wait3A = arith.constant 0 : i32
      %dma_wait3A_31 = tpu.memref_slice %arg13[%arg1, %dma_wait3A] : memref<16x4096xi32, #tpu.memory_space<vmem_shared>> -> memref<1x4096xi32, #tpu.memory_space<vmem_shared>>
      %dma_wait3A_32 = tpu.memref_squeeze %dma_wait3A_31 : memref<1x4096xi32, #tpu.memory_space<vmem_shared>> -> memref<4096xi32, #tpu.memory_space<vmem_shared>>
      %dma_wait3A_33 = arith.constant 0 : i32
      %dma_wait3A_34 = tpu.memref_slice %arg13[%arg1, %dma_wait3A_33] : memref<16x4096xi32, #tpu.memory_space<vmem_shared>> -> memref<1x4096xi32, #tpu.memory_space<vmem_shared>>
      %dma_wait3A_35 = tpu.memref_squeeze %dma_wait3A_34 : memref<1x4096xi32, #tpu.memory_space<vmem_shared>> -> memref<4096xi32, #tpu.memory_space<vmem_shared>>
      tpu.wait_dma2 semaphore(%run_scoped3A : memref<!tpu.dma_semaphore, #tpu.memory_space<semaphore_mem>>) src(%arg7 : memref<4096xi32, #tpu.memory_space<vmem>>) dst(%dma_wait3A_35 : memref<4096xi32, #tpu.memory_space<vmem_shared>>)
      tpu.yield
    }) : () -> ()
    %barrier3A = arith.constant 0 : index
    tpu.barrier barrier_id(%barrier3A)
    %eq3A = arith.constant 0 : i32
    %eq3A_24 = arith.cmpi eq, %arg1, %eq3A : i32
    %convert_element_type3A = arith.extui %eq3A_24 : i1 to i32
    %cond3A = arith.constant 0 : i32
    %cond3A_25 = arith.cmpi ne, %convert_element_type3A, %cond3A : i32
    scf.if %cond3A_25 {
      %run_scoped3A = arith.constant 0 : i32
      "tpu.region"() ({
        %run_scoped3A_288 = tpu.sem_alloc : memref<!tpu.dma_semaphore, #tpu.memory_space<semaphore_mem>>
        %dma_start3A = arith.constant 0 : i32
        %dma_start3A_289 = tpu.memref_slice %arg13[%run_scoped3A, %dma_start3A] : memref<16x4096xi32, #tpu.memory_space<vmem_shared>> -> memref<1x4096xi32, #tpu.memory_space<vmem_shared>>
        %dma_start3A_290 = tpu.memref_squeeze %dma_start3A_289 : memref<1x4096xi32, #tpu.memory_space<vmem_shared>> -> memref<4096xi32, #tpu.memory_space<vmem_shared>>
        %dma_start3A_291 = arith.constant 0 : i32
        %dma_start3A_292 = tpu.memref_slice %arg13[%run_scoped3A, %dma_start3A_291] : memref<16x4096xi32, #tpu.memory_space<vmem_shared>> -> memref<1x4096xi32, #tpu.memory_space<vmem_shared>>
        %dma_start3A_293 = tpu.memref_squeeze %dma_start3A_292 : memref<1x4096xi32, #tpu.memory_space<vmem_shared>> -> memref<4096xi32, #tpu.memory_space<vmem_shared>>
        tpu.enqueue_dma source(%dma_start3A_293 : memref<4096xi32, #tpu.memory_space<vmem_shared>>) target(%arg8 : memref<4096xi32, #tpu.memory_space<vmem>>) target_semaphore(%run_scoped3A_288 : memref<!tpu.dma_semaphore, #tpu.memory_space<semaphore_mem>>)
        %dma_wait3A = arith.constant 0 : i32
        %dma_wait3A_294 = tpu.memref_slice %arg13[%run_scoped3A, %dma_wait3A] : memref<16x4096xi32, #tpu.memory_space<vmem_shared>> -> memref<1x4096xi32, #tpu.memory_space<vmem_shared>>
        %dma_wait3A_295 = tpu.memref_squeeze %dma_wait3A_294 : memref<1x4096xi32, #tpu.memory_space<vmem_shared>> -> memref<4096xi32, #tpu.memory_space<vmem_shared>>
        %dma_wait3A_296 = arith.constant 0 : i32
        %dma_wait3A_297 = tpu.memref_slice %arg13[%run_scoped3A, %dma_wait3A_296] : memref<16x4096xi32, #tpu.memory_space<vmem_shared>> -> memref<1x4096xi32, #tpu.memory_space<vmem_shared>>
        %dma_wait3A_298 = tpu.memref_squeeze %dma_wait3A_297 : memref<1x4096xi32, #tpu.memory_space<vmem_shared>> -> memref<4096xi32, #tpu.memory_space<vmem_shared>>
        tpu.wait_dma2 semaphore(%run_scoped3A_288 : memref<!tpu.dma_semaphore, #tpu.memory_space<semaphore_mem>>) src(%dma_wait3A_298 : memref<4096xi32, #tpu.memory_space<vmem_shared>>) dst(%arg8 : memref<4096xi32, #tpu.memory_space<vmem>>)
        tpu.yield
      }) : () -> ()
      %run_scoped3A_26 = arith.constant 1 : i32
      "tpu.region"() ({
        %run_scoped3A_288 = tpu.sem_alloc : memref<!tpu.dma_semaphore, #tpu.memory_space<semaphore_mem>>
        %dma_start3A = arith.constant 0 : i32
        %dma_start3A_289 = tpu.memref_slice %arg13[%run_scoped3A_26, %dma_start3A] : memref<16x4096xi32, #tpu.memory_space<vmem_shared>> -> memref<1x4096xi32, #tpu.memory_space<vmem_shared>>
        %dma_start3A_290 = tpu.memref_squeeze %dma_start3A_289 : memref<1x4096xi32, #tpu.memory_space<vmem_shared>> -> memref<4096xi32, #tpu.memory_space<vmem_shared>>
        %dma_start3A_291 = arith.constant 0 : i32
        %dma_start3A_292 = tpu.memref_slice %arg13[%run_scoped3A_26, %dma_start3A_291] : memref<16x4096xi32, #tpu.memory_space<vmem_shared>> -> memref<1x4096xi32, #tpu.memory_space<vmem_shared>>
        %dma_start3A_293 = tpu.memref_squeeze %dma_start3A_292 : memref<1x4096xi32, #tpu.memory_space<vmem_shared>> -> memref<4096xi32, #tpu.memory_space<vmem_shared>>
        tpu.enqueue_dma source(%dma_start3A_293 : memref<4096xi32, #tpu.memory_space<vmem_shared>>) target(%arg10 : memref<4096xi32, #tpu.memory_space<vmem>>) target_semaphore(%run_scoped3A_288 : memref<!tpu.dma_semaphore, #tpu.memory_space<semaphore_mem>>)
        %dma_wait3A = arith.constant 0 : i32
        %dma_wait3A_294 = tpu.memref_slice %arg13[%run_scoped3A_26, %dma_wait3A] : memref<16x4096xi32, #tpu.memory_space<vmem_shared>> -> memref<1x4096xi32, #tpu.memory_space<vmem_shared>>
        %dma_wait3A_295 = tpu.memref_squeeze %dma_wait3A_294 : memref<1x4096xi32, #tpu.memory_space<vmem_shared>> -> memref<4096xi32, #tpu.memory_space<vmem_shared>>
        %dma_wait3A_296 = arith.constant 0 : i32
        %dma_wait3A_297 = tpu.memref_slice %arg13[%run_scoped3A_26, %dma_wait3A_296] : memref<16x4096xi32, #tpu.memory_space<vmem_shared>> -> memref<1x4096xi32, #tpu.memory_space<vmem_shared>>
        %dma_wait3A_298 = tpu.memref_squeeze %dma_wait3A_297 : memref<1x4096xi32, #tpu.memory_space<vmem_shared>> -> memref<4096xi32, #tpu.memory_space<vmem_shared>>
        tpu.wait_dma2 semaphore(%run_scoped3A_288 : memref<!tpu.dma_semaphore, #tpu.memory_space<semaphore_mem>>) src(%dma_wait3A_298 : memref<4096xi32, #tpu.memory_space<vmem_shared>>) dst(%arg10 : memref<4096xi32, #tpu.memory_space<vmem>>)
        tpu.yield
      }) : () -> ()
      %scan3A_27 = arith.constant 0 : i32
      %scan3A_28 = arith.constant 0 : i32
      %scan3A_29 = arith.constant 256 : i32
      %scan3A_30 = arith.addi %scan3A_28, %scan3A_29 : i32
      %scan3A_31 = arith.constant 1 : i32
      scf.for %scan3A_288 = %scan3A_28 to %scan3A_30 step %scan3A_31  : i32 {
        %mul3A_289 = arith.constant 16 : i32
        %mul3A_290 = arith.muli %scan3A_288, %mul3A_289 : i32
        %get3A = arith.index_cast %mul3A_290 : i32 to index
        %get3A_291 = tpu.vector_load %arg8[%get3A] {strides = array<i32>} : memref<4096xi32, #tpu.memory_space<vmem>>, vector<16xi32>,
        %mul3A_292 = arith.constant 16 : i32
        %mul3A_293 = arith.muli %scan3A_288, %mul3A_292 : i32
        %get3A_294 = arith.index_cast %mul3A_293 : i32 to index
        %get3A_295 = tpu.vector_load %arg10[%get3A_294] {strides = array<i32>} : memref<4096xi32, #tpu.memory_space<vmem>>, vector<16xi32>,
        %add3A_296 = arith.addi %get3A_291, %get3A_295 : vector<16xi32>
        %swap3A_297 = arith.index_cast %mul3A_290 : i32 to index
        %swap3A_298 = tpu.vector_load %arg8[%swap3A_297] {strides = array<i32>} : memref<4096xi32, #tpu.memory_space<vmem>>, vector<16xi32>,
        tpu.vector_store %arg8[%swap3A_297], %add3A_296 {strides = array<i32>} : memref<4096xi32, #tpu.memory_space<vmem>>, vector<16xi32>,
      }
      %scan3A_32 = arith.constant 256 : i32
      %run_scoped3A_33 = arith.constant 2 : i32
      "tpu.region"() ({
        %run_scoped3A_288 = tpu.sem_alloc : memref<!tpu.dma_semaphore, #tpu.memory_space<semaphore_mem>>
        %dma_start3A = arith.constant 0 : i32
        %dma_start3A_289 = tpu.memref_slice %arg13[%run_scoped3A_33, %dma_start3A] : memref<16x4096xi32, #tpu.memory_space<vmem_shared>> -> memref<1x4096xi32, #tpu.memory_space<vmem_shared>>
        %dma_start3A_290 = tpu.memref_squeeze %dma_start3A_289 : memref<1x4096xi32, #tpu.memory_space<vmem_shared>> -> memref<4096xi32, #tpu.memory_space<vmem_shared>>
        %dma_start3A_291 = arith.constant 0 : i32
        %dma_start3A_292 = tpu.memref_slice %arg13[%run_scoped3A_33, %dma_start3A_291] : memref<16x4096xi32, #tpu.memory_space<vmem_shared>> -> memref<1x4096xi32, #tpu.memory_space<vmem_shared>>
        %dma_start3A_293 = tpu.memref_squeeze %dma_start3A_292 : memref<1x4096xi32, #tpu.memory_space<vmem_shared>> -> memref<4096xi32, #tpu.memory_space<vmem_shared>>
        tpu.enqueue_dma source(%dma_start3A_293 : memref<4096xi32, #tpu.memory_space<vmem_shared>>) target(%arg10 : memref<4096xi32, #tpu.memory_space<vmem>>) target_semaphore(%run_scoped3A_288 : memref<!tpu.dma_semaphore, #tpu.memory_space<semaphore_mem>>)
        %dma_wait3A = arith.constant 0 : i32
        %dma_wait3A_294 = tpu.memref_slice %arg13[%run_scoped3A_33, %dma_wait3A] : memref<16x4096xi32, #tpu.memory_space<vmem_shared>> -> memref<1x4096xi32, #tpu.memory_space<vmem_shared>>
        %dma_wait3A_295 = tpu.memref_squeeze %dma_wait3A_294 : memref<1x4096xi32, #tpu.memory_space<vmem_shared>> -> memref<4096xi32, #tpu.memory_space<vmem_shared>>
        %dma_wait3A_296 = arith.constant 0 : i32
        %dma_wait3A_297 = tpu.memref_slice %arg13[%run_scoped3A_33, %dma_wait3A_296] : memref<16x4096xi32, #tpu.memory_space<vmem_shared>> -> memref<1x4096xi32, #tpu.memory_space<vmem_shared>>
        %dma_wait3A_298 = tpu.memref_squeeze %dma_wait3A_297 : memref<1x4096xi32, #tpu.memory_space<vmem_shared>> -> memref<4096xi32, #tpu.memory_space<vmem_shared>>
        tpu.wait_dma2 semaphore(%run_scoped3A_288 : memref<!tpu.dma_semaphore, #tpu.memory_space<semaphore_mem>>) src(%dma_wait3A_298 : memref<4096xi32, #tpu.memory_space<vmem_shared>>) dst(%arg10 : memref<4096xi32, #tpu.memory_space<vmem>>)
        tpu.yield
      }) : () -> ()
      %scan3A_34 = arith.constant 0 : i32
      %scan3A_35 = arith.constant 0 : i32
      %scan3A_36 = arith.constant 256 : i32
      %scan3A_37 = arith.addi %scan3A_35, %scan3A_36 : i32
      %scan3A_38 = arith.constant 1 : i32
      scf.for %scan3A_288 = %scan3A_35 to %scan3A_37 step %scan3A_38  : i32 {
        %mul3A_289 = arith.constant 16 : i32
        %mul3A_290 = arith.muli %scan3A_288, %mul3A_289 : i32
        %get3A = arith.index_cast %mul3A_290 : i32 to index
        %get3A_291 = tpu.vector_load %arg8[%get3A] {strides = array<i32>} : memref<4096xi32, #tpu.memory_space<vmem>>, vector<16xi32>,
        %mul3A_292 = arith.constant 16 : i32
        %mul3A_293 = arith.muli %scan3A_288, %mul3A_292 : i32
        %get3A_294 = arith.index_cast %mul3A_293 : i32 to index
        %get3A_295 = tpu.vector_load %arg10[%get3A_294] {strides = array<i32>} : memref<4096xi32, #tpu.memory_space<vmem>>, vector<16xi32>,
        %add3A_296 = arith.addi %get3A_291, %get3A_295 : vector<16xi32>
        %swap3A_297 = arith.index_cast %mul3A_290 : i32 to index
        %swap3A_298 = tpu.vector_load %arg8[%swap3A_297] {strides = array<i32>} : memref<4096xi32, #tpu.memory_space<vmem>>, vector<16xi32>,
        tpu.vector_store %arg8[%swap3A_297], %add3A_296 {strides = array<i32>} : memref<4096xi32, #tpu.memory_space<vmem>>, vector<16xi32>,
      }
      %scan3A_39 = arith.constant 256 : i32
      %run_scoped3A_40 = arith.constant 3 : i32
      "tpu.region"() ({
        %run_scoped3A_288 = tpu.sem_alloc : memref<!tpu.dma_semaphore, #tpu.memory_space<semaphore_mem>>
        %dma_start3A = arith.constant 0 : i32
        %dma_start3A_289 = tpu.memref_slice %arg13[%run_scoped3A_40, %dma_start3A] : memref<16x4096xi32, #tpu.memory_space<vmem_shared>> -> memref<1x4096xi32, #tpu.memory_space<vmem_shared>>
        %dma_start3A_290 = tpu.memref_squeeze %dma_start3A_289 : memref<1x4096xi32, #tpu.memory_space<vmem_shared>> -> memref<4096xi32, #tpu.memory_space<vmem_shared>>
        %dma_start3A_291 = arith.constant 0 : i32
        %dma_start3A_292 = tpu.memref_slice %arg13[%run_scoped3A_40, %dma_start3A_291] : memref<16x4096xi32, #tpu.memory_space<vmem_shared>> -> memref<1x4096xi32, #tpu.memory_space<vmem_shared>>
        %dma_start3A_293 = tpu.memref_squeeze %dma_start3A_292 : memref<1x4096xi32, #tpu.memory_space<vmem_shared>> -> memref<4096xi32, #tpu.memory_space<vmem_shared>>
        tpu.enqueue_dma source(%dma_start3A_293 : memref<4096xi32, #tpu.memory_space<vmem_shared>>) target(%arg10 : memref<4096xi32, #tpu.memory_space<vmem>>) target_semaphore(%run_scoped3A_288 : memref<!tpu.dma_semaphore, #tpu.memory_space<semaphore_mem>>)
        %dma_wait3A = arith.constant 0 : i32
        %dma_wait3A_294 = tpu.memref_slice %arg13[%run_scoped3A_40, %dma_wait3A] : memref<16x4096xi32, #tpu.memory_space<vmem_shared>> -> memref<1x4096xi32, #tpu.memory_space<vmem_shared>>
        %dma_wait3A_295 = tpu.memref_squeeze %dma_wait3A_294 : memref<1x4096xi32, #tpu.memory_space<vmem_shared>> -> memref<4096xi32, #tpu.memory_space<vmem_shared>>
        %dma_wait3A_296 = arith.constant 0 : i32
        %dma_wait3A_297 = tpu.memref_slice %arg13[%run_scoped3A_40, %dma_wait3A_296] : memref<16x4096xi32, #tpu.memory_space<vmem_shared>> -> memref<1x4096xi32, #tpu.memory_space<vmem_shared>>
        %dma_wait3A_298 = tpu.memref_squeeze %dma_wait3A_297 : memref<1x4096xi32, #tpu.memory_space<vmem_shared>> -> memref<4096xi32, #tpu.memory_space<vmem_shared>>
        tpu.wait_dma2 semaphore(%run_scoped3A_288 : memref<!tpu.dma_semaphore, #tpu.memory_space<semaphore_mem>>) src(%dma_wait3A_298 : memref<4096xi32, #tpu.memory_space<vmem_shared>>) dst(%arg10 : memref<4096xi32, #tpu.memory_space<vmem>>)
        tpu.yield
      }) : () -> ()
      %scan3A_41 = arith.constant 0 : i32
      %scan3A_42 = arith.constant 0 : i32
      %scan3A_43 = arith.constant 256 : i32
      %scan3A_44 = arith.addi %scan3A_42, %scan3A_43 : i32
      %scan3A_45 = arith.constant 1 : i32
      scf.for %scan3A_288 = %scan3A_42 to %scan3A_44 step %scan3A_45  : i32 {
        %mul3A_289 = arith.constant 16 : i32
        %mul3A_290 = arith.muli %scan3A_288, %mul3A_289 : i32
        %get3A = arith.index_cast %mul3A_290 : i32 to index
        %get3A_291 = tpu.vector_load %arg8[%get3A] {strides = array<i32>} : memref<4096xi32, #tpu.memory_space<vmem>>, vector<16xi32>,
        %mul3A_292 = arith.constant 16 : i32
        %mul3A_293 = arith.muli %scan3A_288, %mul3A_292 : i32
        %get3A_294 = arith.index_cast %mul3A_293 : i32 to index
        %get3A_295 = tpu.vector_load %arg10[%get3A_294] {strides = array<i32>} : memref<4096xi32, #tpu.memory_space<vmem>>, vector<16xi32>,
        %add3A_296 = arith.addi %get3A_291, %get3A_295 : vector<16xi32>
        %swap3A_297 = arith.index_cast %mul3A_290 : i32 to index
        %swap3A_298 = tpu.vector_load %arg8[%swap3A_297] {strides = array<i32>} : memref<4096xi32, #tpu.memory_space<vmem>>, vector<16xi32>,
        tpu.vector_store %arg8[%swap3A_297], %add3A_296 {strides = array<i32>} : memref<4096xi32, #tpu.memory_space<vmem>>, vector<16xi32>,
      }
      %scan3A_46 = arith.constant 256 : i32
      %run_scoped3A_47 = arith.constant 4 : i32
      "tpu.region"() ({
        %run_scoped3A_288 = tpu.sem_alloc : memref<!tpu.dma_semaphore, #tpu.memory_space<semaphore_mem>>
        %dma_start3A = arith.constant 0 : i32
        %dma_start3A_289 = tpu.memref_slice %arg13[%run_scoped3A_47, %dma_start3A] : memref<16x4096xi32, #tpu.memory_space<vmem_shared>> -> memref<1x4096xi32, #tpu.memory_space<vmem_shared>>
        %dma_start3A_290 = tpu.memref_squeeze %dma_start3A_289 : memref<1x4096xi32, #tpu.memory_space<vmem_shared>> -> memref<4096xi32, #tpu.memory_space<vmem_shared>>
        %dma_start3A_291 = arith.constant 0 : i32
        %dma_start3A_292 = tpu.memref_slice %arg13[%run_scoped3A_47, %dma_start3A_291] : memref<16x4096xi32, #tpu.memory_space<vmem_shared>> -> memref<1x4096xi32, #tpu.memory_space<vmem_shared>>
        %dma_start3A_293 = tpu.memref_squeeze %dma_start3A_292 : memref<1x4096xi32, #tpu.memory_space<vmem_shared>> -> memref<4096xi32, #tpu.memory_space<vmem_shared>>
        tpu.enqueue_dma source(%dma_start3A_293 : memref<4096xi32, #tpu.memory_space<vmem_shared>>) target(%arg10 : memref<4096xi32, #tpu.memory_space<vmem>>) target_semaphore(%run_scoped3A_288 : memref<!tpu.dma_semaphore, #tpu.memory_space<semaphore_mem>>)
        %dma_wait3A = arith.constant 0 : i32
        %dma_wait3A_294 = tpu.memref_slice %arg13[%run_scoped3A_47, %dma_wait3A] : memref<16x4096xi32, #tpu.memory_space<vmem_shared>> -> memref<1x4096xi32, #tpu.memory_space<vmem_shared>>
        %dma_wait3A_295 = tpu.memref_squeeze %dma_wait3A_294 : memref<1x4096xi32, #tpu.memory_space<vmem_shared>> -> memref<4096xi32, #tpu.memory_space<vmem_shared>>
        %dma_wait3A_296 = arith.constant 0 : i32
        %dma_wait3A_297 = tpu.memref_slice %arg13[%run_scoped3A_47, %dma_wait3A_296] : memref<16x4096xi32, #tpu.memory_space<vmem_shared>> -> memref<1x4096xi32, #tpu.memory_space<vmem_shared>>
        %dma_wait3A_298 = tpu.memref_squeeze %dma_wait3A_297 : memref<1x4096xi32, #tpu.memory_space<vmem_shared>> -> memref<4096xi32, #tpu.memory_space<vmem_shared>>
        tpu.wait_dma2 semaphore(%run_scoped3A_288 : memref<!tpu.dma_semaphore, #tpu.memory_space<semaphore_mem>>) src(%dma_wait3A_298 : memref<4096xi32, #tpu.memory_space<vmem_shared>>) dst(%arg10 : memref<4096xi32, #tpu.memory_space<vmem>>)
        tpu.yield
      }) : () -> ()
      %scan3A_48 = arith.constant 0 : i32
      %scan3A_49 = arith.constant 0 : i32
      %scan3A_50 = arith.constant 256 : i32
      %scan3A_51 = arith.addi %scan3A_49, %scan3A_50 : i32
      %scan3A_52 = arith.constant 1 : i32
      scf.for %scan3A_288 = %scan3A_49 to %scan3A_51 step %scan3A_52  : i32 {
        %mul3A_289 = arith.constant 16 : i32
        %mul3A_290 = arith.muli %scan3A_288, %mul3A_289 : i32
        %get3A = arith.index_cast %mul3A_290 : i32 to index
        %get3A_291 = tpu.vector_load %arg8[%get3A] {strides = array<i32>} : memref<4096xi32, #tpu.memory_space<vmem>>, vector<16xi32>,
        %mul3A_292 = arith.constant 16 : i32
        %mul3A_293 = arith.muli %scan3A_288, %mul3A_292 : i32
        %get3A_294 = arith.index_cast %mul3A_293 : i32 to index
        %get3A_295 = tpu.vector_load %arg10[%get3A_294] {strides = array<i32>} : memref<4096xi32, #tpu.memory_space<vmem>>, vector<16xi32>,
        %add3A_296 = arith.addi %get3A_291, %get3A_295 : vector<16xi32>
        %swap3A_297 = arith.index_cast %mul3A_290 : i32 to index
        %swap3A_298 = tpu.vector_load %arg8[%swap3A_297] {strides = array<i32>} : memref<4096xi32, #tpu.memory_space<vmem>>, vector<16xi32>,
        tpu.vector_store %arg8[%swap3A_297], %add3A_296 {strides = array<i32>} : memref<4096xi32, #tpu.memory_space<vmem>>, vector<16xi32>,
      }
      %scan3A_53 = arith.constant 256 : i32
      %run_scoped3A_54 = arith.constant 5 : i32
      "tpu.region"() ({
        %run_scoped3A_288 = tpu.sem_alloc : memref<!tpu.dma_semaphore, #tpu.memory_space<semaphore_mem>>
        %dma_start3A = arith.constant 0 : i32
        %dma_start3A_289 = tpu.memref_slice %arg13[%run_scoped3A_54, %dma_start3A] : memref<16x4096xi32, #tpu.memory_space<vmem_shared>> -> memref<1x4096xi32, #tpu.memory_space<vmem_shared>>
        %dma_start3A_290 = tpu.memref_squeeze %dma_start3A_289 : memref<1x4096xi32, #tpu.memory_space<vmem_shared>> -> memref<4096xi32, #tpu.memory_space<vmem_shared>>
        %dma_start3A_291 = arith.constant 0 : i32
        %dma_start3A_292 = tpu.memref_slice %arg13[%run_scoped3A_54, %dma_start3A_291] : memref<16x4096xi32, #tpu.memory_space<vmem_shared>> -> memref<1x4096xi32, #tpu.memory_space<vmem_shared>>
        %dma_start3A_293 = tpu.memref_squeeze %dma_start3A_292 : memref<1x4096xi32, #tpu.memory_space<vmem_shared>> -> memref<4096xi32, #tpu.memory_space<vmem_shared>>
        tpu.enqueue_dma source(%dma_start3A_293 : memref<4096xi32, #tpu.memory_space<vmem_shared>>) target(%arg10 : memref<4096xi32, #tpu.memory_space<vmem>>) target_semaphore(%run_scoped3A_288 : memref<!tpu.dma_semaphore, #tpu.memory_space<semaphore_mem>>)
        %dma_wait3A = arith.constant 0 : i32
        %dma_wait3A_294 = tpu.memref_slice %arg13[%run_scoped3A_54, %dma_wait3A] : memref<16x4096xi32, #tpu.memory_space<vmem_shared>> -> memref<1x4096xi32, #tpu.memory_space<vmem_shared>>
        %dma_wait3A_295 = tpu.memref_squeeze %dma_wait3A_294 : memref<1x4096xi32, #tpu.memory_space<vmem_shared>> -> memref<4096xi32, #tpu.memory_space<vmem_shared>>
        %dma_wait3A_296 = arith.constant 0 : i32
        %dma_wait3A_297 = tpu.memref_slice %arg13[%run_scoped3A_54, %dma_wait3A_296] : memref<16x4096xi32, #tpu.memory_space<vmem_shared>> -> memref<1x4096xi32, #tpu.memory_space<vmem_shared>>
        %dma_wait3A_298 = tpu.memref_squeeze %dma_wait3A_297 : memref<1x4096xi32, #tpu.memory_space<vmem_shared>> -> memref<4096xi32, #tpu.memory_space<vmem_shared>>
        tpu.wait_dma2 semaphore(%run_scoped3A_288 : memref<!tpu.dma_semaphore, #tpu.memory_space<semaphore_mem>>) src(%dma_wait3A_298 : memref<4096xi32, #tpu.memory_space<vmem_shared>>) dst(%arg10 : memref<4096xi32, #tpu.memory_space<vmem>>)
        tpu.yield
      }) : () -> ()
      %scan3A_55 = arith.constant 0 : i32
      %scan3A_56 = arith.constant 0 : i32
      %scan3A_57 = arith.constant 256 : i32
      %scan3A_58 = arith.addi %scan3A_56, %scan3A_57 : i32
      %scan3A_59 = arith.constant 1 : i32
      scf.for %scan3A_288 = %scan3A_56 to %scan3A_58 step %scan3A_59  : i32 {
        %mul3A_289 = arith.constant 16 : i32
        %mul3A_290 = arith.muli %scan3A_288, %mul3A_289 : i32
        %get3A = arith.index_cast %mul3A_290 : i32 to index
        %get3A_291 = tpu.vector_load %arg8[%get3A] {strides = array<i32>} : memref<4096xi32, #tpu.memory_space<vmem>>, vector<16xi32>,
        %mul3A_292 = arith.constant 16 : i32
        %mul3A_293 = arith.muli %scan3A_288, %mul3A_292 : i32
        %get3A_294 = arith.index_cast %mul3A_293 : i32 to index
        %get3A_295 = tpu.vector_load %arg10[%get3A_294] {strides = array<i32>} : memref<4096xi32, #tpu.memory_space<vmem>>, vector<16xi32>,
        %add3A_296 = arith.addi %get3A_291, %get3A_295 : vector<16xi32>
        %swap3A_297 = arith.index_cast %mul3A_290 : i32 to index
        %swap3A_298 = tpu.vector_load %arg8[%swap3A_297] {strides = array<i32>} : memref<4096xi32, #tpu.memory_space<vmem>>, vector<16xi32>,
        tpu.vector_store %arg8[%swap3A_297], %add3A_296 {strides = array<i32>} : memref<4096xi32, #tpu.memory_space<vmem>>, vector<16xi32>,
      }
      %scan3A_60 = arith.constant 256 : i32
      %run_scoped3A_61 = arith.constant 6 : i32
      "tpu.region"() ({
        %run_scoped3A_288 = tpu.sem_alloc : memref<!tpu.dma_semaphore, #tpu.memory_space<semaphore_mem>>
        %dma_start3A = arith.constant 0 : i32
        %dma_start3A_289 = tpu.memref_slice %arg13[%run_scoped3A_61, %dma_start3A] : memref<16x4096xi32, #tpu.memory_space<vmem_shared>> -> memref<1x4096xi32, #tpu.memory_space<vmem_shared>>
        %dma_start3A_290 = tpu.memref_squeeze %dma_start3A_289 : memref<1x4096xi32, #tpu.memory_space<vmem_shared>> -> memref<4096xi32, #tpu.memory_space<vmem_shared>>
        %dma_start3A_291 = arith.constant 0 : i32
        %dma_start3A_292 = tpu.memref_slice %arg13[%run_scoped3A_61, %dma_start3A_291] : memref<16x4096xi32, #tpu.memory_space<vmem_shared>> -> memref<1x4096xi32, #tpu.memory_space<vmem_shared>>
        %dma_start3A_293 = tpu.memref_squeeze %dma_start3A_292 : memref<1x4096xi32, #tpu.memory_space<vmem_shared>> -> memref<4096xi32, #tpu.memory_space<vmem_shared>>
        tpu.enqueue_dma source(%dma_start3A_293 : memref<4096xi32, #tpu.memory_space<vmem_shared>>) target(%arg10 : memref<4096xi32, #tpu.memory_space<vmem>>) target_semaphore(%run_scoped3A_288 : memref<!tpu.dma_semaphore, #tpu.memory_space<semaphore_mem>>)
        %dma_wait3A = arith.constant 0 : i32
        %dma_wait3A_294 = tpu.memref_slice %arg13[%run_scoped3A_61, %dma_wait3A] : memref<16x4096xi32, #tpu.memory_space<vmem_shared>> -> memref<1x4096xi32, #tpu.memory_space<vmem_shared>>
        %dma_wait3A_295 = tpu.memref_squeeze %dma_wait3A_294 : memref<1x4096xi32, #tpu.memory_space<vmem_shared>> -> memref<4096xi32, #tpu.memory_space<vmem_shared>>
        %dma_wait3A_296 = arith.constant 0 : i32
        %dma_wait3A_297 = tpu.memref_slice %arg13[%run_scoped3A_61, %dma_wait3A_296] : memref<16x4096xi32, #tpu.memory_space<vmem_shared>> -> memref<1x4096xi32, #tpu.memory_space<vmem_shared>>
        %dma_wait3A_298 = tpu.memref_squeeze %dma_wait3A_297 : memref<1x4096xi32, #tpu.memory_space<vmem_shared>> -> memref<4096xi32, #tpu.memory_space<vmem_shared>>
        tpu.wait_dma2 semaphore(%run_scoped3A_288 : memref<!tpu.dma_semaphore, #tpu.memory_space<semaphore_mem>>) src(%dma_wait3A_298 : memref<4096xi32, #tpu.memory_space<vmem_shared>>) dst(%arg10 : memref<4096xi32, #tpu.memory_space<vmem>>)
        tpu.yield
      }) : () -> ()
      %scan3A_62 = arith.constant 0 : i32
      %scan3A_63 = arith.constant 0 : i32
      %scan3A_64 = arith.constant 256 : i32
      %scan3A_65 = arith.addi %scan3A_63, %scan3A_64 : i32
      %scan3A_66 = arith.constant 1 : i32
      scf.for %scan3A_288 = %scan3A_63 to %scan3A_65 step %scan3A_66  : i32 {
        %mul3A_289 = arith.constant 16 : i32
        %mul3A_290 = arith.muli %scan3A_288, %mul3A_289 : i32
        %get3A = arith.index_cast %mul3A_290 : i32 to index
        %get3A_291 = tpu.vector_load %arg8[%get3A] {strides = array<i32>} : memref<4096xi32, #tpu.memory_space<vmem>>, vector<16xi32>,
        %mul3A_292 = arith.constant 16 : i32
        %mul3A_293 = arith.muli %scan3A_288, %mul3A_292 : i32
        %get3A_294 = arith.index_cast %mul3A_293 : i32 to index
        %get3A_295 = tpu.vector_load %arg10[%get3A_294] {strides = array<i32>} : memref<4096xi32, #tpu.memory_space<vmem>>, vector<16xi32>,
        %add3A_296 = arith.addi %get3A_291, %get3A_295 : vector<16xi32>
        %swap3A_297 = arith.index_cast %mul3A_290 : i32 to index
        %swap3A_298 = tpu.vector_load %arg8[%swap3A_297] {strides = array<i32>} : memref<4096xi32, #tpu.memory_space<vmem>>, vector<16xi32>,
        tpu.vector_store %arg8[%swap3A_297], %add3A_296 {strides = array<i32>} : memref<4096xi32, #tpu.memory_space<vmem>>, vector<16xi32>,
      }
      %scan3A_67 = arith.constant 256 : i32
      %run_scoped3A_68 = arith.constant 7 : i32
      "tpu.region"() ({
        %run_scoped3A_288 = tpu.sem_alloc : memref<!tpu.dma_semaphore, #tpu.memory_space<semaphore_mem>>
        %dma_start3A = arith.constant 0 : i32
        %dma_start3A_289 = tpu.memref_slice %arg13[%run_scoped3A_68, %dma_start3A] : memref<16x4096xi32, #tpu.memory_space<vmem_shared>> -> memref<1x4096xi32, #tpu.memory_space<vmem_shared>>
        %dma_start3A_290 = tpu.memref_squeeze %dma_start3A_289 : memref<1x4096xi32, #tpu.memory_space<vmem_shared>> -> memref<4096xi32, #tpu.memory_space<vmem_shared>>
        %dma_start3A_291 = arith.constant 0 : i32
        %dma_start3A_292 = tpu.memref_slice %arg13[%run_scoped3A_68, %dma_start3A_291] : memref<16x4096xi32, #tpu.memory_space<vmem_shared>> -> memref<1x4096xi32, #tpu.memory_space<vmem_shared>>
        %dma_start3A_293 = tpu.memref_squeeze %dma_start3A_292 : memref<1x4096xi32, #tpu.memory_space<vmem_shared>> -> memref<4096xi32, #tpu.memory_space<vmem_shared>>
        tpu.enqueue_dma source(%dma_start3A_293 : memref<4096xi32, #tpu.memory_space<vmem_shared>>) target(%arg10 : memref<4096xi32, #tpu.memory_space<vmem>>) target_semaphore(%run_scoped3A_288 : memref<!tpu.dma_semaphore, #tpu.memory_space<semaphore_mem>>)
        %dma_wait3A = arith.constant 0 : i32
        %dma_wait3A_294 = tpu.memref_slice %arg13[%run_scoped3A_68, %dma_wait3A] : memref<16x4096xi32, #tpu.memory_space<vmem_shared>> -> memref<1x4096xi32, #tpu.memory_space<vmem_shared>>
        %dma_wait3A_295 = tpu.memref_squeeze %dma_wait3A_294 : memref<1x4096xi32, #tpu.memory_space<vmem_shared>> -> memref<4096xi32, #tpu.memory_space<vmem_shared>>
        %dma_wait3A_296 = arith.constant 0 : i32
        %dma_wait3A_297 = tpu.memref_slice %arg13[%run_scoped3A_68, %dma_wait3A_296] : memref<16x4096xi32, #tpu.memory_space<vmem_shared>> -> memref<1x4096xi32, #tpu.memory_space<vmem_shared>>
        %dma_wait3A_298 = tpu.memref_squeeze %dma_wait3A_297 : memref<1x4096xi32, #tpu.memory_space<vmem_shared>> -> memref<4096xi32, #tpu.memory_space<vmem_shared>>
        tpu.wait_dma2 semaphore(%run_scoped3A_288 : memref<!tpu.dma_semaphore, #tpu.memory_space<semaphore_mem>>) src(%dma_wait3A_298 : memref<4096xi32, #tpu.memory_space<vmem_shared>>) dst(%arg10 : memref<4096xi32, #tpu.memory_space<vmem>>)
        tpu.yield
      }) : () -> ()
      %scan3A_69 = arith.constant 0 : i32
      %scan3A_70 = arith.constant 0 : i32
      %scan3A_71 = arith.constant 256 : i32
      %scan3A_72 = arith.addi %scan3A_70, %scan3A_71 : i32
      %scan3A_73 = arith.constant 1 : i32
      scf.for %scan3A_288 = %scan3A_70 to %scan3A_72 step %scan3A_73  : i32 {
        %mul3A_289 = arith.constant 16 : i32
        %mul3A_290 = arith.muli %scan3A_288, %mul3A_289 : i32
        %get3A = arith.index_cast %mul3A_290 : i32 to index
        %get3A_291 = tpu.vector_load %arg8[%get3A] {strides = array<i32>} : memref<4096xi32, #tpu.memory_space<vmem>>, vector<16xi32>,
        %mul3A_292 = arith.constant 16 : i32
        %mul3A_293 = arith.muli %scan3A_288, %mul3A_292 : i32
        %get3A_294 = arith.index_cast %mul3A_293 : i32 to index
        %get3A_295 = tpu.vector_load %arg10[%get3A_294] {strides = array<i32>} : memref<4096xi32, #tpu.memory_space<vmem>>, vector<16xi32>,
        %add3A_296 = arith.addi %get3A_291, %get3A_295 : vector<16xi32>
        %swap3A_297 = arith.index_cast %mul3A_290 : i32 to index
        %swap3A_298 = tpu.vector_load %arg8[%swap3A_297] {strides = array<i32>} : memref<4096xi32, #tpu.memory_space<vmem>>, vector<16xi32>,
        tpu.vector_store %arg8[%swap3A_297], %add3A_296 {strides = array<i32>} : memref<4096xi32, #tpu.memory_space<vmem>>, vector<16xi32>,
      }
      %scan3A_74 = arith.constant 256 : i32
      %run_scoped3A_75 = arith.constant 8 : i32
      "tpu.region"() ({
        %run_scoped3A_288 = tpu.sem_alloc : memref<!tpu.dma_semaphore, #tpu.memory_space<semaphore_mem>>
        %dma_start3A = arith.constant 0 : i32
        %dma_start3A_289 = tpu.memref_slice %arg13[%run_scoped3A_75, %dma_start3A] : memref<16x4096xi32, #tpu.memory_space<vmem_shared>> -> memref<1x4096xi32, #tpu.memory_space<vmem_shared>>
        %dma_start3A_290 = tpu.memref_squeeze %dma_start3A_289 : memref<1x4096xi32, #tpu.memory_space<vmem_shared>> -> memref<4096xi32, #tpu.memory_space<vmem_shared>>
        %dma_start3A_291 = arith.constant 0 : i32
        %dma_start3A_292 = tpu.memref_slice %arg13[%run_scoped3A_75, %dma_start3A_291] : memref<16x4096xi32, #tpu.memory_space<vmem_shared>> -> memref<1x4096xi32, #tpu.memory_space<vmem_shared>>
        %dma_start3A_293 = tpu.memref_squeeze %dma_start3A_292 : memref<1x4096xi32, #tpu.memory_space<vmem_shared>> -> memref<4096xi32, #tpu.memory_space<vmem_shared>>
        tpu.enqueue_dma source(%dma_start3A_293 : memref<4096xi32, #tpu.memory_space<vmem_shared>>) target(%arg10 : memref<4096xi32, #tpu.memory_space<vmem>>) target_semaphore(%run_scoped3A_288 : memref<!tpu.dma_semaphore, #tpu.memory_space<semaphore_mem>>)
        %dma_wait3A = arith.constant 0 : i32
        %dma_wait3A_294 = tpu.memref_slice %arg13[%run_scoped3A_75, %dma_wait3A] : memref<16x4096xi32, #tpu.memory_space<vmem_shared>> -> memref<1x4096xi32, #tpu.memory_space<vmem_shared>>
        %dma_wait3A_295 = tpu.memref_squeeze %dma_wait3A_294 : memref<1x4096xi32, #tpu.memory_space<vmem_shared>> -> memref<4096xi32, #tpu.memory_space<vmem_shared>>
        %dma_wait3A_296 = arith.constant 0 : i32
        %dma_wait3A_297 = tpu.memref_slice %arg13[%run_scoped3A_75, %dma_wait3A_296] : memref<16x4096xi32, #tpu.memory_space<vmem_shared>> -> memref<1x4096xi32, #tpu.memory_space<vmem_shared>>
        %dma_wait3A_298 = tpu.memref_squeeze %dma_wait3A_297 : memref<1x4096xi32, #tpu.memory_space<vmem_shared>> -> memref<4096xi32, #tpu.memory_space<vmem_shared>>
        tpu.wait_dma2 semaphore(%run_scoped3A_288 : memref<!tpu.dma_semaphore, #tpu.memory_space<semaphore_mem>>) src(%dma_wait3A_298 : memref<4096xi32, #tpu.memory_space<vmem_shared>>) dst(%arg10 : memref<4096xi32, #tpu.memory_space<vmem>>)
        tpu.yield
      }) : () -> ()
      %scan3A_76 = arith.constant 0 : i32
      %scan3A_77 = arith.constant 0 : i32
      %scan3A_78 = arith.constant 256 : i32
      %scan3A_79 = arith.addi %scan3A_77, %scan3A_78 : i32
      %scan3A_80 = arith.constant 1 : i32
      scf.for %scan3A_288 = %scan3A_77 to %scan3A_79 step %scan3A_80  : i32 {
        %mul3A_289 = arith.constant 16 : i32
        %mul3A_290 = arith.muli %scan3A_288, %mul3A_289 : i32
        %get3A = arith.index_cast %mul3A_290 : i32 to index
        %get3A_291 = tpu.vector_load %arg8[%get3A] {strides = array<i32>} : memref<4096xi32, #tpu.memory_space<vmem>>, vector<16xi32>,
        %mul3A_292 = arith.constant 16 : i32
        %mul3A_293 = arith.muli %scan3A_288, %mul3A_292 : i32
        %get3A_294 = arith.index_cast %mul3A_293 : i32 to index
        %get3A_295 = tpu.vector_load %arg10[%get3A_294] {strides = array<i32>} : memref<4096xi32, #tpu.memory_space<vmem>>, vector<16xi32>,
        %add3A_296 = arith.addi %get3A_291, %get3A_295 : vector<16xi32>
        %swap3A_297 = arith.index_cast %mul3A_290 : i32 to index
        %swap3A_298 = tpu.vector_load %arg8[%swap3A_297] {strides = array<i32>} : memref<4096xi32, #tpu.memory_space<vmem>>, vector<16xi32>,
        tpu.vector_store %arg8[%swap3A_297], %add3A_296 {strides = array<i32>} : memref<4096xi32, #tpu.memory_space<vmem>>, vector<16xi32>,
      }
      %scan3A_81 = arith.constant 256 : i32
      %run_scoped3A_82 = arith.constant 9 : i32
      "tpu.region"() ({
        %run_scoped3A_288 = tpu.sem_alloc : memref<!tpu.dma_semaphore, #tpu.memory_space<semaphore_mem>>
        %dma_start3A = arith.constant 0 : i32
        %dma_start3A_289 = tpu.memref_slice %arg13[%run_scoped3A_82, %dma_start3A] : memref<16x4096xi32, #tpu.memory_space<vmem_shared>> -> memref<1x4096xi32, #tpu.memory_space<vmem_shared>>
        %dma_start3A_290 = tpu.memref_squeeze %dma_start3A_289 : memref<1x4096xi32, #tpu.memory_space<vmem_shared>> -> memref<4096xi32, #tpu.memory_space<vmem_shared>>
        %dma_start3A_291 = arith.constant 0 : i32
        %dma_start3A_292 = tpu.memref_slice %arg13[%run_scoped3A_82, %dma_start3A_291] : memref<16x4096xi32, #tpu.memory_space<vmem_shared>> -> memref<1x4096xi32, #tpu.memory_space<vmem_shared>>
        %dma_start3A_293 = tpu.memref_squeeze %dma_start3A_292 : memref<1x4096xi32, #tpu.memory_space<vmem_shared>> -> memref<4096xi32, #tpu.memory_space<vmem_shared>>
        tpu.enqueue_dma source(%dma_start3A_293 : memref<4096xi32, #tpu.memory_space<vmem_shared>>) target(%arg10 : memref<4096xi32, #tpu.memory_space<vmem>>) target_semaphore(%run_scoped3A_288 : memref<!tpu.dma_semaphore, #tpu.memory_space<semaphore_mem>>)
        %dma_wait3A = arith.constant 0 : i32
        %dma_wait3A_294 = tpu.memref_slice %arg13[%run_scoped3A_82, %dma_wait3A] : memref<16x4096xi32, #tpu.memory_space<vmem_shared>> -> memref<1x4096xi32, #tpu.memory_space<vmem_shared>>
        %dma_wait3A_295 = tpu.memref_squeeze %dma_wait3A_294 : memref<1x4096xi32, #tpu.memory_space<vmem_shared>> -> memref<4096xi32, #tpu.memory_space<vmem_shared>>
        %dma_wait3A_296 = arith.constant 0 : i32
        %dma_wait3A_297 = tpu.memref_slice %arg13[%run_scoped3A_82, %dma_wait3A_296] : memref<16x4096xi32, #tpu.memory_space<vmem_shared>> -> memref<1x4096xi32, #tpu.memory_space<vmem_shared>>
        %dma_wait3A_298 = tpu.memref_squeeze %dma_wait3A_297 : memref<1x4096xi32, #tpu.memory_space<vmem_shared>> -> memref<4096xi32, #tpu.memory_space<vmem_shared>>
        tpu.wait_dma2 semaphore(%run_scoped3A_288 : memref<!tpu.dma_semaphore, #tpu.memory_space<semaphore_mem>>) src(%dma_wait3A_298 : memref<4096xi32, #tpu.memory_space<vmem_shared>>) dst(%arg10 : memref<4096xi32, #tpu.memory_space<vmem>>)
        tpu.yield
      }) : () -> ()
      %scan3A_83 = arith.constant 0 : i32
      %scan3A_84 = arith.constant 0 : i32
      %scan3A_85 = arith.constant 256 : i32
      %scan3A_86 = arith.addi %scan3A_84, %scan3A_85 : i32
      %scan3A_87 = arith.constant 1 : i32
      scf.for %scan3A_288 = %scan3A_84 to %scan3A_86 step %scan3A_87  : i32 {
        %mul3A_289 = arith.constant 16 : i32
        %mul3A_290 = arith.muli %scan3A_288, %mul3A_289 : i32
        %get3A = arith.index_cast %mul3A_290 : i32 to index
        %get3A_291 = tpu.vector_load %arg8[%get3A] {strides = array<i32>} : memref<4096xi32, #tpu.memory_space<vmem>>, vector<16xi32>,
        %mul3A_292 = arith.constant 16 : i32
        %mul3A_293 = arith.muli %scan3A_288, %mul3A_292 : i32
        %get3A_294 = arith.index_cast %mul3A_293 : i32 to index
        %get3A_295 = tpu.vector_load %arg10[%get3A_294] {strides = array<i32>} : memref<4096xi32, #tpu.memory_space<vmem>>, vector<16xi32>,
        %add3A_296 = arith.addi %get3A_291, %get3A_295 : vector<16xi32>
        %swap3A_297 = arith.index_cast %mul3A_290 : i32 to index
        %swap3A_298 = tpu.vector_load %arg8[%swap3A_297] {strides = array<i32>} : memref<4096xi32, #tpu.memory_space<vmem>>, vector<16xi32>,
        tpu.vector_store %arg8[%swap3A_297], %add3A_296 {strides = array<i32>} : memref<4096xi32, #tpu.memory_space<vmem>>, vector<16xi32>,
      }
      %scan3A_88 = arith.constant 256 : i32
      %run_scoped3A_89 = arith.constant 10 : i32
      "tpu.region"() ({
        %run_scoped3A_288 = tpu.sem_alloc : memref<!tpu.dma_semaphore, #tpu.memory_space<semaphore_mem>>
        %dma_start3A = arith.constant 0 : i32
        %dma_start3A_289 = tpu.memref_slice %arg13[%run_scoped3A_89, %dma_start3A] : memref<16x4096xi32, #tpu.memory_space<vmem_shared>> -> memref<1x4096xi32, #tpu.memory_space<vmem_shared>>
        %dma_start3A_290 = tpu.memref_squeeze %dma_start3A_289 : memref<1x4096xi32, #tpu.memory_space<vmem_shared>> -> memref<4096xi32, #tpu.memory_space<vmem_shared>>
        %dma_start3A_291 = arith.constant 0 : i32
        %dma_start3A_292 = tpu.memref_slice %arg13[%run_scoped3A_89, %dma_start3A_291] : memref<16x4096xi32, #tpu.memory_space<vmem_shared>> -> memref<1x4096xi32, #tpu.memory_space<vmem_shared>>
        %dma_start3A_293 = tpu.memref_squeeze %dma_start3A_292 : memref<1x4096xi32, #tpu.memory_space<vmem_shared>> -> memref<4096xi32, #tpu.memory_space<vmem_shared>>
        tpu.enqueue_dma source(%dma_start3A_293 : memref<4096xi32, #tpu.memory_space<vmem_shared>>) target(%arg10 : memref<4096xi32, #tpu.memory_space<vmem>>) target_semaphore(%run_scoped3A_288 : memref<!tpu.dma_semaphore, #tpu.memory_space<semaphore_mem>>)
        %dma_wait3A = arith.constant 0 : i32
        %dma_wait3A_294 = tpu.memref_slice %arg13[%run_scoped3A_89, %dma_wait3A] : memref<16x4096xi32, #tpu.memory_space<vmem_shared>> -> memref<1x4096xi32, #tpu.memory_space<vmem_shared>>
        %dma_wait3A_295 = tpu.memref_squeeze %dma_wait3A_294 : memref<1x4096xi32, #tpu.memory_space<vmem_shared>> -> memref<4096xi32, #tpu.memory_space<vmem_shared>>
        %dma_wait3A_296 = arith.constant 0 : i32
        %dma_wait3A_297 = tpu.memref_slice %arg13[%run_scoped3A_89, %dma_wait3A_296] : memref<16x4096xi32, #tpu.memory_space<vmem_shared>> -> memref<1x4096xi32, #tpu.memory_space<vmem_shared>>
        %dma_wait3A_298 = tpu.memref_squeeze %dma_wait3A_297 : memref<1x4096xi32, #tpu.memory_space<vmem_shared>> -> memref<4096xi32, #tpu.memory_space<vmem_shared>>
        tpu.wait_dma2 semaphore(%run_scoped3A_288 : memref<!tpu.dma_semaphore, #tpu.memory_space<semaphore_mem>>) src(%dma_wait3A_298 : memref<4096xi32, #tpu.memory_space<vmem_shared>>) dst(%arg10 : memref<4096xi32, #tpu.memory_space<vmem>>)
        tpu.yield
      }) : () -> ()
      %scan3A_90 = arith.constant 0 : i32
      %scan3A_91 = arith.constant 0 : i32
      %scan3A_92 = arith.constant 256 : i32
      %scan3A_93 = arith.addi %scan3A_91, %scan3A_92 : i32
      %scan3A_94 = arith.constant 1 : i32
      scf.for %scan3A_288 = %scan3A_91 to %scan3A_93 step %scan3A_94  : i32 {
        %mul3A_289 = arith.constant 16 : i32
        %mul3A_290 = arith.muli %scan3A_288, %mul3A_289 : i32
        %get3A = arith.index_cast %mul3A_290 : i32 to index
        %get3A_291 = tpu.vector_load %arg8[%get3A] {strides = array<i32>} : memref<4096xi32, #tpu.memory_space<vmem>>, vector<16xi32>,
        %mul3A_292 = arith.constant 16 : i32
        %mul3A_293 = arith.muli %scan3A_288, %mul3A_292 : i32
        %get3A_294 = arith.index_cast %mul3A_293 : i32 to index
        %get3A_295 = tpu.vector_load %arg10[%get3A_294] {strides = array<i32>} : memref<4096xi32, #tpu.memory_space<vmem>>, vector<16xi32>,
        %add3A_296 = arith.addi %get3A_291, %get3A_295 : vector<16xi32>
        %swap3A_297 = arith.index_cast %mul3A_290 : i32 to index
        %swap3A_298 = tpu.vector_load %arg8[%swap3A_297] {strides = array<i32>} : memref<4096xi32, #tpu.memory_space<vmem>>, vector<16xi32>,
        tpu.vector_store %arg8[%swap3A_297], %add3A_296 {strides = array<i32>} : memref<4096xi32, #tpu.memory_space<vmem>>, vector<16xi32>,
      }
      %scan3A_95 = arith.constant 256 : i32
      %run_scoped3A_96 = arith.constant 11 : i32
      "tpu.region"() ({
        %run_scoped3A_288 = tpu.sem_alloc : memref<!tpu.dma_semaphore, #tpu.memory_space<semaphore_mem>>
        %dma_start3A = arith.constant 0 : i32
        %dma_start3A_289 = tpu.memref_slice %arg13[%run_scoped3A_96, %dma_start3A] : memref<16x4096xi32, #tpu.memory_space<vmem_shared>> -> memref<1x4096xi32, #tpu.memory_space<vmem_shared>>
        %dma_start3A_290 = tpu.memref_squeeze %dma_start3A_289 : memref<1x4096xi32, #tpu.memory_space<vmem_shared>> -> memref<4096xi32, #tpu.memory_space<vmem_shared>>
        %dma_start3A_291 = arith.constant 0 : i32
        %dma_start3A_292 = tpu.memref_slice %arg13[%run_scoped3A_96, %dma_start3A_291] : memref<16x4096xi32, #tpu.memory_space<vmem_shared>> -> memref<1x4096xi32, #tpu.memory_space<vmem_shared>>
        %dma_start3A_293 = tpu.memref_squeeze %dma_start3A_292 : memref<1x4096xi32, #tpu.memory_space<vmem_shared>> -> memref<4096xi32, #tpu.memory_space<vmem_shared>>
        tpu.enqueue_dma source(%dma_start3A_293 : memref<4096xi32, #tpu.memory_space<vmem_shared>>) target(%arg10 : memref<4096xi32, #tpu.memory_space<vmem>>) target_semaphore(%run_scoped3A_288 : memref<!tpu.dma_semaphore, #tpu.memory_space<semaphore_mem>>)
        %dma_wait3A = arith.constant 0 : i32
        %dma_wait3A_294 = tpu.memref_slice %arg13[%run_scoped3A_96, %dma_wait3A] : memref<16x4096xi32, #tpu.memory_space<vmem_shared>> -> memref<1x4096xi32, #tpu.memory_space<vmem_shared>>
        %dma_wait3A_295 = tpu.memref_squeeze %dma_wait3A_294 : memref<1x4096xi32, #tpu.memory_space<vmem_shared>> -> memref<4096xi32, #tpu.memory_space<vmem_shared>>
        %dma_wait3A_296 = arith.constant 0 : i32
        %dma_wait3A_297 = tpu.memref_slice %arg13[%run_scoped3A_96, %dma_wait3A_296] : memref<16x4096xi32, #tpu.memory_space<vmem_shared>> -> memref<1x4096xi32, #tpu.memory_space<vmem_shared>>
        %dma_wait3A_298 = tpu.memref_squeeze %dma_wait3A_297 : memref<1x4096xi32, #tpu.memory_space<vmem_shared>> -> memref<4096xi32, #tpu.memory_space<vmem_shared>>
        tpu.wait_dma2 semaphore(%run_scoped3A_288 : memref<!tpu.dma_semaphore, #tpu.memory_space<semaphore_mem>>) src(%dma_wait3A_298 : memref<4096xi32, #tpu.memory_space<vmem_shared>>) dst(%arg10 : memref<4096xi32, #tpu.memory_space<vmem>>)
        tpu.yield
      }) : () -> ()
      %scan3A_97 = arith.constant 0 : i32
      %scan3A_98 = arith.constant 0 : i32
      %scan3A_99 = arith.constant 256 : i32
      %scan3A_100 = arith.addi %scan3A_98, %scan3A_99 : i32
      %scan3A_101 = arith.constant 1 : i32
      scf.for %scan3A_288 = %scan3A_98 to %scan3A_100 step %scan3A_101  : i32 {
        %mul3A_289 = arith.constant 16 : i32
        %mul3A_290 = arith.muli %scan3A_288, %mul3A_289 : i32
        %get3A = arith.index_cast %mul3A_290 : i32 to index
        %get3A_291 = tpu.vector_load %arg8[%get3A] {strides = array<i32>} : memref<4096xi32, #tpu.memory_space<vmem>>, vector<16xi32>,
        %mul3A_292 = arith.constant 16 : i32
        %mul3A_293 = arith.muli %scan3A_288, %mul3A_292 : i32
        %get3A_294 = arith.index_cast %mul3A_293 : i32 to index
        %get3A_295 = tpu.vector_load %arg10[%get3A_294] {strides = array<i32>} : memref<4096xi32, #tpu.memory_space<vmem>>, vector<16xi32>,
        %add3A_296 = arith.addi %get3A_291, %get3A_295 : vector<16xi32>
        %swap3A_297 = arith.index_cast %mul3A_290 : i32 to index
        %swap3A_298 = tpu.vector_load %arg8[%swap3A_297] {strides = array<i32>} : memref<4096xi32, #tpu.memory_space<vmem>>, vector<16xi32>,
        tpu.vector_store %arg8[%swap3A_297], %add3A_296 {strides = array<i32>} : memref<4096xi32, #tpu.memory_space<vmem>>, vector<16xi32>,
      }
      %scan3A_102 = arith.constant 256 : i32
      %run_scoped3A_103 = arith.constant 12 : i32
      "tpu.region"() ({
        %run_scoped3A_288 = tpu.sem_alloc : memref<!tpu.dma_semaphore, #tpu.memory_space<semaphore_mem>>
        %dma_start3A = arith.constant 0 : i32
        %dma_start3A_289 = tpu.memref_slice %arg13[%run_scoped3A_103, %dma_start3A] : memref<16x4096xi32, #tpu.memory_space<vmem_shared>> -> memref<1x4096xi32, #tpu.memory_space<vmem_shared>>
        %dma_start3A_290 = tpu.memref_squeeze %dma_start3A_289 : memref<1x4096xi32, #tpu.memory_space<vmem_shared>> -> memref<4096xi32, #tpu.memory_space<vmem_shared>>
        %dma_start3A_291 = arith.constant 0 : i32
        %dma_start3A_292 = tpu.memref_slice %arg13[%run_scoped3A_103, %dma_start3A_291] : memref<16x4096xi32, #tpu.memory_space<vmem_shared>> -> memref<1x4096xi32, #tpu.memory_space<vmem_shared>>
        %dma_start3A_293 = tpu.memref_squeeze %dma_start3A_292 : memref<1x4096xi32, #tpu.memory_space<vmem_shared>> -> memref<4096xi32, #tpu.memory_space<vmem_shared>>
        tpu.enqueue_dma source(%dma_start3A_293 : memref<4096xi32, #tpu.memory_space<vmem_shared>>) target(%arg10 : memref<4096xi32, #tpu.memory_space<vmem>>) target_semaphore(%run_scoped3A_288 : memref<!tpu.dma_semaphore, #tpu.memory_space<semaphore_mem>>)
        %dma_wait3A = arith.constant 0 : i32
        %dma_wait3A_294 = tpu.memref_slice %arg13[%run_scoped3A_103, %dma_wait3A] : memref<16x4096xi32, #tpu.memory_space<vmem_shared>> -> memref<1x4096xi32, #tpu.memory_space<vmem_shared>>
        %dma_wait3A_295 = tpu.memref_squeeze %dma_wait3A_294 : memref<1x4096xi32, #tpu.memory_space<vmem_shared>> -> memref<4096xi32, #tpu.memory_space<vmem_shared>>
        %dma_wait3A_296 = arith.constant 0 : i32
        %dma_wait3A_297 = tpu.memref_slice %arg13[%run_scoped3A_103, %dma_wait3A_296] : memref<16x4096xi32, #tpu.memory_space<vmem_shared>> -> memref<1x4096xi32, #tpu.memory_space<vmem_shared>>
        %dma_wait3A_298 = tpu.memref_squeeze %dma_wait3A_297 : memref<1x4096xi32, #tpu.memory_space<vmem_shared>> -> memref<4096xi32, #tpu.memory_space<vmem_shared>>
        tpu.wait_dma2 semaphore(%run_scoped3A_288 : memref<!tpu.dma_semaphore, #tpu.memory_space<semaphore_mem>>) src(%dma_wait3A_298 : memref<4096xi32, #tpu.memory_space<vmem_shared>>) dst(%arg10 : memref<4096xi32, #tpu.memory_space<vmem>>)
        tpu.yield
      }) : () -> ()
      %scan3A_104 = arith.constant 0 : i32
      %scan3A_105 = arith.constant 0 : i32
      %scan3A_106 = arith.constant 256 : i32
      %scan3A_107 = arith.addi %scan3A_105, %scan3A_106 : i32
      %scan3A_108 = arith.constant 1 : i32
      scf.for %scan3A_288 = %scan3A_105 to %scan3A_107 step %scan3A_108  : i32 {
        %mul3A_289 = arith.constant 16 : i32
        %mul3A_290 = arith.muli %scan3A_288, %mul3A_289 : i32
        %get3A = arith.index_cast %mul3A_290 : i32 to index
        %get3A_291 = tpu.vector_load %arg8[%get3A] {strides = array<i32>} : memref<4096xi32, #tpu.memory_space<vmem>>, vector<16xi32>,
        %mul3A_292 = arith.constant 16 : i32
        %mul3A_293 = arith.muli %scan3A_288, %mul3A_292 : i32
        %get3A_294 = arith.index_cast %mul3A_293 : i32 to index
        %get3A_295 = tpu.vector_load %arg10[%get3A_294] {strides = array<i32>} : memref<4096xi32, #tpu.memory_space<vmem>>, vector<16xi32>,
        %add3A_296 = arith.addi %get3A_291, %get3A_295 : vector<16xi32>
        %swap3A_297 = arith.index_cast %mul3A_290 : i32 to index
        %swap3A_298 = tpu.vector_load %arg8[%swap3A_297] {strides = array<i32>} : memref<4096xi32, #tpu.memory_space<vmem>>, vector<16xi32>,
        tpu.vector_store %arg8[%swap3A_297], %add3A_296 {strides = array<i32>} : memref<4096xi32, #tpu.memory_space<vmem>>, vector<16xi32>,
      }
      %scan3A_109 = arith.constant 256 : i32
      %run_scoped3A_110 = arith.constant 13 : i32
      "tpu.region"() ({
        %run_scoped3A_288 = tpu.sem_alloc : memref<!tpu.dma_semaphore, #tpu.memory_space<semaphore_mem>>
        %dma_start3A = arith.constant 0 : i32
        %dma_start3A_289 = tpu.memref_slice %arg13[%run_scoped3A_110, %dma_start3A] : memref<16x4096xi32, #tpu.memory_space<vmem_shared>> -> memref<1x4096xi32, #tpu.memory_space<vmem_shared>>
        %dma_start3A_290 = tpu.memref_squeeze %dma_start3A_289 : memref<1x4096xi32, #tpu.memory_space<vmem_shared>> -> memref<4096xi32, #tpu.memory_space<vmem_shared>>
        %dma_start3A_291 = arith.constant 0 : i32
        %dma_start3A_292 = tpu.memref_slice %arg13[%run_scoped3A_110, %dma_start3A_291] : memref<16x4096xi32, #tpu.memory_space<vmem_shared>> -> memref<1x4096xi32, #tpu.memory_space<vmem_shared>>
        %dma_start3A_293 = tpu.memref_squeeze %dma_start3A_292 : memref<1x4096xi32, #tpu.memory_space<vmem_shared>> -> memref<4096xi32, #tpu.memory_space<vmem_shared>>
        tpu.enqueue_dma source(%dma_start3A_293 : memref<4096xi32, #tpu.memory_space<vmem_shared>>) target(%arg10 : memref<4096xi32, #tpu.memory_space<vmem>>) target_semaphore(%run_scoped3A_288 : memref<!tpu.dma_semaphore, #tpu.memory_space<semaphore_mem>>)
        %dma_wait3A = arith.constant 0 : i32
        %dma_wait3A_294 = tpu.memref_slice %arg13[%run_scoped3A_110, %dma_wait3A] : memref<16x4096xi32, #tpu.memory_space<vmem_shared>> -> memref<1x4096xi32, #tpu.memory_space<vmem_shared>>
        %dma_wait3A_295 = tpu.memref_squeeze %dma_wait3A_294 : memref<1x4096xi32, #tpu.memory_space<vmem_shared>> -> memref<4096xi32, #tpu.memory_space<vmem_shared>>
        %dma_wait3A_296 = arith.constant 0 : i32
        %dma_wait3A_297 = tpu.memref_slice %arg13[%run_scoped3A_110, %dma_wait3A_296] : memref<16x4096xi32, #tpu.memory_space<vmem_shared>> -> memref<1x4096xi32, #tpu.memory_space<vmem_shared>>
        %dma_wait3A_298 = tpu.memref_squeeze %dma_wait3A_297 : memref<1x4096xi32, #tpu.memory_space<vmem_shared>> -> memref<4096xi32, #tpu.memory_space<vmem_shared>>
        tpu.wait_dma2 semaphore(%run_scoped3A_288 : memref<!tpu.dma_semaphore, #tpu.memory_space<semaphore_mem>>) src(%dma_wait3A_298 : memref<4096xi32, #tpu.memory_space<vmem_shared>>) dst(%arg10 : memref<4096xi32, #tpu.memory_space<vmem>>)
        tpu.yield
      }) : () -> ()
      %scan3A_111 = arith.constant 0 : i32
      %scan3A_112 = arith.constant 0 : i32
      %scan3A_113 = arith.constant 256 : i32
      %scan3A_114 = arith.addi %scan3A_112, %scan3A_113 : i32
      %scan3A_115 = arith.constant 1 : i32
      scf.for %scan3A_288 = %scan3A_112 to %scan3A_114 step %scan3A_115  : i32 {
        %mul3A_289 = arith.constant 16 : i32
        %mul3A_290 = arith.muli %scan3A_288, %mul3A_289 : i32
        %get3A = arith.index_cast %mul3A_290 : i32 to index
        %get3A_291 = tpu.vector_load %arg8[%get3A] {strides = array<i32>} : memref<4096xi32, #tpu.memory_space<vmem>>, vector<16xi32>,
        %mul3A_292 = arith.constant 16 : i32
        %mul3A_293 = arith.muli %scan3A_288, %mul3A_292 : i32
        %get3A_294 = arith.index_cast %mul3A_293 : i32 to index
        %get3A_295 = tpu.vector_load %arg10[%get3A_294] {strides = array<i32>} : memref<4096xi32, #tpu.memory_space<vmem>>, vector<16xi32>,
        %add3A_296 = arith.addi %get3A_291, %get3A_295 : vector<16xi32>
        %swap3A_297 = arith.index_cast %mul3A_290 : i32 to index
        %swap3A_298 = tpu.vector_load %arg8[%swap3A_297] {strides = array<i32>} : memref<4096xi32, #tpu.memory_space<vmem>>, vector<16xi32>,
        tpu.vector_store %arg8[%swap3A_297], %add3A_296 {strides = array<i32>} : memref<4096xi32, #tpu.memory_space<vmem>>, vector<16xi32>,
      }
      %scan3A_116 = arith.constant 256 : i32
      %run_scoped3A_117 = arith.constant 14 : i32
      "tpu.region"() ({
        %run_scoped3A_288 = tpu.sem_alloc : memref<!tpu.dma_semaphore, #tpu.memory_space<semaphore_mem>>
        %dma_start3A = arith.constant 0 : i32
        %dma_start3A_289 = tpu.memref_slice %arg13[%run_scoped3A_117, %dma_start3A] : memref<16x4096xi32, #tpu.memory_space<vmem_shared>> -> memref<1x4096xi32, #tpu.memory_space<vmem_shared>>
        %dma_start3A_290 = tpu.memref_squeeze %dma_start3A_289 : memref<1x4096xi32, #tpu.memory_space<vmem_shared>> -> memref<4096xi32, #tpu.memory_space<vmem_shared>>
        %dma_start3A_291 = arith.constant 0 : i32
        %dma_start3A_292 = tpu.memref_slice %arg13[%run_scoped3A_117, %dma_start3A_291] : memref<16x4096xi32, #tpu.memory_space<vmem_shared>> -> memref<1x4096xi32, #tpu.memory_space<vmem_shared>>
        %dma_start3A_293 = tpu.memref_squeeze %dma_start3A_292 : memref<1x4096xi32, #tpu.memory_space<vmem_shared>> -> memref<4096xi32, #tpu.memory_space<vmem_shared>>
        tpu.enqueue_dma source(%dma_start3A_293 : memref<4096xi32, #tpu.memory_space<vmem_shared>>) target(%arg10 : memref<4096xi32, #tpu.memory_space<vmem>>) target_semaphore(%run_scoped3A_288 : memref<!tpu.dma_semaphore, #tpu.memory_space<semaphore_mem>>)
        %dma_wait3A = arith.constant 0 : i32
        %dma_wait3A_294 = tpu.memref_slice %arg13[%run_scoped3A_117, %dma_wait3A] : memref<16x4096xi32, #tpu.memory_space<vmem_shared>> -> memref<1x4096xi32, #tpu.memory_space<vmem_shared>>
        %dma_wait3A_295 = tpu.memref_squeeze %dma_wait3A_294 : memref<1x4096xi32, #tpu.memory_space<vmem_shared>> -> memref<4096xi32, #tpu.memory_space<vmem_shared>>
        %dma_wait3A_296 = arith.constant 0 : i32
        %dma_wait3A_297 = tpu.memref_slice %arg13[%run_scoped3A_117, %dma_wait3A_296] : memref<16x4096xi32, #tpu.memory_space<vmem_shared>> -> memref<1x4096xi32, #tpu.memory_space<vmem_shared>>
        %dma_wait3A_298 = tpu.memref_squeeze %dma_wait3A_297 : memref<1x4096xi32, #tpu.memory_space<vmem_shared>> -> memref<4096xi32, #tpu.memory_space<vmem_shared>>
        tpu.wait_dma2 semaphore(%run_scoped3A_288 : memref<!tpu.dma_semaphore, #tpu.memory_space<semaphore_mem>>) src(%dma_wait3A_298 : memref<4096xi32, #tpu.memory_space<vmem_shared>>) dst(%arg10 : memref<4096xi32, #tpu.memory_space<vmem>>)
        tpu.yield
      }) : () -> ()
      %scan3A_118 = arith.constant 0 : i32
      %scan3A_119 = arith.constant 0 : i32
      %scan3A_120 = arith.constant 256 : i32
      %scan3A_121 = arith.addi %scan3A_119, %scan3A_120 : i32
      %scan3A_122 = arith.constant 1 : i32
      scf.for %scan3A_288 = %scan3A_119 to %scan3A_121 step %scan3A_122  : i32 {
        %mul3A_289 = arith.constant 16 : i32
        %mul3A_290 = arith.muli %scan3A_288, %mul3A_289 : i32
        %get3A = arith.index_cast %mul3A_290 : i32 to index
        %get3A_291 = tpu.vector_load %arg8[%get3A] {strides = array<i32>} : memref<4096xi32, #tpu.memory_space<vmem>>, vector<16xi32>,
        %mul3A_292 = arith.constant 16 : i32
        %mul3A_293 = arith.muli %scan3A_288, %mul3A_292 : i32
        %get3A_294 = arith.index_cast %mul3A_293 : i32 to index
        %get3A_295 = tpu.vector_load %arg10[%get3A_294] {strides = array<i32>} : memref<4096xi32, #tpu.memory_space<vmem>>, vector<16xi32>,
        %add3A_296 = arith.addi %get3A_291, %get3A_295 : vector<16xi32>
        %swap3A_297 = arith.index_cast %mul3A_290 : i32 to index
        %swap3A_298 = tpu.vector_load %arg8[%swap3A_297] {strides = array<i32>} : memref<4096xi32, #tpu.memory_space<vmem>>, vector<16xi32>,
        tpu.vector_store %arg8[%swap3A_297], %add3A_296 {strides = array<i32>} : memref<4096xi32, #tpu.memory_space<vmem>>, vector<16xi32>,
      }
      %scan3A_123 = arith.constant 256 : i32
      %run_scoped3A_124 = arith.constant 15 : i32
      "tpu.region"() ({
        %run_scoped3A_288 = tpu.sem_alloc : memref<!tpu.dma_semaphore, #tpu.memory_space<semaphore_mem>>
        %dma_start3A = arith.constant 0 : i32
        %dma_start3A_289 = tpu.memref_slice %arg13[%run_scoped3A_124, %dma_start3A] : memref<16x4096xi32, #tpu.memory_space<vmem_shared>> -> memref<1x4096xi32, #tpu.memory_space<vmem_shared>>
        %dma_start3A_290 = tpu.memref_squeeze %dma_start3A_289 : memref<1x4096xi32, #tpu.memory_space<vmem_shared>> -> memref<4096xi32, #tpu.memory_space<vmem_shared>>
        %dma_start3A_291 = arith.constant 0 : i32
        %dma_start3A_292 = tpu.memref_slice %arg13[%run_scoped3A_124, %dma_start3A_291] : memref<16x4096xi32, #tpu.memory_space<vmem_shared>> -> memref<1x4096xi32, #tpu.memory_space<vmem_shared>>
        %dma_start3A_293 = tpu.memref_squeeze %dma_start3A_292 : memref<1x4096xi32, #tpu.memory_space<vmem_shared>> -> memref<4096xi32, #tpu.memory_space<vmem_shared>>
        tpu.enqueue_dma source(%dma_start3A_293 : memref<4096xi32, #tpu.memory_space<vmem_shared>>) target(%arg10 : memref<4096xi32, #tpu.memory_space<vmem>>) target_semaphore(%run_scoped3A_288 : memref<!tpu.dma_semaphore, #tpu.memory_space<semaphore_mem>>)
        %dma_wait3A = arith.constant 0 : i32
        %dma_wait3A_294 = tpu.memref_slice %arg13[%run_scoped3A_124, %dma_wait3A] : memref<16x4096xi32, #tpu.memory_space<vmem_shared>> -> memref<1x4096xi32, #tpu.memory_space<vmem_shared>>
        %dma_wait3A_295 = tpu.memref_squeeze %dma_wait3A_294 : memref<1x4096xi32, #tpu.memory_space<vmem_shared>> -> memref<4096xi32, #tpu.memory_space<vmem_shared>>
        %dma_wait3A_296 = arith.constant 0 : i32
        %dma_wait3A_297 = tpu.memref_slice %arg13[%run_scoped3A_124, %dma_wait3A_296] : memref<16x4096xi32, #tpu.memory_space<vmem_shared>> -> memref<1x4096xi32, #tpu.memory_space<vmem_shared>>
        %dma_wait3A_298 = tpu.memref_squeeze %dma_wait3A_297 : memref<1x4096xi32, #tpu.memory_space<vmem_shared>> -> memref<4096xi32, #tpu.memory_space<vmem_shared>>
        tpu.wait_dma2 semaphore(%run_scoped3A_288 : memref<!tpu.dma_semaphore, #tpu.memory_space<semaphore_mem>>) src(%dma_wait3A_298 : memref<4096xi32, #tpu.memory_space<vmem_shared>>) dst(%arg10 : memref<4096xi32, #tpu.memory_space<vmem>>)
        tpu.yield
      }) : () -> ()
      %scan3A_125 = arith.constant 0 : i32
      %scan3A_126 = arith.constant 0 : i32
      %scan3A_127 = arith.constant 256 : i32
      %scan3A_128 = arith.addi %scan3A_126, %scan3A_127 : i32
      %scan3A_129 = arith.constant 1 : i32
      scf.for %scan3A_288 = %scan3A_126 to %scan3A_128 step %scan3A_129  : i32 {
        %mul3A_289 = arith.constant 16 : i32
        %mul3A_290 = arith.muli %scan3A_288, %mul3A_289 : i32
        %get3A = arith.index_cast %mul3A_290 : i32 to index
        %get3A_291 = tpu.vector_load %arg8[%get3A] {strides = array<i32>} : memref<4096xi32, #tpu.memory_space<vmem>>, vector<16xi32>,
        %mul3A_292 = arith.constant 16 : i32
        %mul3A_293 = arith.muli %scan3A_288, %mul3A_292 : i32
        %get3A_294 = arith.index_cast %mul3A_293 : i32 to index
        %get3A_295 = tpu.vector_load %arg10[%get3A_294] {strides = array<i32>} : memref<4096xi32, #tpu.memory_space<vmem>>, vector<16xi32>,
        %add3A_296 = arith.addi %get3A_291, %get3A_295 : vector<16xi32>
        %swap3A_297 = arith.index_cast %mul3A_290 : i32 to index
        %swap3A_298 = tpu.vector_load %arg8[%swap3A_297] {strides = array<i32>} : memref<4096xi32, #tpu.memory_space<vmem>>, vector<16xi32>,
        tpu.vector_store %arg8[%swap3A_297], %add3A_296 {strides = array<i32>} : memref<4096xi32, #tpu.memory_space<vmem>>, vector<16xi32>,
      }
      %scan3A_130 = arith.constant 256 : i32
      %scan3A_131 = arith.constant 0 : i32
      %scan3A_132 = arith.constant 0 : i32
      %scan3A_133 = arith.constant 256 : i32
      %scan3A_134 = arith.addi %scan3A_132, %scan3A_133 : i32
      %scan3A_135 = arith.constant 1 : i32
      %scan3A_136 = scf.for %scan3A_288 = %scan3A_132 to %scan3A_134 step %scan3A_135 iter_args(%scan3A_289 = %scan3A_131) -> (i32)  : i32 {
        %mul3A_290 = arith.constant 16 : i32
        %mul3A_291 = arith.muli %scan3A_288, %mul3A_290 : i32
        %get3A = arith.index_cast %mul3A_291 : i32 to index
        %get3A_292 = tpu.vector_load %arg8[%get3A] {strides = array<i32>} : memref<4096xi32, #tpu.memory_space<vmem>>, vector<16xi32>,
        %broadcast_in_dim3A_293 = arith.constant true
        %broadcast_in_dim3A_294 = vector.broadcast %broadcast_in_dim3A_293 : i1 to vector<16xi1>
        %masked_cumsum3A = tpu.scan <sum>, %get3A_292 masked %broadcast_in_dim3A_294 : vector<16xi32>, vector<16xi1> -> vector<16xi32>
        %add3A_295 = vector.broadcast %scan3A_289 : i32 to vector<16xi32>
        %add3A_296 = arith.addi %masked_cumsum3A, %add3A_295 : vector<16xi32>
        %mul3A_297 = arith.constant 16 : i32
        %mul3A_298 = arith.muli %scan3A_288, %mul3A_297 : i32
        %swap3A_299 = arith.index_cast %mul3A_298 : i32 to index
        %swap3A_300 = tpu.vector_load %arg9[%swap3A_299] {strides = array<i32>} : memref<4096xi32, #tpu.memory_space<vmem>>, vector<16xi32>,
        tpu.vector_store %arg9[%swap3A_299], %add3A_296 {strides = array<i32>} : memref<4096xi32, #tpu.memory_space<vmem>>, vector<16xi32>,
        %reduce_sum3A = arith.constant true
        %reduce_sum3A_301 = vector.broadcast %reduce_sum3A : i1 to vector<16xi1>
        %reduce_sum3A_302 = tpu.scan <sum>, %get3A_292 masked %reduce_sum3A_301 : vector<16xi32>, vector<16xi1> -> vector<16xi32>
        %reduce_sum3A_303 = vector.extract %reduce_sum3A_302[15] : i32 from vector<16xi32>
        %add3A_304 = arith.addi %scan3A_289, %reduce_sum3A_303 : i32
        scf.yield %add3A_304 : i32
      }
      %scan3A_137 = arith.constant 256 : i32
      %add3A = arith.constant 1 : i32
      %add3A_138 = vector.broadcast %add3A : i32 to vector<16xi32>
      %add3A_139 = arith.addi %iota3A, %add3A_138 : vector<16xi32>
      %mul3A_140 = arith.constant 34952 : i32
      %mul3A_141 = vector.broadcast %mul3A_140 : i32 to vector<16xi32>
      %mul3A_142 = arith.muli %add3A_139, %mul3A_141 : vector<16xi32>
      %min3A = arith.constant 524287 : i32
      %min3A_143 = vector.broadcast %min3A : i32 to vector<16xi32>
      %min3A_144 = arith.minsi %mul3A_142, %min3A_143 : vector<16xi32>
      %broadcast_in_dim3A_145 = arith.constant 0 : i32
      %broadcast_in_dim3A_146 = vector.broadcast %broadcast_in_dim3A_145 : i32 to vector<16xi32>
      %broadcast_in_dim3A_147 = arith.constant 4095 : i32
      %broadcast_in_dim3A_148 = vector.broadcast %broadcast_in_dim3A_147 : i32 to vector<16xi32>
      %add3A_149 = arith.addi %broadcast_in_dim3A_146, %broadcast_in_dim3A_148 : vector<16xi32>
      %shift_right_arithmetic3A = arith.constant 1 : i32
      %shift_right_arithmetic3A_150 = vector.broadcast %shift_right_arithmetic3A : i32 to vector<16xi32>
      %shift_right_arithmetic3A_151 = arith.shrsi %add3A_149, %shift_right_arithmetic3A_150 : vector<16xi32>
      %gather3A = tpu.vector_load_idx %arg9[%shift_right_arithmetic3A_151] : memref<4096xi32, #tpu.memory_space<vmem>>[vector<16xi32>], vector<16xi32>,
      %gt3A = arith.cmpi sgt, %gather3A, %min3A_144 : vector<16xi32>
      %select_n3A = arith.select %gt3A, %shift_right_arithmetic3A_151, %broadcast_in_dim3A_148 : vector<16xi1>, vector<16xi32>
      %add3A_152 = arith.constant 1 : i32
      %add3A_153 = vector.broadcast %add3A_152 : i32 to vector<16xi32>
      %add3A_154 = arith.addi %shift_right_arithmetic3A_151, %add3A_153 : vector<16xi32>
      %select_n3A_155 = arith.select %gt3A, %broadcast_in_dim3A_146, %add3A_154 : vector<16xi1>, vector<16xi32>
      %add3A_156 = arith.addi %select_n3A_155, %select_n3A : vector<16xi32>
      %shift_right_arithmetic3A_157 = arith.constant 1 : i32
      %shift_right_arithmetic3A_158 = vector.broadcast %shift_right_arithmetic3A_157 : i32 to vector<16xi32>
      %shift_right_arithmetic3A_159 = arith.shrsi %add3A_156, %shift_right_arithmetic3A_158 : vector<16xi32>
      %gather3A_160 = tpu.vector_load_idx %arg9[%shift_right_arithmetic3A_159] : memref<4096xi32, #tpu.memory_space<vmem>>[vector<16xi32>], vector<16xi32>,
      %gt3A_161 = arith.cmpi sgt, %gather3A_160, %min3A_144 : vector<16xi32>
      %select_n3A_162 = arith.select %gt3A_161, %shift_right_arithmetic3A_159, %select_n3A : vector<16xi1>, vector<16xi32>
      %add3A_163 = arith.constant 1 : i32
      %add3A_164 = vector.broadcast %add3A_163 : i32 to vector<16xi32>
      %add3A_165 = arith.addi %shift_right_arithmetic3A_159, %add3A_164 : vector<16xi32>
      %select_n3A_166 = arith.select %gt3A_161, %select_n3A_155, %add3A_165 : vector<16xi1>, vector<16xi32>
      %add3A_167 = arith.addi %select_n3A_166, %select_n3A_162 : vector<16xi32>
      %shift_right_arithmetic3A_168 = arith.constant 1 : i32
      %shift_right_arithmetic3A_169 = vector.broadcast %shift_right_arithmetic3A_168 : i32 to vector<16xi32>
      %shift_right_arithmetic3A_170 = arith.shrsi %add3A_167, %shift_right_arithmetic3A_169 : vector<16xi32>
      %gather3A_171 = tpu.vector_load_idx %arg9[%shift_right_arithmetic3A_170] : memref<4096xi32, #tpu.memory_space<vmem>>[vector<16xi32>], vector<16xi32>,
      %gt3A_172 = arith.cmpi sgt, %gather3A_171, %min3A_144 : vector<16xi32>
      %select_n3A_173 = arith.select %gt3A_172, %shift_right_arithmetic3A_170, %select_n3A_162 : vector<16xi1>, vector<16xi32>
      %add3A_174 = arith.constant 1 : i32
      %add3A_175 = vector.broadcast %add3A_174 : i32 to vector<16xi32>
      %add3A_176 = arith.addi %shift_right_arithmetic3A_170, %add3A_175 : vector<16xi32>
      %select_n3A_177 = arith.select %gt3A_172, %select_n3A_166, %add3A_176 : vector<16xi1>, vector<16xi32>
      %add3A_178 = arith.addi %select_n3A_177, %select_n3A_173 : vector<16xi32>
      %shift_right_arithmetic3A_179 = arith.constant 1 : i32
      %shift_right_arithmetic3A_180 = vector.broadcast %shift_right_arithmetic3A_179 : i32 to vector<16xi32>
      %shift_right_arithmetic3A_181 = arith.shrsi %add3A_178, %shift_right_arithmetic3A_180 : vector<16xi32>
      %gather3A_182 = tpu.vector_load_idx %arg9[%shift_right_arithmetic3A_181] : memref<4096xi32, #tpu.memory_space<vmem>>[vector<16xi32>], vector<16xi32>,
      %gt3A_183 = arith.cmpi sgt, %gather3A_182, %min3A_144 : vector<16xi32>
      %select_n3A_184 = arith.select %gt3A_183, %shift_right_arithmetic3A_181, %select_n3A_173 : vector<16xi1>, vector<16xi32>
      %add3A_185 = arith.constant 1 : i32
      %add3A_186 = vector.broadcast %add3A_185 : i32 to vector<16xi32>
      %add3A_187 = arith.addi %shift_right_arithmetic3A_181, %add3A_186 : vector<16xi32>
      %select_n3A_188 = arith.select %gt3A_183, %select_n3A_177, %add3A_187 : vector<16xi1>, vector<16xi32>
      %add3A_189 = arith.addi %select_n3A_188, %select_n3A_184 : vector<16xi32>
      %shift_right_arithmetic3A_190 = arith.constant 1 : i32
      %shift_right_arithmetic3A_191 = vector.broadcast %shift_right_arithmetic3A_190 : i32 to vector<16xi32>
      %shift_right_arithmetic3A_192 = arith.shrsi %add3A_189, %shift_right_arithmetic3A_191 : vector<16xi32>
      %gather3A_193 = tpu.vector_load_idx %arg9[%shift_right_arithmetic3A_192] : memref<4096xi32, #tpu.memory_space<vmem>>[vector<16xi32>], vector<16xi32>,
      %gt3A_194 = arith.cmpi sgt, %gather3A_193, %min3A_144 : vector<16xi32>
      %select_n3A_195 = arith.select %gt3A_194, %shift_right_arithmetic3A_192, %select_n3A_184 : vector<16xi1>, vector<16xi32>
      %add3A_196 = arith.constant 1 : i32
      %add3A_197 = vector.broadcast %add3A_196 : i32 to vector<16xi32>
      %add3A_198 = arith.addi %shift_right_arithmetic3A_192, %add3A_197 : vector<16xi32>
      %select_n3A_199 = arith.select %gt3A_194, %select_n3A_188, %add3A_198 : vector<16xi1>, vector<16xi32>
      %add3A_200 = arith.addi %select_n3A_199, %select_n3A_195 : vector<16xi32>
      %shift_right_arithmetic3A_201 = arith.constant 1 : i32
      %shift_right_arithmetic3A_202 = vector.broadcast %shift_right_arithmetic3A_201 : i32 to vector<16xi32>
      %shift_right_arithmetic3A_203 = arith.shrsi %add3A_200, %shift_right_arithmetic3A_202 : vector<16xi32>
      %gather3A_204 = tpu.vector_load_idx %arg9[%shift_right_arithmetic3A_203] : memref<4096xi32, #tpu.memory_space<vmem>>[vector<16xi32>], vector<16xi32>,
      %gt3A_205 = arith.cmpi sgt, %gather3A_204, %min3A_144 : vector<16xi32>
      %select_n3A_206 = arith.select %gt3A_205, %shift_right_arithmetic3A_203, %select_n3A_195 : vector<16xi1>, vector<16xi32>
      %add3A_207 = arith.constant 1 : i32
      %add3A_208 = vector.broadcast %add3A_207 : i32 to vector<16xi32>
      %add3A_209 = arith.addi %shift_right_arithmetic3A_203, %add3A_208 : vector<16xi32>
      %select_n3A_210 = arith.select %gt3A_205, %select_n3A_199, %add3A_209 : vector<16xi1>, vector<16xi32>
      %add3A_211 = arith.addi %select_n3A_210, %select_n3A_206 : vector<16xi32>
      %shift_right_arithmetic3A_212 = arith.constant 1 : i32
      %shift_right_arithmetic3A_213 = vector.broadcast %shift_right_arithmetic3A_212 : i32 to vector<16xi32>
      %shift_right_arithmetic3A_214 = arith.shrsi %add3A_211, %shift_right_arithmetic3A_213 : vector<16xi32>
      %gather3A_215 = tpu.vector_load_idx %arg9[%shift_right_arithmetic3A_214] : memref<4096xi32, #tpu.memory_space<vmem>>[vector<16xi32>], vector<16xi32>,
      %gt3A_216 = arith.cmpi sgt, %gather3A_215, %min3A_144 : vector<16xi32>
      %select_n3A_217 = arith.select %gt3A_216, %shift_right_arithmetic3A_214, %select_n3A_206 : vector<16xi1>, vector<16xi32>
      %add3A_218 = arith.constant 1 : i32
      %add3A_219 = vector.broadcast %add3A_218 : i32 to vector<16xi32>
      %add3A_220 = arith.addi %shift_right_arithmetic3A_214, %add3A_219 : vector<16xi32>
      %select_n3A_221 = arith.select %gt3A_216, %select_n3A_210, %add3A_220 : vector<16xi1>, vector<16xi32>
      %add3A_222 = arith.addi %select_n3A_221, %select_n3A_217 : vector<16xi32>
      %shift_right_arithmetic3A_223 = arith.constant 1 : i32
      %shift_right_arithmetic3A_224 = vector.broadcast %shift_right_arithmetic3A_223 : i32 to vector<16xi32>
      %shift_right_arithmetic3A_225 = arith.shrsi %add3A_222, %shift_right_arithmetic3A_224 : vector<16xi32>
      %gather3A_226 = tpu.vector_load_idx %arg9[%shift_right_arithmetic3A_225] : memref<4096xi32, #tpu.memory_space<vmem>>[vector<16xi32>], vector<16xi32>,
      %gt3A_227 = arith.cmpi sgt, %gather3A_226, %min3A_144 : vector<16xi32>
      %select_n3A_228 = arith.select %gt3A_227, %shift_right_arithmetic3A_225, %select_n3A_217 : vector<16xi1>, vector<16xi32>
      %add3A_229 = arith.constant 1 : i32
      %add3A_230 = vector.broadcast %add3A_229 : i32 to vector<16xi32>
      %add3A_231 = arith.addi %shift_right_arithmetic3A_225, %add3A_230 : vector<16xi32>
      %select_n3A_232 = arith.select %gt3A_227, %select_n3A_221, %add3A_231 : vector<16xi1>, vector<16xi32>
      %add3A_233 = arith.addi %select_n3A_232, %select_n3A_228 : vector<16xi32>
      %shift_right_arithmetic3A_234 = arith.constant 1 : i32
      %shift_right_arithmetic3A_235 = vector.broadcast %shift_right_arithmetic3A_234 : i32 to vector<16xi32>
      %shift_right_arithmetic3A_236 = arith.shrsi %add3A_233, %shift_right_arithmetic3A_235 : vector<16xi32>
      %gather3A_237 = tpu.vector_load_idx %arg9[%shift_right_arithmetic3A_236] : memref<4096xi32, #tpu.memory_space<vmem>>[vector<16xi32>], vector<16xi32>,
      %gt3A_238 = arith.cmpi sgt, %gather3A_237, %min3A_144 : vector<16xi32>
      %select_n3A_239 = arith.select %gt3A_238, %shift_right_arithmetic3A_236, %select_n3A_228 : vector<16xi1>, vector<16xi32>
      %add3A_240 = arith.constant 1 : i32
      %add3A_241 = vector.broadcast %add3A_240 : i32 to vector<16xi32>
      %add3A_242 = arith.addi %shift_right_arithmetic3A_236, %add3A_241 : vector<16xi32>
      %select_n3A_243 = arith.select %gt3A_238, %select_n3A_232, %add3A_242 : vector<16xi1>, vector<16xi32>
      %add3A_244 = arith.addi %select_n3A_243, %select_n3A_239 : vector<16xi32>
      %shift_right_arithmetic3A_245 = arith.constant 1 : i32
      %shift_right_arithmetic3A_246 = vector.broadcast %shift_right_arithmetic3A_245 : i32 to vector<16xi32>
      %shift_right_arithmetic3A_247 = arith.shrsi %add3A_244, %shift_right_arithmetic3A_246 : vector<16xi32>
      %gather3A_248 = tpu.vector_load_idx %arg9[%shift_right_arithmetic3A_247] : memref<4096xi32, #tpu.memory_space<vmem>>[vector<16xi32>], vector<16xi32>,
      %gt3A_249 = arith.cmpi sgt, %gather3A_248, %min3A_144 : vector<16xi32>
      %select_n3A_250 = arith.select %gt3A_249, %shift_right_arithmetic3A_247, %select_n3A_239 : vector<16xi1>, vector<16xi32>
      %add3A_251 = arith.constant 1 : i32
      %add3A_252 = vector.broadcast %add3A_251 : i32 to vector<16xi32>
      %add3A_253 = arith.addi %shift_right_arithmetic3A_247, %add3A_252 : vector<16xi32>
      %select_n3A_254 = arith.select %gt3A_249, %select_n3A_243, %add3A_253 : vector<16xi1>, vector<16xi32>
      %add3A_255 = arith.addi %select_n3A_254, %select_n3A_250 : vector<16xi32>
      %shift_right_arithmetic3A_256 = arith.constant 1 : i32
      %shift_right_arithmetic3A_257 = vector.broadcast %shift_right_arithmetic3A_256 : i32 to vector<16xi32>
      %shift_right_arithmetic3A_258 = arith.shrsi %add3A_255, %shift_right_arithmetic3A_257 : vector<16xi32>
      %gather3A_259 = tpu.vector_load_idx %arg9[%shift_right_arithmetic3A_258] : memref<4096xi32, #tpu.memory_space<vmem>>[vector<16xi32>], vector<16xi32>,
      %gt3A_260 = arith.cmpi sgt, %gather3A_259, %min3A_144 : vector<16xi32>
      %select_n3A_261 = arith.select %gt3A_260, %shift_right_arithmetic3A_258, %select_n3A_250 : vector<16xi1>, vector<16xi32>
      %add3A_262 = arith.constant 1 : i32
      %add3A_263 = vector.broadcast %add3A_262 : i32 to vector<16xi32>
      %add3A_264 = arith.addi %shift_right_arithmetic3A_258, %add3A_263 : vector<16xi32>
      %select_n3A_265 = arith.select %gt3A_260, %select_n3A_254, %add3A_264 : vector<16xi1>, vector<16xi32>
      %add3A_266 = arith.addi %select_n3A_265, %select_n3A_261 : vector<16xi32>
      %shift_right_arithmetic3A_267 = arith.constant 1 : i32
      %shift_right_arithmetic3A_268 = vector.broadcast %shift_right_arithmetic3A_267 : i32 to vector<16xi32>
      %shift_right_arithmetic3A_269 = arith.shrsi %add3A_266, %shift_right_arithmetic3A_268 : vector<16xi32>
      %gather3A_270 = tpu.vector_load_idx %arg9[%shift_right_arithmetic3A_269] : memref<4096xi32, #tpu.memory_space<vmem>>[vector<16xi32>], vector<16xi32>,
      %gt3A_271 = arith.cmpi sgt, %gather3A_270, %min3A_144 : vector<16xi32>
      %select_n3A_272 = arith.select %gt3A_271, %shift_right_arithmetic3A_269, %select_n3A_261 : vector<16xi1>, vector<16xi32>
      %add3A_273 = arith.constant 1 : i32
      %add3A_274 = vector.broadcast %add3A_273 : i32 to vector<16xi32>
      %add3A_275 = arith.addi %shift_right_arithmetic3A_269, %add3A_274 : vector<16xi32>
      %select_n3A_276 = arith.select %gt3A_271, %select_n3A_265, %add3A_275 : vector<16xi1>, vector<16xi32>
      %gather3A_277 = tpu.vector_load_idx %arg8[%select_n3A_272] : memref<4096xi32, #tpu.memory_space<vmem>>[vector<16xi32>], vector<16xi32>,
      %gather3A_278 = tpu.vector_load_idx %arg9[%select_n3A_272] : memref<4096xi32, #tpu.memory_space<vmem>>[vector<16xi32>], vector<16xi32>,
      %sub3A = arith.subi %gather3A_278, %gather3A_277 : vector<16xi32>
      %sub3A_279 = arith.subi %min3A_144, %sub3A : vector<16xi32>
      %convert_element_type3A_280 = arith.sitofp %sub3A_279 : vector<16xi32> to vector<16xf32>
      %convert_element_type3A_281 = arith.sitofp %gather3A_277 : vector<16xi32> to vector<16xf32>
      %div3A = arith.divf %convert_element_type3A_280, %convert_element_type3A_281 : vector<16xf32>
      %sub3A_282 = arith.constant 1.000000e+00 : f32
      %sub3A_283 = vector.broadcast %sub3A_282 : f32 to vector<16xf32>
      %sub3A_284 = arith.subf %sub3A_283, %div3A : vector<16xf32>
      %swap3A = arith.constant 0 : index
      %swap3A_285 = tpu.vector_load %arg11[%swap3A] {strides = array<i32>} : memref<16xi32, #tpu.memory_space<vmem>>, vector<16xi32>,
      tpu.vector_store %arg11[%swap3A], %select_n3A_272 {strides = array<i32>} : memref<16xi32, #tpu.memory_space<vmem>>, vector<16xi32>,
      %swap3A_286 = arith.constant 0 : index
      %swap3A_287 = tpu.vector_load %arg12[%swap3A_286] {strides = array<i32>} : memref<16xf32, #tpu.memory_space<vmem>>, vector<16xf32>,
      tpu.vector_store %arg12[%swap3A_286], %sub3A_284 {strides = array<i32>} : memref<16xf32, #tpu.memory_space<vmem>>, vector<16xf32>,
      "tpu.region"() ({
        %run_scoped3A_288 = tpu.sem_alloc : memref<!tpu.dma_semaphore, #tpu.memory_space<semaphore_mem>>
        tpu.enqueue_dma source(%arg11 : memref<16xi32, #tpu.memory_space<vmem>>) target(%arg3 : memref<16xi32, #tpu.memory_space<hbm>>) target_semaphore(%run_scoped3A_288 : memref<!tpu.dma_semaphore, #tpu.memory_space<semaphore_mem>>)
        tpu.wait_dma2 semaphore(%run_scoped3A_288 : memref<!tpu.dma_semaphore, #tpu.memory_space<semaphore_mem>>) src(%arg11 : memref<16xi32, #tpu.memory_space<vmem>>) dst(%arg3 : memref<16xi32, #tpu.memory_space<hbm>>)
        tpu.yield
      }) : () -> ()
      "tpu.region"() ({
        %run_scoped3A_288 = tpu.sem_alloc : memref<!tpu.dma_semaphore, #tpu.memory_space<semaphore_mem>>
        tpu.enqueue_dma source(%arg12 : memref<16xf32, #tpu.memory_space<vmem>>) target(%arg4 : memref<16xf32, #tpu.memory_space<hbm>>) target_semaphore(%run_scoped3A_288 : memref<!tpu.dma_semaphore, #tpu.memory_space<semaphore_mem>>)
        tpu.wait_dma2 semaphore(%run_scoped3A_288 : memref<!tpu.dma_semaphore, #tpu.memory_space<semaphore_mem>>) src(%arg12 : memref<16xf32, #tpu.memory_space<vmem>>) dst(%arg4 : memref<16xf32, #tpu.memory_space<hbm>>)
        tpu.yield
      }) : () -> ()
    } else {
    }
    return
  }
}

module attributes {stable_mosaic.version = 14 : i64} {
  func.func @_pass_a_body(%arg0: i32, %arg1: memref<8192x100xf32, #tpu.memory_space<vmem>>, %arg2: memref<64x128xi32, #tpu.memory_space<vmem>>, %arg3: memref<100xf32, #tpu.memory_space<smem>>, %arg4: memref<64x128xf32, #tpu.memory_space<vmem>>, %arg5: memref<64x128xf32, #tpu.memory_space<vmem>>) attributes {dimension_semantics = [#tpu.dimension_semantics<arbitrary>], iteration_bounds = array<i64: 64>, scalar_prefetch = 0 : i64, scratch_operands = 0 : i64, tpu.core_type = #tpu.core_type<tc>, window_params = [{transform_indices = @transform_0, window_bounds = array<i64: 8192, 100>}, {transform_indices = @transform_1, window_bounds = array<i64: 64, 128>}, {transform_indices = @transform_2, window_bounds = array<i64: 100>}, {transform_indices = @transform_3, window_bounds = array<i64: 64, 128>}, {transform_indices = @transform_4, window_bounds = array<i64: 64, 128>}]} {
    %get3A = arith.constant 0 : index
    %get3A_0 = arith.constant 0 : index
    %get3A_1 = vector.load %arg1[%get3A, %get3A_0] : memref<8192x100xf32, #tpu.memory_space<vmem>>, vector<8192x100xf32>
    %get3A_2 = arith.constant 0 : index
    %get3A_3 = arith.constant 0 : index
    %get3A_4 = vector.load %arg2[%get3A_2, %get3A_3] : memref<64x128xi32, #tpu.memory_space<vmem>>, vector<64x128xi32>
    %convert_element_type3A = arith.sitofp %get3A_4 : vector<64x128xi32> to vector<64x128xf32>
    %iota3A = tpu.iota {dimensions = array<i32: 0>} : vector<128x128xi32>
    %iota3A_5 = tpu.iota {dimensions = array<i32: 1>} : vector<128x128xi32>
    %eq3A = arith.cmpi eq, %iota3A, %iota3A_5 : vector<128x128xi32>
    %convert_element_type3A_6 = arith.extui %eq3A : vector<128x128xi1> to vector<128x128xi32>
    %convert_element_type3A_7 = arith.sitofp %convert_element_type3A_6 : vector<128x128xi32> to vector<128x128xf32>
    %dot_general3A = arith.constant dense<0.000000e+00> : vector<128x64xf32>
    %dot_general3A_8 = tpu.matmul %convert_element_type3A_7, %convert_element_type3A, %dot_general3A {dimension_numbers = #tpu.dot_dimension_numbers<[1], [1], [0], [0], [0, 0, 1, 0], [], []>, transpose_lhs_hint = false} : vector<128x128xf32>, vector<64x128xf32>, vector<128x64xf32> -> vector<128x64xf32>
    %slice3A = vector.extract_strided_slice %dot_general3A_8 {offsets = [0, 0], sizes = [128, 1], strides = [1, 1]} : vector<128x64xf32> to vector<128x1xf32>
    %slice3A_9 = vector.extract_strided_slice %dot_general3A_8 {offsets = [0, 1], sizes = [128, 1], strides = [1, 1]} : vector<128x64xf32> to vector<128x1xf32>
    %slice3A_10 = vector.extract_strided_slice %dot_general3A_8 {offsets = [0, 2], sizes = [128, 1], strides = [1, 1]} : vector<128x64xf32> to vector<128x1xf32>
    %slice3A_11 = vector.extract_strided_slice %dot_general3A_8 {offsets = [0, 3], sizes = [128, 1], strides = [1, 1]} : vector<128x64xf32> to vector<128x1xf32>
    %slice3A_12 = vector.extract_strided_slice %dot_general3A_8 {offsets = [0, 4], sizes = [128, 1], strides = [1, 1]} : vector<128x64xf32> to vector<128x1xf32>
    %slice3A_13 = vector.extract_strided_slice %dot_general3A_8 {offsets = [0, 5], sizes = [128, 1], strides = [1, 1]} : vector<128x64xf32> to vector<128x1xf32>
    %slice3A_14 = vector.extract_strided_slice %dot_general3A_8 {offsets = [0, 6], sizes = [128, 1], strides = [1, 1]} : vector<128x64xf32> to vector<128x1xf32>
    %slice3A_15 = vector.extract_strided_slice %dot_general3A_8 {offsets = [0, 7], sizes = [128, 1], strides = [1, 1]} : vector<128x64xf32> to vector<128x1xf32>
    %slice3A_16 = vector.extract_strided_slice %dot_general3A_8 {offsets = [0, 8], sizes = [128, 1], strides = [1, 1]} : vector<128x64xf32> to vector<128x1xf32>
    %slice3A_17 = vector.extract_strided_slice %dot_general3A_8 {offsets = [0, 9], sizes = [128, 1], strides = [1, 1]} : vector<128x64xf32> to vector<128x1xf32>
    %slice3A_18 = vector.extract_strided_slice %dot_general3A_8 {offsets = [0, 10], sizes = [128, 1], strides = [1, 1]} : vector<128x64xf32> to vector<128x1xf32>
    %slice3A_19 = vector.extract_strided_slice %dot_general3A_8 {offsets = [0, 11], sizes = [128, 1], strides = [1, 1]} : vector<128x64xf32> to vector<128x1xf32>
    %slice3A_20 = vector.extract_strided_slice %dot_general3A_8 {offsets = [0, 12], sizes = [128, 1], strides = [1, 1]} : vector<128x64xf32> to vector<128x1xf32>
    %slice3A_21 = vector.extract_strided_slice %dot_general3A_8 {offsets = [0, 13], sizes = [128, 1], strides = [1, 1]} : vector<128x64xf32> to vector<128x1xf32>
    %slice3A_22 = vector.extract_strided_slice %dot_general3A_8 {offsets = [0, 14], sizes = [128, 1], strides = [1, 1]} : vector<128x64xf32> to vector<128x1xf32>
    %slice3A_23 = vector.extract_strided_slice %dot_general3A_8 {offsets = [0, 15], sizes = [128, 1], strides = [1, 1]} : vector<128x64xf32> to vector<128x1xf32>
    %slice3A_24 = vector.extract_strided_slice %dot_general3A_8 {offsets = [0, 16], sizes = [128, 1], strides = [1, 1]} : vector<128x64xf32> to vector<128x1xf32>
    %slice3A_25 = vector.extract_strided_slice %dot_general3A_8 {offsets = [0, 17], sizes = [128, 1], strides = [1, 1]} : vector<128x64xf32> to vector<128x1xf32>
    %slice3A_26 = vector.extract_strided_slice %dot_general3A_8 {offsets = [0, 18], sizes = [128, 1], strides = [1, 1]} : vector<128x64xf32> to vector<128x1xf32>
    %slice3A_27 = vector.extract_strided_slice %dot_general3A_8 {offsets = [0, 19], sizes = [128, 1], strides = [1, 1]} : vector<128x64xf32> to vector<128x1xf32>
    %slice3A_28 = vector.extract_strided_slice %dot_general3A_8 {offsets = [0, 20], sizes = [128, 1], strides = [1, 1]} : vector<128x64xf32> to vector<128x1xf32>
    %slice3A_29 = vector.extract_strided_slice %dot_general3A_8 {offsets = [0, 21], sizes = [128, 1], strides = [1, 1]} : vector<128x64xf32> to vector<128x1xf32>
    %slice3A_30 = vector.extract_strided_slice %dot_general3A_8 {offsets = [0, 22], sizes = [128, 1], strides = [1, 1]} : vector<128x64xf32> to vector<128x1xf32>
    %slice3A_31 = vector.extract_strided_slice %dot_general3A_8 {offsets = [0, 23], sizes = [128, 1], strides = [1, 1]} : vector<128x64xf32> to vector<128x1xf32>
    %slice3A_32 = vector.extract_strided_slice %dot_general3A_8 {offsets = [0, 24], sizes = [128, 1], strides = [1, 1]} : vector<128x64xf32> to vector<128x1xf32>
    %slice3A_33 = vector.extract_strided_slice %dot_general3A_8 {offsets = [0, 25], sizes = [128, 1], strides = [1, 1]} : vector<128x64xf32> to vector<128x1xf32>
    %slice3A_34 = vector.extract_strided_slice %dot_general3A_8 {offsets = [0, 26], sizes = [128, 1], strides = [1, 1]} : vector<128x64xf32> to vector<128x1xf32>
    %slice3A_35 = vector.extract_strided_slice %dot_general3A_8 {offsets = [0, 27], sizes = [128, 1], strides = [1, 1]} : vector<128x64xf32> to vector<128x1xf32>
    %slice3A_36 = vector.extract_strided_slice %dot_general3A_8 {offsets = [0, 28], sizes = [128, 1], strides = [1, 1]} : vector<128x64xf32> to vector<128x1xf32>
    %slice3A_37 = vector.extract_strided_slice %dot_general3A_8 {offsets = [0, 29], sizes = [128, 1], strides = [1, 1]} : vector<128x64xf32> to vector<128x1xf32>
    %slice3A_38 = vector.extract_strided_slice %dot_general3A_8 {offsets = [0, 30], sizes = [128, 1], strides = [1, 1]} : vector<128x64xf32> to vector<128x1xf32>
    %slice3A_39 = vector.extract_strided_slice %dot_general3A_8 {offsets = [0, 31], sizes = [128, 1], strides = [1, 1]} : vector<128x64xf32> to vector<128x1xf32>
    %slice3A_40 = vector.extract_strided_slice %dot_general3A_8 {offsets = [0, 32], sizes = [128, 1], strides = [1, 1]} : vector<128x64xf32> to vector<128x1xf32>
    %slice3A_41 = vector.extract_strided_slice %dot_general3A_8 {offsets = [0, 33], sizes = [128, 1], strides = [1, 1]} : vector<128x64xf32> to vector<128x1xf32>
    %slice3A_42 = vector.extract_strided_slice %dot_general3A_8 {offsets = [0, 34], sizes = [128, 1], strides = [1, 1]} : vector<128x64xf32> to vector<128x1xf32>
    %slice3A_43 = vector.extract_strided_slice %dot_general3A_8 {offsets = [0, 35], sizes = [128, 1], strides = [1, 1]} : vector<128x64xf32> to vector<128x1xf32>
    %slice3A_44 = vector.extract_strided_slice %dot_general3A_8 {offsets = [0, 36], sizes = [128, 1], strides = [1, 1]} : vector<128x64xf32> to vector<128x1xf32>
    %slice3A_45 = vector.extract_strided_slice %dot_general3A_8 {offsets = [0, 37], sizes = [128, 1], strides = [1, 1]} : vector<128x64xf32> to vector<128x1xf32>
    %slice3A_46 = vector.extract_strided_slice %dot_general3A_8 {offsets = [0, 38], sizes = [128, 1], strides = [1, 1]} : vector<128x64xf32> to vector<128x1xf32>
    %slice3A_47 = vector.extract_strided_slice %dot_general3A_8 {offsets = [0, 39], sizes = [128, 1], strides = [1, 1]} : vector<128x64xf32> to vector<128x1xf32>
    %slice3A_48 = vector.extract_strided_slice %dot_general3A_8 {offsets = [0, 40], sizes = [128, 1], strides = [1, 1]} : vector<128x64xf32> to vector<128x1xf32>
    %slice3A_49 = vector.extract_strided_slice %dot_general3A_8 {offsets = [0, 41], sizes = [128, 1], strides = [1, 1]} : vector<128x64xf32> to vector<128x1xf32>
    %slice3A_50 = vector.extract_strided_slice %dot_general3A_8 {offsets = [0, 42], sizes = [128, 1], strides = [1, 1]} : vector<128x64xf32> to vector<128x1xf32>
    %slice3A_51 = vector.extract_strided_slice %dot_general3A_8 {offsets = [0, 43], sizes = [128, 1], strides = [1, 1]} : vector<128x64xf32> to vector<128x1xf32>
    %slice3A_52 = vector.extract_strided_slice %dot_general3A_8 {offsets = [0, 44], sizes = [128, 1], strides = [1, 1]} : vector<128x64xf32> to vector<128x1xf32>
    %slice3A_53 = vector.extract_strided_slice %dot_general3A_8 {offsets = [0, 45], sizes = [128, 1], strides = [1, 1]} : vector<128x64xf32> to vector<128x1xf32>
    %slice3A_54 = vector.extract_strided_slice %dot_general3A_8 {offsets = [0, 46], sizes = [128, 1], strides = [1, 1]} : vector<128x64xf32> to vector<128x1xf32>
    %slice3A_55 = vector.extract_strided_slice %dot_general3A_8 {offsets = [0, 47], sizes = [128, 1], strides = [1, 1]} : vector<128x64xf32> to vector<128x1xf32>
    %slice3A_56 = vector.extract_strided_slice %dot_general3A_8 {offsets = [0, 48], sizes = [128, 1], strides = [1, 1]} : vector<128x64xf32> to vector<128x1xf32>
    %slice3A_57 = vector.extract_strided_slice %dot_general3A_8 {offsets = [0, 49], sizes = [128, 1], strides = [1, 1]} : vector<128x64xf32> to vector<128x1xf32>
    %slice3A_58 = vector.extract_strided_slice %dot_general3A_8 {offsets = [0, 50], sizes = [128, 1], strides = [1, 1]} : vector<128x64xf32> to vector<128x1xf32>
    %slice3A_59 = vector.extract_strided_slice %dot_general3A_8 {offsets = [0, 51], sizes = [128, 1], strides = [1, 1]} : vector<128x64xf32> to vector<128x1xf32>
    %slice3A_60 = vector.extract_strided_slice %dot_general3A_8 {offsets = [0, 52], sizes = [128, 1], strides = [1, 1]} : vector<128x64xf32> to vector<128x1xf32>
    %slice3A_61 = vector.extract_strided_slice %dot_general3A_8 {offsets = [0, 53], sizes = [128, 1], strides = [1, 1]} : vector<128x64xf32> to vector<128x1xf32>
    %slice3A_62 = vector.extract_strided_slice %dot_general3A_8 {offsets = [0, 54], sizes = [128, 1], strides = [1, 1]} : vector<128x64xf32> to vector<128x1xf32>
    %slice3A_63 = vector.extract_strided_slice %dot_general3A_8 {offsets = [0, 55], sizes = [128, 1], strides = [1, 1]} : vector<128x64xf32> to vector<128x1xf32>
    %slice3A_64 = vector.extract_strided_slice %dot_general3A_8 {offsets = [0, 56], sizes = [128, 1], strides = [1, 1]} : vector<128x64xf32> to vector<128x1xf32>
    %slice3A_65 = vector.extract_strided_slice %dot_general3A_8 {offsets = [0, 57], sizes = [128, 1], strides = [1, 1]} : vector<128x64xf32> to vector<128x1xf32>
    %slice3A_66 = vector.extract_strided_slice %dot_general3A_8 {offsets = [0, 58], sizes = [128, 1], strides = [1, 1]} : vector<128x64xf32> to vector<128x1xf32>
    %slice3A_67 = vector.extract_strided_slice %dot_general3A_8 {offsets = [0, 59], sizes = [128, 1], strides = [1, 1]} : vector<128x64xf32> to vector<128x1xf32>
    %slice3A_68 = vector.extract_strided_slice %dot_general3A_8 {offsets = [0, 60], sizes = [128, 1], strides = [1, 1]} : vector<128x64xf32> to vector<128x1xf32>
    %slice3A_69 = vector.extract_strided_slice %dot_general3A_8 {offsets = [0, 61], sizes = [128, 1], strides = [1, 1]} : vector<128x64xf32> to vector<128x1xf32>
    %slice3A_70 = vector.extract_strided_slice %dot_general3A_8 {offsets = [0, 62], sizes = [128, 1], strides = [1, 1]} : vector<128x64xf32> to vector<128x1xf32>
    %slice3A_71 = vector.extract_strided_slice %dot_general3A_8 {offsets = [0, 63], sizes = [128, 1], strides = [1, 1]} : vector<128x64xf32> to vector<128x1xf32>
    %concatenate3A = tpu.concatenate %slice3A, %slice3A_9, %slice3A_10, %slice3A_11, %slice3A_12, %slice3A_13, %slice3A_14, %slice3A_15, %slice3A_16, %slice3A_17, %slice3A_18, %slice3A_19, %slice3A_20, %slice3A_21, %slice3A_22, %slice3A_23, %slice3A_24, %slice3A_25, %slice3A_26, %slice3A_27, %slice3A_28, %slice3A_29, %slice3A_30, %slice3A_31, %slice3A_32, %slice3A_33, %slice3A_34, %slice3A_35, %slice3A_36, %slice3A_37, %slice3A_38, %slice3A_39, %slice3A_40, %slice3A_41, %slice3A_42, %slice3A_43, %slice3A_44, %slice3A_45, %slice3A_46, %slice3A_47, %slice3A_48, %slice3A_49, %slice3A_50, %slice3A_51, %slice3A_52, %slice3A_53, %slice3A_54, %slice3A_55, %slice3A_56, %slice3A_57, %slice3A_58, %slice3A_59, %slice3A_60, %slice3A_61, %slice3A_62, %slice3A_63, %slice3A_64, %slice3A_65, %slice3A_66, %slice3A_67, %slice3A_68, %slice3A_69, %slice3A_70, %slice3A_71 in 0 : vector<128x1xf32>, vector<128x1xf32>, vector<128x1xf32>, vector<128x1xf32>, vector<128x1xf32>, vector<128x1xf32>, vector<128x1xf32>, vector<128x1xf32>, vector<128x1xf32>, vector<128x1xf32>, vector<128x1xf32>, vector<128x1xf32>, vector<128x1xf32>, vector<128x1xf32>, vector<128x1xf32>, vector<128x1xf32>, vector<128x1xf32>, vector<128x1xf32>, vector<128x1xf32>, vector<128x1xf32>, vector<128x1xf32>, vector<128x1xf32>, vector<128x1xf32>, vector<128x1xf32>, vector<128x1xf32>, vector<128x1xf32>, vector<128x1xf32>, vector<128x1xf32>, vector<128x1xf32>, vector<128x1xf32>, vector<128x1xf32>, vector<128x1xf32>, vector<128x1xf32>, vector<128x1xf32>, vector<128x1xf32>, vector<128x1xf32>, vector<128x1xf32>, vector<128x1xf32>, vector<128x1xf32>, vector<128x1xf32>, vector<128x1xf32>, vector<128x1xf32>, vector<128x1xf32>, vector<128x1xf32>, vector<128x1xf32>, vector<128x1xf32>, vector<128x1xf32>, vector<128x1xf32>, vector<128x1xf32>, vector<128x1xf32>, vector<128x1xf32>, vector<128x1xf32>, vector<128x1xf32>, vector<128x1xf32>, vector<128x1xf32>, vector<128x1xf32>, vector<128x1xf32>, vector<128x1xf32>, vector<128x1xf32>, vector<128x1xf32>, vector<128x1xf32>, vector<128x1xf32>, vector<128x1xf32>, vector<128x1xf32> -> vector<8192x1xf32>
    %broadcast_in_dim3A = arith.constant 1.000000e+00 : f32
    %broadcast_in_dim3A_72 = vector.broadcast %broadcast_in_dim3A : f32 to vector<100x1xf32>
    %exp3A = math.exp %get3A_1 : vector<8192x100xf32>
    %dot_general3A_73 = arith.constant dense<0.000000e+00> : vector<8192x1xf32>
    %dot_general3A_74 = tpu.matmul %exp3A, %broadcast_in_dim3A_72, %dot_general3A_73 {dimension_numbers = #tpu.dot_dimension_numbers<[1], [0], [0], [1], [0, 0, 1, 1], [], []>, transpose_lhs_hint = false} : vector<8192x100xf32>, vector<100x1xf32>, vector<8192x1xf32> -> vector<8192x1xf32>
    %iota3A_75 = tpu.iota {dimensions = array<i32: 1>} : vector<8192x100xi32>
    %convert_element_type3A_76 = arith.sitofp %iota3A_75 : vector<8192x100xi32> to vector<8192x100xf32>
    %eq3A_77 = vector.broadcast %concatenate3A : vector<8192x1xf32> to vector<8192x100xf32>
    %eq3A_78 = arith.cmpf oeq, %convert_element_type3A_76, %eq3A_77 : vector<8192x100xf32>
    %jit3A = arith.constant 0.000000e+00 : f32
    %broadcast_in_dim3A_79 = vector.broadcast %jit3A : f32 to vector<8192x100xf32>
    %select_n3A = arith.select %eq3A_78, %get3A_1, %broadcast_in_dim3A_79 : vector<8192x100xi1>, vector<8192x100xf32>
    %dot_general3A_80 = arith.constant dense<0.000000e+00> : vector<8192x1xf32>
    %dot_general3A_81 = tpu.matmul %select_n3A, %broadcast_in_dim3A_72, %dot_general3A_80 {dimension_numbers = #tpu.dot_dimension_numbers<[1], [0], [0], [1], [0, 0, 1, 1], [], []>, transpose_lhs_hint = false} : vector<8192x100xf32>, vector<100x1xf32>, vector<8192x1xf32> -> vector<8192x1xf32>
    %concatenate3A_82 = tpu.concatenate %dot_general3A_74, %dot_general3A_81 in 1 : vector<8192x1xf32>, vector<8192x1xf32> -> vector<8192x2xf32>
    %slice3A_83 = vector.extract_strided_slice %concatenate3A_82 {offsets = [0, 0], sizes = [128, 2], strides = [1, 1]} : vector<8192x2xf32> to vector<128x2xf32>
    %dot_general3A_84 = arith.constant dense<0.000000e+00> : vector<2x128xf32>
    %dot_general3A_85 = tpu.matmul %slice3A_83, %convert_element_type3A_7, %dot_general3A_84 {dimension_numbers = #tpu.dot_dimension_numbers<[0], [0], [1], [1], [0, 1, 1, 1], [], []>, transpose_lhs_hint = false} : vector<128x2xf32>, vector<128x128xf32>, vector<2x128xf32> -> vector<2x128xf32>
    %slice3A_86 = vector.extract_strided_slice %concatenate3A_82 {offsets = [128, 0], sizes = [128, 2], strides = [1, 1]} : vector<8192x2xf32> to vector<128x2xf32>
    %dot_general3A_87 = arith.constant dense<0.000000e+00> : vector<2x128xf32>
    %dot_general3A_88 = tpu.matmul %slice3A_86, %convert_element_type3A_7, %dot_general3A_87 {dimension_numbers = #tpu.dot_dimension_numbers<[0], [0], [1], [1], [0, 1, 1, 1], [], []>, transpose_lhs_hint = false} : vector<128x2xf32>, vector<128x128xf32>, vector<2x128xf32> -> vector<2x128xf32>
    %slice3A_89 = vector.extract_strided_slice %concatenate3A_82 {offsets = [256, 0], sizes = [128, 2], strides = [1, 1]} : vector<8192x2xf32> to vector<128x2xf32>
    %dot_general3A_90 = arith.constant dense<0.000000e+00> : vector<2x128xf32>
    %dot_general3A_91 = tpu.matmul %slice3A_89, %convert_element_type3A_7, %dot_general3A_90 {dimension_numbers = #tpu.dot_dimension_numbers<[0], [0], [1], [1], [0, 1, 1, 1], [], []>, transpose_lhs_hint = false} : vector<128x2xf32>, vector<128x128xf32>, vector<2x128xf32> -> vector<2x128xf32>
    %slice3A_92 = vector.extract_strided_slice %concatenate3A_82 {offsets = [384, 0], sizes = [128, 2], strides = [1, 1]} : vector<8192x2xf32> to vector<128x2xf32>
    %dot_general3A_93 = arith.constant dense<0.000000e+00> : vector<2x128xf32>
    %dot_general3A_94 = tpu.matmul %slice3A_92, %convert_element_type3A_7, %dot_general3A_93 {dimension_numbers = #tpu.dot_dimension_numbers<[0], [0], [1], [1], [0, 1, 1, 1], [], []>, transpose_lhs_hint = false} : vector<128x2xf32>, vector<128x128xf32>, vector<2x128xf32> -> vector<2x128xf32>
    %slice3A_95 = vector.extract_strided_slice %concatenate3A_82 {offsets = [512, 0], sizes = [128, 2], strides = [1, 1]} : vector<8192x2xf32> to vector<128x2xf32>
    %dot_general3A_96 = arith.constant dense<0.000000e+00> : vector<2x128xf32>
    %dot_general3A_97 = tpu.matmul %slice3A_95, %convert_element_type3A_7, %dot_general3A_96 {dimension_numbers = #tpu.dot_dimension_numbers<[0], [0], [1], [1], [0, 1, 1, 1], [], []>, transpose_lhs_hint = false} : vector<128x2xf32>, vector<128x128xf32>, vector<2x128xf32> -> vector<2x128xf32>
    %slice3A_98 = vector.extract_strided_slice %concatenate3A_82 {offsets = [640, 0], sizes = [128, 2], strides = [1, 1]} : vector<8192x2xf32> to vector<128x2xf32>
    %dot_general3A_99 = arith.constant dense<0.000000e+00> : vector<2x128xf32>
    %dot_general3A_100 = tpu.matmul %slice3A_98, %convert_element_type3A_7, %dot_general3A_99 {dimension_numbers = #tpu.dot_dimension_numbers<[0], [0], [1], [1], [0, 1, 1, 1], [], []>, transpose_lhs_hint = false} : vector<128x2xf32>, vector<128x128xf32>, vector<2x128xf32> -> vector<2x128xf32>
    %slice3A_101 = vector.extract_strided_slice %concatenate3A_82 {offsets = [768, 0], sizes = [128, 2], strides = [1, 1]} : vector<8192x2xf32> to vector<128x2xf32>
    %dot_general3A_102 = arith.constant dense<0.000000e+00> : vector<2x128xf32>
    %dot_general3A_103 = tpu.matmul %slice3A_101, %convert_element_type3A_7, %dot_general3A_102 {dimension_numbers = #tpu.dot_dimension_numbers<[0], [0], [1], [1], [0, 1, 1, 1], [], []>, transpose_lhs_hint = false} : vector<128x2xf32>, vector<128x128xf32>, vector<2x128xf32> -> vector<2x128xf32>
    %slice3A_104 = vector.extract_strided_slice %concatenate3A_82 {offsets = [896, 0], sizes = [128, 2], strides = [1, 1]} : vector<8192x2xf32> to vector<128x2xf32>
    %dot_general3A_105 = arith.constant dense<0.000000e+00> : vector<2x128xf32>
    %dot_general3A_106 = tpu.matmul %slice3A_104, %convert_element_type3A_7, %dot_general3A_105 {dimension_numbers = #tpu.dot_dimension_numbers<[0], [0], [1], [1], [0, 1, 1, 1], [], []>, transpose_lhs_hint = false} : vector<128x2xf32>, vector<128x128xf32>, vector<2x128xf32> -> vector<2x128xf32>
    %slice3A_107 = vector.extract_strided_slice %concatenate3A_82 {offsets = [1024, 0], sizes = [128, 2], strides = [1, 1]} : vector<8192x2xf32> to vector<128x2xf32>
    %dot_general3A_108 = arith.constant dense<0.000000e+00> : vector<2x128xf32>
    %dot_general3A_109 = tpu.matmul %slice3A_107, %convert_element_type3A_7, %dot_general3A_108 {dimension_numbers = #tpu.dot_dimension_numbers<[0], [0], [1], [1], [0, 1, 1, 1], [], []>, transpose_lhs_hint = false} : vector<128x2xf32>, vector<128x128xf32>, vector<2x128xf32> -> vector<2x128xf32>
    %slice3A_110 = vector.extract_strided_slice %concatenate3A_82 {offsets = [1152, 0], sizes = [128, 2], strides = [1, 1]} : vector<8192x2xf32> to vector<128x2xf32>
    %dot_general3A_111 = arith.constant dense<0.000000e+00> : vector<2x128xf32>
    %dot_general3A_112 = tpu.matmul %slice3A_110, %convert_element_type3A_7, %dot_general3A_111 {dimension_numbers = #tpu.dot_dimension_numbers<[0], [0], [1], [1], [0, 1, 1, 1], [], []>, transpose_lhs_hint = false} : vector<128x2xf32>, vector<128x128xf32>, vector<2x128xf32> -> vector<2x128xf32>
    %slice3A_113 = vector.extract_strided_slice %concatenate3A_82 {offsets = [1280, 0], sizes = [128, 2], strides = [1, 1]} : vector<8192x2xf32> to vector<128x2xf32>
    %dot_general3A_114 = arith.constant dense<0.000000e+00> : vector<2x128xf32>
    %dot_general3A_115 = tpu.matmul %slice3A_113, %convert_element_type3A_7, %dot_general3A_114 {dimension_numbers = #tpu.dot_dimension_numbers<[0], [0], [1], [1], [0, 1, 1, 1], [], []>, transpose_lhs_hint = false} : vector<128x2xf32>, vector<128x128xf32>, vector<2x128xf32> -> vector<2x128xf32>
    %slice3A_116 = vector.extract_strided_slice %concatenate3A_82 {offsets = [1408, 0], sizes = [128, 2], strides = [1, 1]} : vector<8192x2xf32> to vector<128x2xf32>
    %dot_general3A_117 = arith.constant dense<0.000000e+00> : vector<2x128xf32>
    %dot_general3A_118 = tpu.matmul %slice3A_116, %convert_element_type3A_7, %dot_general3A_117 {dimension_numbers = #tpu.dot_dimension_numbers<[0], [0], [1], [1], [0, 1, 1, 1], [], []>, transpose_lhs_hint = false} : vector<128x2xf32>, vector<128x128xf32>, vector<2x128xf32> -> vector<2x128xf32>
    %slice3A_119 = vector.extract_strided_slice %concatenate3A_82 {offsets = [1536, 0], sizes = [128, 2], strides = [1, 1]} : vector<8192x2xf32> to vector<128x2xf32>
    %dot_general3A_120 = arith.constant dense<0.000000e+00> : vector<2x128xf32>
    %dot_general3A_121 = tpu.matmul %slice3A_119, %convert_element_type3A_7, %dot_general3A_120 {dimension_numbers = #tpu.dot_dimension_numbers<[0], [0], [1], [1], [0, 1, 1, 1], [], []>, transpose_lhs_hint = false} : vector<128x2xf32>, vector<128x128xf32>, vector<2x128xf32> -> vector<2x128xf32>
    %slice3A_122 = vector.extract_strided_slice %concatenate3A_82 {offsets = [1664, 0], sizes = [128, 2], strides = [1, 1]} : vector<8192x2xf32> to vector<128x2xf32>
    %dot_general3A_123 = arith.constant dense<0.000000e+00> : vector<2x128xf32>
    %dot_general3A_124 = tpu.matmul %slice3A_122, %convert_element_type3A_7, %dot_general3A_123 {dimension_numbers = #tpu.dot_dimension_numbers<[0], [0], [1], [1], [0, 1, 1, 1], [], []>, transpose_lhs_hint = false} : vector<128x2xf32>, vector<128x128xf32>, vector<2x128xf32> -> vector<2x128xf32>
    %slice3A_125 = vector.extract_strided_slice %concatenate3A_82 {offsets = [1792, 0], sizes = [128, 2], strides = [1, 1]} : vector<8192x2xf32> to vector<128x2xf32>
    %dot_general3A_126 = arith.constant dense<0.000000e+00> : vector<2x128xf32>
    %dot_general3A_127 = tpu.matmul %slice3A_125, %convert_element_type3A_7, %dot_general3A_126 {dimension_numbers = #tpu.dot_dimension_numbers<[0], [0], [1], [1], [0, 1, 1, 1], [], []>, transpose_lhs_hint = false} : vector<128x2xf32>, vector<128x128xf32>, vector<2x128xf32> -> vector<2x128xf32>
    %slice3A_128 = vector.extract_strided_slice %concatenate3A_82 {offsets = [1920, 0], sizes = [128, 2], strides = [1, 1]} : vector<8192x2xf32> to vector<128x2xf32>
    %dot_general3A_129 = arith.constant dense<0.000000e+00> : vector<2x128xf32>
    %dot_general3A_130 = tpu.matmul %slice3A_128, %convert_element_type3A_7, %dot_general3A_129 {dimension_numbers = #tpu.dot_dimension_numbers<[0], [0], [1], [1], [0, 1, 1, 1], [], []>, transpose_lhs_hint = false} : vector<128x2xf32>, vector<128x128xf32>, vector<2x128xf32> -> vector<2x128xf32>
    %slice3A_131 = vector.extract_strided_slice %concatenate3A_82 {offsets = [2048, 0], sizes = [128, 2], strides = [1, 1]} : vector<8192x2xf32> to vector<128x2xf32>
    %dot_general3A_132 = arith.constant dense<0.000000e+00> : vector<2x128xf32>
    %dot_general3A_133 = tpu.matmul %slice3A_131, %convert_element_type3A_7, %dot_general3A_132 {dimension_numbers = #tpu.dot_dimension_numbers<[0], [0], [1], [1], [0, 1, 1, 1], [], []>, transpose_lhs_hint = false} : vector<128x2xf32>, vector<128x128xf32>, vector<2x128xf32> -> vector<2x128xf32>
    %slice3A_134 = vector.extract_strided_slice %concatenate3A_82 {offsets = [2176, 0], sizes = [128, 2], strides = [1, 1]} : vector<8192x2xf32> to vector<128x2xf32>
    %dot_general3A_135 = arith.constant dense<0.000000e+00> : vector<2x128xf32>
    %dot_general3A_136 = tpu.matmul %slice3A_134, %convert_element_type3A_7, %dot_general3A_135 {dimension_numbers = #tpu.dot_dimension_numbers<[0], [0], [1], [1], [0, 1, 1, 1], [], []>, transpose_lhs_hint = false} : vector<128x2xf32>, vector<128x128xf32>, vector<2x128xf32> -> vector<2x128xf32>
    %slice3A_137 = vector.extract_strided_slice %concatenate3A_82 {offsets = [2304, 0], sizes = [128, 2], strides = [1, 1]} : vector<8192x2xf32> to vector<128x2xf32>
    %dot_general3A_138 = arith.constant dense<0.000000e+00> : vector<2x128xf32>
    %dot_general3A_139 = tpu.matmul %slice3A_137, %convert_element_type3A_7, %dot_general3A_138 {dimension_numbers = #tpu.dot_dimension_numbers<[0], [0], [1], [1], [0, 1, 1, 1], [], []>, transpose_lhs_hint = false} : vector<128x2xf32>, vector<128x128xf32>, vector<2x128xf32> -> vector<2x128xf32>
    %slice3A_140 = vector.extract_strided_slice %concatenate3A_82 {offsets = [2432, 0], sizes = [128, 2], strides = [1, 1]} : vector<8192x2xf32> to vector<128x2xf32>
    %dot_general3A_141 = arith.constant dense<0.000000e+00> : vector<2x128xf32>
    %dot_general3A_142 = tpu.matmul %slice3A_140, %convert_element_type3A_7, %dot_general3A_141 {dimension_numbers = #tpu.dot_dimension_numbers<[0], [0], [1], [1], [0, 1, 1, 1], [], []>, transpose_lhs_hint = false} : vector<128x2xf32>, vector<128x128xf32>, vector<2x128xf32> -> vector<2x128xf32>
    %slice3A_143 = vector.extract_strided_slice %concatenate3A_82 {offsets = [2560, 0], sizes = [128, 2], strides = [1, 1]} : vector<8192x2xf32> to vector<128x2xf32>
    %dot_general3A_144 = arith.constant dense<0.000000e+00> : vector<2x128xf32>
    %dot_general3A_145 = tpu.matmul %slice3A_143, %convert_element_type3A_7, %dot_general3A_144 {dimension_numbers = #tpu.dot_dimension_numbers<[0], [0], [1], [1], [0, 1, 1, 1], [], []>, transpose_lhs_hint = false} : vector<128x2xf32>, vector<128x128xf32>, vector<2x128xf32> -> vector<2x128xf32>
    %slice3A_146 = vector.extract_strided_slice %concatenate3A_82 {offsets = [2688, 0], sizes = [128, 2], strides = [1, 1]} : vector<8192x2xf32> to vector<128x2xf32>
    %dot_general3A_147 = arith.constant dense<0.000000e+00> : vector<2x128xf32>
    %dot_general3A_148 = tpu.matmul %slice3A_146, %convert_element_type3A_7, %dot_general3A_147 {dimension_numbers = #tpu.dot_dimension_numbers<[0], [0], [1], [1], [0, 1, 1, 1], [], []>, transpose_lhs_hint = false} : vector<128x2xf32>, vector<128x128xf32>, vector<2x128xf32> -> vector<2x128xf32>
    %slice3A_149 = vector.extract_strided_slice %concatenate3A_82 {offsets = [2816, 0], sizes = [128, 2], strides = [1, 1]} : vector<8192x2xf32> to vector<128x2xf32>
    %dot_general3A_150 = arith.constant dense<0.000000e+00> : vector<2x128xf32>
    %dot_general3A_151 = tpu.matmul %slice3A_149, %convert_element_type3A_7, %dot_general3A_150 {dimension_numbers = #tpu.dot_dimension_numbers<[0], [0], [1], [1], [0, 1, 1, 1], [], []>, transpose_lhs_hint = false} : vector<128x2xf32>, vector<128x128xf32>, vector<2x128xf32> -> vector<2x128xf32>
    %slice3A_152 = vector.extract_strided_slice %concatenate3A_82 {offsets = [2944, 0], sizes = [128, 2], strides = [1, 1]} : vector<8192x2xf32> to vector<128x2xf32>
    %dot_general3A_153 = arith.constant dense<0.000000e+00> : vector<2x128xf32>
    %dot_general3A_154 = tpu.matmul %slice3A_152, %convert_element_type3A_7, %dot_general3A_153 {dimension_numbers = #tpu.dot_dimension_numbers<[0], [0], [1], [1], [0, 1, 1, 1], [], []>, transpose_lhs_hint = false} : vector<128x2xf32>, vector<128x128xf32>, vector<2x128xf32> -> vector<2x128xf32>
    %slice3A_155 = vector.extract_strided_slice %concatenate3A_82 {offsets = [3072, 0], sizes = [128, 2], strides = [1, 1]} : vector<8192x2xf32> to vector<128x2xf32>
    %dot_general3A_156 = arith.constant dense<0.000000e+00> : vector<2x128xf32>
    %dot_general3A_157 = tpu.matmul %slice3A_155, %convert_element_type3A_7, %dot_general3A_156 {dimension_numbers = #tpu.dot_dimension_numbers<[0], [0], [1], [1], [0, 1, 1, 1], [], []>, transpose_lhs_hint = false} : vector<128x2xf32>, vector<128x128xf32>, vector<2x128xf32> -> vector<2x128xf32>
    %slice3A_158 = vector.extract_strided_slice %concatenate3A_82 {offsets = [3200, 0], sizes = [128, 2], strides = [1, 1]} : vector<8192x2xf32> to vector<128x2xf32>
    %dot_general3A_159 = arith.constant dense<0.000000e+00> : vector<2x128xf32>
    %dot_general3A_160 = tpu.matmul %slice3A_158, %convert_element_type3A_7, %dot_general3A_159 {dimension_numbers = #tpu.dot_dimension_numbers<[0], [0], [1], [1], [0, 1, 1, 1], [], []>, transpose_lhs_hint = false} : vector<128x2xf32>, vector<128x128xf32>, vector<2x128xf32> -> vector<2x128xf32>
    %slice3A_161 = vector.extract_strided_slice %concatenate3A_82 {offsets = [3328, 0], sizes = [128, 2], strides = [1, 1]} : vector<8192x2xf32> to vector<128x2xf32>
    %dot_general3A_162 = arith.constant dense<0.000000e+00> : vector<2x128xf32>
    %dot_general3A_163 = tpu.matmul %slice3A_161, %convert_element_type3A_7, %dot_general3A_162 {dimension_numbers = #tpu.dot_dimension_numbers<[0], [0], [1], [1], [0, 1, 1, 1], [], []>, transpose_lhs_hint = false} : vector<128x2xf32>, vector<128x128xf32>, vector<2x128xf32> -> vector<2x128xf32>
    %slice3A_164 = vector.extract_strided_slice %concatenate3A_82 {offsets = [3456, 0], sizes = [128, 2], strides = [1, 1]} : vector<8192x2xf32> to vector<128x2xf32>
    %dot_general3A_165 = arith.constant dense<0.000000e+00> : vector<2x128xf32>
    %dot_general3A_166 = tpu.matmul %slice3A_164, %convert_element_type3A_7, %dot_general3A_165 {dimension_numbers = #tpu.dot_dimension_numbers<[0], [0], [1], [1], [0, 1, 1, 1], [], []>, transpose_lhs_hint = false} : vector<128x2xf32>, vector<128x128xf32>, vector<2x128xf32> -> vector<2x128xf32>
    %slice3A_167 = vector.extract_strided_slice %concatenate3A_82 {offsets = [3584, 0], sizes = [128, 2], strides = [1, 1]} : vector<8192x2xf32> to vector<128x2xf32>
    %dot_general3A_168 = arith.constant dense<0.000000e+00> : vector<2x128xf32>
    %dot_general3A_169 = tpu.matmul %slice3A_167, %convert_element_type3A_7, %dot_general3A_168 {dimension_numbers = #tpu.dot_dimension_numbers<[0], [0], [1], [1], [0, 1, 1, 1], [], []>, transpose_lhs_hint = false} : vector<128x2xf32>, vector<128x128xf32>, vector<2x128xf32> -> vector<2x128xf32>
    %slice3A_170 = vector.extract_strided_slice %concatenate3A_82 {offsets = [3712, 0], sizes = [128, 2], strides = [1, 1]} : vector<8192x2xf32> to vector<128x2xf32>
    %dot_general3A_171 = arith.constant dense<0.000000e+00> : vector<2x128xf32>
    %dot_general3A_172 = tpu.matmul %slice3A_170, %convert_element_type3A_7, %dot_general3A_171 {dimension_numbers = #tpu.dot_dimension_numbers<[0], [0], [1], [1], [0, 1, 1, 1], [], []>, transpose_lhs_hint = false} : vector<128x2xf32>, vector<128x128xf32>, vector<2x128xf32> -> vector<2x128xf32>
    %slice3A_173 = vector.extract_strided_slice %concatenate3A_82 {offsets = [3840, 0], sizes = [128, 2], strides = [1, 1]} : vector<8192x2xf32> to vector<128x2xf32>
    %dot_general3A_174 = arith.constant dense<0.000000e+00> : vector<2x128xf32>
    %dot_general3A_175 = tpu.matmul %slice3A_173, %convert_element_type3A_7, %dot_general3A_174 {dimension_numbers = #tpu.dot_dimension_numbers<[0], [0], [1], [1], [0, 1, 1, 1], [], []>, transpose_lhs_hint = false} : vector<128x2xf32>, vector<128x128xf32>, vector<2x128xf32> -> vector<2x128xf32>
    %slice3A_176 = vector.extract_strided_slice %concatenate3A_82 {offsets = [3968, 0], sizes = [128, 2], strides = [1, 1]} : vector<8192x2xf32> to vector<128x2xf32>
    %dot_general3A_177 = arith.constant dense<0.000000e+00> : vector<2x128xf32>
    %dot_general3A_178 = tpu.matmul %slice3A_176, %convert_element_type3A_7, %dot_general3A_177 {dimension_numbers = #tpu.dot_dimension_numbers<[0], [0], [1], [1], [0, 1, 1, 1], [], []>, transpose_lhs_hint = false} : vector<128x2xf32>, vector<128x128xf32>, vector<2x128xf32> -> vector<2x128xf32>
    %slice3A_179 = vector.extract_strided_slice %concatenate3A_82 {offsets = [4096, 0], sizes = [128, 2], strides = [1, 1]} : vector<8192x2xf32> to vector<128x2xf32>
    %dot_general3A_180 = arith.constant dense<0.000000e+00> : vector<2x128xf32>
    %dot_general3A_181 = tpu.matmul %slice3A_179, %convert_element_type3A_7, %dot_general3A_180 {dimension_numbers = #tpu.dot_dimension_numbers<[0], [0], [1], [1], [0, 1, 1, 1], [], []>, transpose_lhs_hint = false} : vector<128x2xf32>, vector<128x128xf32>, vector<2x128xf32> -> vector<2x128xf32>
    %slice3A_182 = vector.extract_strided_slice %concatenate3A_82 {offsets = [4224, 0], sizes = [128, 2], strides = [1, 1]} : vector<8192x2xf32> to vector<128x2xf32>
    %dot_general3A_183 = arith.constant dense<0.000000e+00> : vector<2x128xf32>
    %dot_general3A_184 = tpu.matmul %slice3A_182, %convert_element_type3A_7, %dot_general3A_183 {dimension_numbers = #tpu.dot_dimension_numbers<[0], [0], [1], [1], [0, 1, 1, 1], [], []>, transpose_lhs_hint = false} : vector<128x2xf32>, vector<128x128xf32>, vector<2x128xf32> -> vector<2x128xf32>
    %slice3A_185 = vector.extract_strided_slice %concatenate3A_82 {offsets = [4352, 0], sizes = [128, 2], strides = [1, 1]} : vector<8192x2xf32> to vector<128x2xf32>
    %dot_general3A_186 = arith.constant dense<0.000000e+00> : vector<2x128xf32>
    %dot_general3A_187 = tpu.matmul %slice3A_185, %convert_element_type3A_7, %dot_general3A_186 {dimension_numbers = #tpu.dot_dimension_numbers<[0], [0], [1], [1], [0, 1, 1, 1], [], []>, transpose_lhs_hint = false} : vector<128x2xf32>, vector<128x128xf32>, vector<2x128xf32> -> vector<2x128xf32>
    %slice3A_188 = vector.extract_strided_slice %concatenate3A_82 {offsets = [4480, 0], sizes = [128, 2], strides = [1, 1]} : vector<8192x2xf32> to vector<128x2xf32>
    %dot_general3A_189 = arith.constant dense<0.000000e+00> : vector<2x128xf32>
    %dot_general3A_190 = tpu.matmul %slice3A_188, %convert_element_type3A_7, %dot_general3A_189 {dimension_numbers = #tpu.dot_dimension_numbers<[0], [0], [1], [1], [0, 1, 1, 1], [], []>, transpose_lhs_hint = false} : vector<128x2xf32>, vector<128x128xf32>, vector<2x128xf32> -> vector<2x128xf32>
    %slice3A_191 = vector.extract_strided_slice %concatenate3A_82 {offsets = [4608, 0], sizes = [128, 2], strides = [1, 1]} : vector<8192x2xf32> to vector<128x2xf32>
    %dot_general3A_192 = arith.constant dense<0.000000e+00> : vector<2x128xf32>
    %dot_general3A_193 = tpu.matmul %slice3A_191, %convert_element_type3A_7, %dot_general3A_192 {dimension_numbers = #tpu.dot_dimension_numbers<[0], [0], [1], [1], [0, 1, 1, 1], [], []>, transpose_lhs_hint = false} : vector<128x2xf32>, vector<128x128xf32>, vector<2x128xf32> -> vector<2x128xf32>
    %slice3A_194 = vector.extract_strided_slice %concatenate3A_82 {offsets = [4736, 0], sizes = [128, 2], strides = [1, 1]} : vector<8192x2xf32> to vector<128x2xf32>
    %dot_general3A_195 = arith.constant dense<0.000000e+00> : vector<2x128xf32>
    %dot_general3A_196 = tpu.matmul %slice3A_194, %convert_element_type3A_7, %dot_general3A_195 {dimension_numbers = #tpu.dot_dimension_numbers<[0], [0], [1], [1], [0, 1, 1, 1], [], []>, transpose_lhs_hint = false} : vector<128x2xf32>, vector<128x128xf32>, vector<2x128xf32> -> vector<2x128xf32>
    %slice3A_197 = vector.extract_strided_slice %concatenate3A_82 {offsets = [4864, 0], sizes = [128, 2], strides = [1, 1]} : vector<8192x2xf32> to vector<128x2xf32>
    %dot_general3A_198 = arith.constant dense<0.000000e+00> : vector<2x128xf32>
    %dot_general3A_199 = tpu.matmul %slice3A_197, %convert_element_type3A_7, %dot_general3A_198 {dimension_numbers = #tpu.dot_dimension_numbers<[0], [0], [1], [1], [0, 1, 1, 1], [], []>, transpose_lhs_hint = false} : vector<128x2xf32>, vector<128x128xf32>, vector<2x128xf32> -> vector<2x128xf32>
    %slice3A_200 = vector.extract_strided_slice %concatenate3A_82 {offsets = [4992, 0], sizes = [128, 2], strides = [1, 1]} : vector<8192x2xf32> to vector<128x2xf32>
    %dot_general3A_201 = arith.constant dense<0.000000e+00> : vector<2x128xf32>
    %dot_general3A_202 = tpu.matmul %slice3A_200, %convert_element_type3A_7, %dot_general3A_201 {dimension_numbers = #tpu.dot_dimension_numbers<[0], [0], [1], [1], [0, 1, 1, 1], [], []>, transpose_lhs_hint = false} : vector<128x2xf32>, vector<128x128xf32>, vector<2x128xf32> -> vector<2x128xf32>
    %slice3A_203 = vector.extract_strided_slice %concatenate3A_82 {offsets = [5120, 0], sizes = [128, 2], strides = [1, 1]} : vector<8192x2xf32> to vector<128x2xf32>
    %dot_general3A_204 = arith.constant dense<0.000000e+00> : vector<2x128xf32>
    %dot_general3A_205 = tpu.matmul %slice3A_203, %convert_element_type3A_7, %dot_general3A_204 {dimension_numbers = #tpu.dot_dimension_numbers<[0], [0], [1], [1], [0, 1, 1, 1], [], []>, transpose_lhs_hint = false} : vector<128x2xf32>, vector<128x128xf32>, vector<2x128xf32> -> vector<2x128xf32>
    %slice3A_206 = vector.extract_strided_slice %concatenate3A_82 {offsets = [5248, 0], sizes = [128, 2], strides = [1, 1]} : vector<8192x2xf32> to vector<128x2xf32>
    %dot_general3A_207 = arith.constant dense<0.000000e+00> : vector<2x128xf32>
    %dot_general3A_208 = tpu.matmul %slice3A_206, %convert_element_type3A_7, %dot_general3A_207 {dimension_numbers = #tpu.dot_dimension_numbers<[0], [0], [1], [1], [0, 1, 1, 1], [], []>, transpose_lhs_hint = false} : vector<128x2xf32>, vector<128x128xf32>, vector<2x128xf32> -> vector<2x128xf32>
    %slice3A_209 = vector.extract_strided_slice %concatenate3A_82 {offsets = [5376, 0], sizes = [128, 2], strides = [1, 1]} : vector<8192x2xf32> to vector<128x2xf32>
    %dot_general3A_210 = arith.constant dense<0.000000e+00> : vector<2x128xf32>
    %dot_general3A_211 = tpu.matmul %slice3A_209, %convert_element_type3A_7, %dot_general3A_210 {dimension_numbers = #tpu.dot_dimension_numbers<[0], [0], [1], [1], [0, 1, 1, 1], [], []>, transpose_lhs_hint = false} : vector<128x2xf32>, vector<128x128xf32>, vector<2x128xf32> -> vector<2x128xf32>
    %slice3A_212 = vector.extract_strided_slice %concatenate3A_82 {offsets = [5504, 0], sizes = [128, 2], strides = [1, 1]} : vector<8192x2xf32> to vector<128x2xf32>
    %dot_general3A_213 = arith.constant dense<0.000000e+00> : vector<2x128xf32>
    %dot_general3A_214 = tpu.matmul %slice3A_212, %convert_element_type3A_7, %dot_general3A_213 {dimension_numbers = #tpu.dot_dimension_numbers<[0], [0], [1], [1], [0, 1, 1, 1], [], []>, transpose_lhs_hint = false} : vector<128x2xf32>, vector<128x128xf32>, vector<2x128xf32> -> vector<2x128xf32>
    %slice3A_215 = vector.extract_strided_slice %concatenate3A_82 {offsets = [5632, 0], sizes = [128, 2], strides = [1, 1]} : vector<8192x2xf32> to vector<128x2xf32>
    %dot_general3A_216 = arith.constant dense<0.000000e+00> : vector<2x128xf32>
    %dot_general3A_217 = tpu.matmul %slice3A_215, %convert_element_type3A_7, %dot_general3A_216 {dimension_numbers = #tpu.dot_dimension_numbers<[0], [0], [1], [1], [0, 1, 1, 1], [], []>, transpose_lhs_hint = false} : vector<128x2xf32>, vector<128x128xf32>, vector<2x128xf32> -> vector<2x128xf32>
    %slice3A_218 = vector.extract_strided_slice %concatenate3A_82 {offsets = [5760, 0], sizes = [128, 2], strides = [1, 1]} : vector<8192x2xf32> to vector<128x2xf32>
    %dot_general3A_219 = arith.constant dense<0.000000e+00> : vector<2x128xf32>
    %dot_general3A_220 = tpu.matmul %slice3A_218, %convert_element_type3A_7, %dot_general3A_219 {dimension_numbers = #tpu.dot_dimension_numbers<[0], [0], [1], [1], [0, 1, 1, 1], [], []>, transpose_lhs_hint = false} : vector<128x2xf32>, vector<128x128xf32>, vector<2x128xf32> -> vector<2x128xf32>
    %slice3A_221 = vector.extract_strided_slice %concatenate3A_82 {offsets = [5888, 0], sizes = [128, 2], strides = [1, 1]} : vector<8192x2xf32> to vector<128x2xf32>
    %dot_general3A_222 = arith.constant dense<0.000000e+00> : vector<2x128xf32>
    %dot_general3A_223 = tpu.matmul %slice3A_221, %convert_element_type3A_7, %dot_general3A_222 {dimension_numbers = #tpu.dot_dimension_numbers<[0], [0], [1], [1], [0, 1, 1, 1], [], []>, transpose_lhs_hint = false} : vector<128x2xf32>, vector<128x128xf32>, vector<2x128xf32> -> vector<2x128xf32>
    %slice3A_224 = vector.extract_strided_slice %concatenate3A_82 {offsets = [6016, 0], sizes = [128, 2], strides = [1, 1]} : vector<8192x2xf32> to vector<128x2xf32>
    %dot_general3A_225 = arith.constant dense<0.000000e+00> : vector<2x128xf32>
    %dot_general3A_226 = tpu.matmul %slice3A_224, %convert_element_type3A_7, %dot_general3A_225 {dimension_numbers = #tpu.dot_dimension_numbers<[0], [0], [1], [1], [0, 1, 1, 1], [], []>, transpose_lhs_hint = false} : vector<128x2xf32>, vector<128x128xf32>, vector<2x128xf32> -> vector<2x128xf32>
    %slice3A_227 = vector.extract_strided_slice %concatenate3A_82 {offsets = [6144, 0], sizes = [128, 2], strides = [1, 1]} : vector<8192x2xf32> to vector<128x2xf32>
    %dot_general3A_228 = arith.constant dense<0.000000e+00> : vector<2x128xf32>
    %dot_general3A_229 = tpu.matmul %slice3A_227, %convert_element_type3A_7, %dot_general3A_228 {dimension_numbers = #tpu.dot_dimension_numbers<[0], [0], [1], [1], [0, 1, 1, 1], [], []>, transpose_lhs_hint = false} : vector<128x2xf32>, vector<128x128xf32>, vector<2x128xf32> -> vector<2x128xf32>
    %slice3A_230 = vector.extract_strided_slice %concatenate3A_82 {offsets = [6272, 0], sizes = [128, 2], strides = [1, 1]} : vector<8192x2xf32> to vector<128x2xf32>
    %dot_general3A_231 = arith.constant dense<0.000000e+00> : vector<2x128xf32>
    %dot_general3A_232 = tpu.matmul %slice3A_230, %convert_element_type3A_7, %dot_general3A_231 {dimension_numbers = #tpu.dot_dimension_numbers<[0], [0], [1], [1], [0, 1, 1, 1], [], []>, transpose_lhs_hint = false} : vector<128x2xf32>, vector<128x128xf32>, vector<2x128xf32> -> vector<2x128xf32>
    %slice3A_233 = vector.extract_strided_slice %concatenate3A_82 {offsets = [6400, 0], sizes = [128, 2], strides = [1, 1]} : vector<8192x2xf32> to vector<128x2xf32>
    %dot_general3A_234 = arith.constant dense<0.000000e+00> : vector<2x128xf32>
    %dot_general3A_235 = tpu.matmul %slice3A_233, %convert_element_type3A_7, %dot_general3A_234 {dimension_numbers = #tpu.dot_dimension_numbers<[0], [0], [1], [1], [0, 1, 1, 1], [], []>, transpose_lhs_hint = false} : vector<128x2xf32>, vector<128x128xf32>, vector<2x128xf32> -> vector<2x128xf32>
    %slice3A_236 = vector.extract_strided_slice %concatenate3A_82 {offsets = [6528, 0], sizes = [128, 2], strides = [1, 1]} : vector<8192x2xf32> to vector<128x2xf32>
    %dot_general3A_237 = arith.constant dense<0.000000e+00> : vector<2x128xf32>
    %dot_general3A_238 = tpu.matmul %slice3A_236, %convert_element_type3A_7, %dot_general3A_237 {dimension_numbers = #tpu.dot_dimension_numbers<[0], [0], [1], [1], [0, 1, 1, 1], [], []>, transpose_lhs_hint = false} : vector<128x2xf32>, vector<128x128xf32>, vector<2x128xf32> -> vector<2x128xf32>
    %slice3A_239 = vector.extract_strided_slice %concatenate3A_82 {offsets = [6656, 0], sizes = [128, 2], strides = [1, 1]} : vector<8192x2xf32> to vector<128x2xf32>
    %dot_general3A_240 = arith.constant dense<0.000000e+00> : vector<2x128xf32>
    %dot_general3A_241 = tpu.matmul %slice3A_239, %convert_element_type3A_7, %dot_general3A_240 {dimension_numbers = #tpu.dot_dimension_numbers<[0], [0], [1], [1], [0, 1, 1, 1], [], []>, transpose_lhs_hint = false} : vector<128x2xf32>, vector<128x128xf32>, vector<2x128xf32> -> vector<2x128xf32>
    %slice3A_242 = vector.extract_strided_slice %concatenate3A_82 {offsets = [6784, 0], sizes = [128, 2], strides = [1, 1]} : vector<8192x2xf32> to vector<128x2xf32>
    %dot_general3A_243 = arith.constant dense<0.000000e+00> : vector<2x128xf32>
    %dot_general3A_244 = tpu.matmul %slice3A_242, %convert_element_type3A_7, %dot_general3A_243 {dimension_numbers = #tpu.dot_dimension_numbers<[0], [0], [1], [1], [0, 1, 1, 1], [], []>, transpose_lhs_hint = false} : vector<128x2xf32>, vector<128x128xf32>, vector<2x128xf32> -> vector<2x128xf32>
    %slice3A_245 = vector.extract_strided_slice %concatenate3A_82 {offsets = [6912, 0], sizes = [128, 2], strides = [1, 1]} : vector<8192x2xf32> to vector<128x2xf32>
    %dot_general3A_246 = arith.constant dense<0.000000e+00> : vector<2x128xf32>
    %dot_general3A_247 = tpu.matmul %slice3A_245, %convert_element_type3A_7, %dot_general3A_246 {dimension_numbers = #tpu.dot_dimension_numbers<[0], [0], [1], [1], [0, 1, 1, 1], [], []>, transpose_lhs_hint = false} : vector<128x2xf32>, vector<128x128xf32>, vector<2x128xf32> -> vector<2x128xf32>
    %slice3A_248 = vector.extract_strided_slice %concatenate3A_82 {offsets = [7040, 0], sizes = [128, 2], strides = [1, 1]} : vector<8192x2xf32> to vector<128x2xf32>
    %dot_general3A_249 = arith.constant dense<0.000000e+00> : vector<2x128xf32>
    %dot_general3A_250 = tpu.matmul %slice3A_248, %convert_element_type3A_7, %dot_general3A_249 {dimension_numbers = #tpu.dot_dimension_numbers<[0], [0], [1], [1], [0, 1, 1, 1], [], []>, transpose_lhs_hint = false} : vector<128x2xf32>, vector<128x128xf32>, vector<2x128xf32> -> vector<2x128xf32>
    %slice3A_251 = vector.extract_strided_slice %concatenate3A_82 {offsets = [7168, 0], sizes = [128, 2], strides = [1, 1]} : vector<8192x2xf32> to vector<128x2xf32>
    %dot_general3A_252 = arith.constant dense<0.000000e+00> : vector<2x128xf32>
    %dot_general3A_253 = tpu.matmul %slice3A_251, %convert_element_type3A_7, %dot_general3A_252 {dimension_numbers = #tpu.dot_dimension_numbers<[0], [0], [1], [1], [0, 1, 1, 1], [], []>, transpose_lhs_hint = false} : vector<128x2xf32>, vector<128x128xf32>, vector<2x128xf32> -> vector<2x128xf32>
    %slice3A_254 = vector.extract_strided_slice %concatenate3A_82 {offsets = [7296, 0], sizes = [128, 2], strides = [1, 1]} : vector<8192x2xf32> to vector<128x2xf32>
    %dot_general3A_255 = arith.constant dense<0.000000e+00> : vector<2x128xf32>
    %dot_general3A_256 = tpu.matmul %slice3A_254, %convert_element_type3A_7, %dot_general3A_255 {dimension_numbers = #tpu.dot_dimension_numbers<[0], [0], [1], [1], [0, 1, 1, 1], [], []>, transpose_lhs_hint = false} : vector<128x2xf32>, vector<128x128xf32>, vector<2x128xf32> -> vector<2x128xf32>
    %slice3A_257 = vector.extract_strided_slice %concatenate3A_82 {offsets = [7424, 0], sizes = [128, 2], strides = [1, 1]} : vector<8192x2xf32> to vector<128x2xf32>
    %dot_general3A_258 = arith.constant dense<0.000000e+00> : vector<2x128xf32>
    %dot_general3A_259 = tpu.matmul %slice3A_257, %convert_element_type3A_7, %dot_general3A_258 {dimension_numbers = #tpu.dot_dimension_numbers<[0], [0], [1], [1], [0, 1, 1, 1], [], []>, transpose_lhs_hint = false} : vector<128x2xf32>, vector<128x128xf32>, vector<2x128xf32> -> vector<2x128xf32>
    %slice3A_260 = vector.extract_strided_slice %concatenate3A_82 {offsets = [7552, 0], sizes = [128, 2], strides = [1, 1]} : vector<8192x2xf32> to vector<128x2xf32>
    %dot_general3A_261 = arith.constant dense<0.000000e+00> : vector<2x128xf32>
    %dot_general3A_262 = tpu.matmul %slice3A_260, %convert_element_type3A_7, %dot_general3A_261 {dimension_numbers = #tpu.dot_dimension_numbers<[0], [0], [1], [1], [0, 1, 1, 1], [], []>, transpose_lhs_hint = false} : vector<128x2xf32>, vector<128x128xf32>, vector<2x128xf32> -> vector<2x128xf32>
    %slice3A_263 = vector.extract_strided_slice %concatenate3A_82 {offsets = [7680, 0], sizes = [128, 2], strides = [1, 1]} : vector<8192x2xf32> to vector<128x2xf32>
    %dot_general3A_264 = arith.constant dense<0.000000e+00> : vector<2x128xf32>
    %dot_general3A_265 = tpu.matmul %slice3A_263, %convert_element_type3A_7, %dot_general3A_264 {dimension_numbers = #tpu.dot_dimension_numbers<[0], [0], [1], [1], [0, 1, 1, 1], [], []>, transpose_lhs_hint = false} : vector<128x2xf32>, vector<128x128xf32>, vector<2x128xf32> -> vector<2x128xf32>
    %slice3A_266 = vector.extract_strided_slice %concatenate3A_82 {offsets = [7808, 0], sizes = [128, 2], strides = [1, 1]} : vector<8192x2xf32> to vector<128x2xf32>
    %dot_general3A_267 = arith.constant dense<0.000000e+00> : vector<2x128xf32>
    %dot_general3A_268 = tpu.matmul %slice3A_266, %convert_element_type3A_7, %dot_general3A_267 {dimension_numbers = #tpu.dot_dimension_numbers<[0], [0], [1], [1], [0, 1, 1, 1], [], []>, transpose_lhs_hint = false} : vector<128x2xf32>, vector<128x128xf32>, vector<2x128xf32> -> vector<2x128xf32>
    %slice3A_269 = vector.extract_strided_slice %concatenate3A_82 {offsets = [7936, 0], sizes = [128, 2], strides = [1, 1]} : vector<8192x2xf32> to vector<128x2xf32>
    %dot_general3A_270 = arith.constant dense<0.000000e+00> : vector<2x128xf32>
    %dot_general3A_271 = tpu.matmul %slice3A_269, %convert_element_type3A_7, %dot_general3A_270 {dimension_numbers = #tpu.dot_dimension_numbers<[0], [0], [1], [1], [0, 1, 1, 1], [], []>, transpose_lhs_hint = false} : vector<128x2xf32>, vector<128x128xf32>, vector<2x128xf32> -> vector<2x128xf32>
    %slice3A_272 = vector.extract_strided_slice %concatenate3A_82 {offsets = [8064, 0], sizes = [128, 2], strides = [1, 1]} : vector<8192x2xf32> to vector<128x2xf32>
    %dot_general3A_273 = arith.constant dense<0.000000e+00> : vector<2x128xf32>
    %dot_general3A_274 = tpu.matmul %slice3A_272, %convert_element_type3A_7, %dot_general3A_273 {dimension_numbers = #tpu.dot_dimension_numbers<[0], [0], [1], [1], [0, 1, 1, 1], [], []>, transpose_lhs_hint = false} : vector<128x2xf32>, vector<128x128xf32>, vector<2x128xf32> -> vector<2x128xf32>
    %slice3A_275 = vector.extract_strided_slice %dot_general3A_85 {offsets = [0, 0], sizes = [1, 128], strides = [1, 1]} : vector<2x128xf32> to vector<1x128xf32>
    %slice3A_276 = vector.extract_strided_slice %dot_general3A_88 {offsets = [0, 0], sizes = [1, 128], strides = [1, 1]} : vector<2x128xf32> to vector<1x128xf32>
    %slice3A_277 = vector.extract_strided_slice %dot_general3A_91 {offsets = [0, 0], sizes = [1, 128], strides = [1, 1]} : vector<2x128xf32> to vector<1x128xf32>
    %slice3A_278 = vector.extract_strided_slice %dot_general3A_94 {offsets = [0, 0], sizes = [1, 128], strides = [1, 1]} : vector<2x128xf32> to vector<1x128xf32>
    %slice3A_279 = vector.extract_strided_slice %dot_general3A_97 {offsets = [0, 0], sizes = [1, 128], strides = [1, 1]} : vector<2x128xf32> to vector<1x128xf32>
    %slice3A_280 = vector.extract_strided_slice %dot_general3A_100 {offsets = [0, 0], sizes = [1, 128], strides = [1, 1]} : vector<2x128xf32> to vector<1x128xf32>
    %slice3A_281 = vector.extract_strided_slice %dot_general3A_103 {offsets = [0, 0], sizes = [1, 128], strides = [1, 1]} : vector<2x128xf32> to vector<1x128xf32>
    %slice3A_282 = vector.extract_strided_slice %dot_general3A_106 {offsets = [0, 0], sizes = [1, 128], strides = [1, 1]} : vector<2x128xf32> to vector<1x128xf32>
    %slice3A_283 = vector.extract_strided_slice %dot_general3A_109 {offsets = [0, 0], sizes = [1, 128], strides = [1, 1]} : vector<2x128xf32> to vector<1x128xf32>
    %slice3A_284 = vector.extract_strided_slice %dot_general3A_112 {offsets = [0, 0], sizes = [1, 128], strides = [1, 1]} : vector<2x128xf32> to vector<1x128xf32>
    %slice3A_285 = vector.extract_strided_slice %dot_general3A_115 {offsets = [0, 0], sizes = [1, 128], strides = [1, 1]} : vector<2x128xf32> to vector<1x128xf32>
    %slice3A_286 = vector.extract_strided_slice %dot_general3A_118 {offsets = [0, 0], sizes = [1, 128], strides = [1, 1]} : vector<2x128xf32> to vector<1x128xf32>
    %slice3A_287 = vector.extract_strided_slice %dot_general3A_121 {offsets = [0, 0], sizes = [1, 128], strides = [1, 1]} : vector<2x128xf32> to vector<1x128xf32>
    %slice3A_288 = vector.extract_strided_slice %dot_general3A_124 {offsets = [0, 0], sizes = [1, 128], strides = [1, 1]} : vector<2x128xf32> to vector<1x128xf32>
    %slice3A_289 = vector.extract_strided_slice %dot_general3A_127 {offsets = [0, 0], sizes = [1, 128], strides = [1, 1]} : vector<2x128xf32> to vector<1x128xf32>
    %slice3A_290 = vector.extract_strided_slice %dot_general3A_130 {offsets = [0, 0], sizes = [1, 128], strides = [1, 1]} : vector<2x128xf32> to vector<1x128xf32>
    %slice3A_291 = vector.extract_strided_slice %dot_general3A_133 {offsets = [0, 0], sizes = [1, 128], strides = [1, 1]} : vector<2x128xf32> to vector<1x128xf32>
    %slice3A_292 = vector.extract_strided_slice %dot_general3A_136 {offsets = [0, 0], sizes = [1, 128], strides = [1, 1]} : vector<2x128xf32> to vector<1x128xf32>
    %slice3A_293 = vector.extract_strided_slice %dot_general3A_139 {offsets = [0, 0], sizes = [1, 128], strides = [1, 1]} : vector<2x128xf32> to vector<1x128xf32>
    %slice3A_294 = vector.extract_strided_slice %dot_general3A_142 {offsets = [0, 0], sizes = [1, 128], strides = [1, 1]} : vector<2x128xf32> to vector<1x128xf32>
    %slice3A_295 = vector.extract_strided_slice %dot_general3A_145 {offsets = [0, 0], sizes = [1, 128], strides = [1, 1]} : vector<2x128xf32> to vector<1x128xf32>
    %slice3A_296 = vector.extract_strided_slice %dot_general3A_148 {offsets = [0, 0], sizes = [1, 128], strides = [1, 1]} : vector<2x128xf32> to vector<1x128xf32>
    %slice3A_297 = vector.extract_strided_slice %dot_general3A_151 {offsets = [0, 0], sizes = [1, 128], strides = [1, 1]} : vector<2x128xf32> to vector<1x128xf32>
    %slice3A_298 = vector.extract_strided_slice %dot_general3A_154 {offsets = [0, 0], sizes = [1, 128], strides = [1, 1]} : vector<2x128xf32> to vector<1x128xf32>
    %slice3A_299 = vector.extract_strided_slice %dot_general3A_157 {offsets = [0, 0], sizes = [1, 128], strides = [1, 1]} : vector<2x128xf32> to vector<1x128xf32>
    %slice3A_300 = vector.extract_strided_slice %dot_general3A_160 {offsets = [0, 0], sizes = [1, 128], strides = [1, 1]} : vector<2x128xf32> to vector<1x128xf32>
    %slice3A_301 = vector.extract_strided_slice %dot_general3A_163 {offsets = [0, 0], sizes = [1, 128], strides = [1, 1]} : vector<2x128xf32> to vector<1x128xf32>
    %slice3A_302 = vector.extract_strided_slice %dot_general3A_166 {offsets = [0, 0], sizes = [1, 128], strides = [1, 1]} : vector<2x128xf32> to vector<1x128xf32>
    %slice3A_303 = vector.extract_strided_slice %dot_general3A_169 {offsets = [0, 0], sizes = [1, 128], strides = [1, 1]} : vector<2x128xf32> to vector<1x128xf32>
    %slice3A_304 = vector.extract_strided_slice %dot_general3A_172 {offsets = [0, 0], sizes = [1, 128], strides = [1, 1]} : vector<2x128xf32> to vector<1x128xf32>
    %slice3A_305 = vector.extract_strided_slice %dot_general3A_175 {offsets = [0, 0], sizes = [1, 128], strides = [1, 1]} : vector<2x128xf32> to vector<1x128xf32>
    %slice3A_306 = vector.extract_strided_slice %dot_general3A_178 {offsets = [0, 0], sizes = [1, 128], strides = [1, 1]} : vector<2x128xf32> to vector<1x128xf32>
    %slice3A_307 = vector.extract_strided_slice %dot_general3A_181 {offsets = [0, 0], sizes = [1, 128], strides = [1, 1]} : vector<2x128xf32> to vector<1x128xf32>
    %slice3A_308 = vector.extract_strided_slice %dot_general3A_184 {offsets = [0, 0], sizes = [1, 128], strides = [1, 1]} : vector<2x128xf32> to vector<1x128xf32>
    %slice3A_309 = vector.extract_strided_slice %dot_general3A_187 {offsets = [0, 0], sizes = [1, 128], strides = [1, 1]} : vector<2x128xf32> to vector<1x128xf32>
    %slice3A_310 = vector.extract_strided_slice %dot_general3A_190 {offsets = [0, 0], sizes = [1, 128], strides = [1, 1]} : vector<2x128xf32> to vector<1x128xf32>
    %slice3A_311 = vector.extract_strided_slice %dot_general3A_193 {offsets = [0, 0], sizes = [1, 128], strides = [1, 1]} : vector<2x128xf32> to vector<1x128xf32>
    %slice3A_312 = vector.extract_strided_slice %dot_general3A_196 {offsets = [0, 0], sizes = [1, 128], strides = [1, 1]} : vector<2x128xf32> to vector<1x128xf32>
    %slice3A_313 = vector.extract_strided_slice %dot_general3A_199 {offsets = [0, 0], sizes = [1, 128], strides = [1, 1]} : vector<2x128xf32> to vector<1x128xf32>
    %slice3A_314 = vector.extract_strided_slice %dot_general3A_202 {offsets = [0, 0], sizes = [1, 128], strides = [1, 1]} : vector<2x128xf32> to vector<1x128xf32>
    %slice3A_315 = vector.extract_strided_slice %dot_general3A_205 {offsets = [0, 0], sizes = [1, 128], strides = [1, 1]} : vector<2x128xf32> to vector<1x128xf32>
    %slice3A_316 = vector.extract_strided_slice %dot_general3A_208 {offsets = [0, 0], sizes = [1, 128], strides = [1, 1]} : vector<2x128xf32> to vector<1x128xf32>
    %slice3A_317 = vector.extract_strided_slice %dot_general3A_211 {offsets = [0, 0], sizes = [1, 128], strides = [1, 1]} : vector<2x128xf32> to vector<1x128xf32>
    %slice3A_318 = vector.extract_strided_slice %dot_general3A_214 {offsets = [0, 0], sizes = [1, 128], strides = [1, 1]} : vector<2x128xf32> to vector<1x128xf32>
    %slice3A_319 = vector.extract_strided_slice %dot_general3A_217 {offsets = [0, 0], sizes = [1, 128], strides = [1, 1]} : vector<2x128xf32> to vector<1x128xf32>
    %slice3A_320 = vector.extract_strided_slice %dot_general3A_220 {offsets = [0, 0], sizes = [1, 128], strides = [1, 1]} : vector<2x128xf32> to vector<1x128xf32>
    %slice3A_321 = vector.extract_strided_slice %dot_general3A_223 {offsets = [0, 0], sizes = [1, 128], strides = [1, 1]} : vector<2x128xf32> to vector<1x128xf32>
    %slice3A_322 = vector.extract_strided_slice %dot_general3A_226 {offsets = [0, 0], sizes = [1, 128], strides = [1, 1]} : vector<2x128xf32> to vector<1x128xf32>
    %slice3A_323 = vector.extract_strided_slice %dot_general3A_229 {offsets = [0, 0], sizes = [1, 128], strides = [1, 1]} : vector<2x128xf32> to vector<1x128xf32>
    %slice3A_324 = vector.extract_strided_slice %dot_general3A_232 {offsets = [0, 0], sizes = [1, 128], strides = [1, 1]} : vector<2x128xf32> to vector<1x128xf32>
    %slice3A_325 = vector.extract_strided_slice %dot_general3A_235 {offsets = [0, 0], sizes = [1, 128], strides = [1, 1]} : vector<2x128xf32> to vector<1x128xf32>
    %slice3A_326 = vector.extract_strided_slice %dot_general3A_238 {offsets = [0, 0], sizes = [1, 128], strides = [1, 1]} : vector<2x128xf32> to vector<1x128xf32>
    %slice3A_327 = vector.extract_strided_slice %dot_general3A_241 {offsets = [0, 0], sizes = [1, 128], strides = [1, 1]} : vector<2x128xf32> to vector<1x128xf32>
    %slice3A_328 = vector.extract_strided_slice %dot_general3A_244 {offsets = [0, 0], sizes = [1, 128], strides = [1, 1]} : vector<2x128xf32> to vector<1x128xf32>
    %slice3A_329 = vector.extract_strided_slice %dot_general3A_247 {offsets = [0, 0], sizes = [1, 128], strides = [1, 1]} : vector<2x128xf32> to vector<1x128xf32>
    %slice3A_330 = vector.extract_strided_slice %dot_general3A_250 {offsets = [0, 0], sizes = [1, 128], strides = [1, 1]} : vector<2x128xf32> to vector<1x128xf32>
    %slice3A_331 = vector.extract_strided_slice %dot_general3A_253 {offsets = [0, 0], sizes = [1, 128], strides = [1, 1]} : vector<2x128xf32> to vector<1x128xf32>
    %slice3A_332 = vector.extract_strided_slice %dot_general3A_256 {offsets = [0, 0], sizes = [1, 128], strides = [1, 1]} : vector<2x128xf32> to vector<1x128xf32>
    %slice3A_333 = vector.extract_strided_slice %dot_general3A_259 {offsets = [0, 0], sizes = [1, 128], strides = [1, 1]} : vector<2x128xf32> to vector<1x128xf32>
    %slice3A_334 = vector.extract_strided_slice %dot_general3A_262 {offsets = [0, 0], sizes = [1, 128], strides = [1, 1]} : vector<2x128xf32> to vector<1x128xf32>
    %slice3A_335 = vector.extract_strided_slice %dot_general3A_265 {offsets = [0, 0], sizes = [1, 128], strides = [1, 1]} : vector<2x128xf32> to vector<1x128xf32>
    %slice3A_336 = vector.extract_strided_slice %dot_general3A_268 {offsets = [0, 0], sizes = [1, 128], strides = [1, 1]} : vector<2x128xf32> to vector<1x128xf32>
    %slice3A_337 = vector.extract_strided_slice %dot_general3A_271 {offsets = [0, 0], sizes = [1, 128], strides = [1, 1]} : vector<2x128xf32> to vector<1x128xf32>
    %slice3A_338 = vector.extract_strided_slice %dot_general3A_274 {offsets = [0, 0], sizes = [1, 128], strides = [1, 1]} : vector<2x128xf32> to vector<1x128xf32>
    %concatenate3A_339 = tpu.concatenate %slice3A_275, %slice3A_276, %slice3A_277, %slice3A_278, %slice3A_279, %slice3A_280, %slice3A_281, %slice3A_282, %slice3A_283, %slice3A_284, %slice3A_285, %slice3A_286, %slice3A_287, %slice3A_288, %slice3A_289, %slice3A_290, %slice3A_291, %slice3A_292, %slice3A_293, %slice3A_294, %slice3A_295, %slice3A_296, %slice3A_297, %slice3A_298, %slice3A_299, %slice3A_300, %slice3A_301, %slice3A_302, %slice3A_303, %slice3A_304, %slice3A_305, %slice3A_306, %slice3A_307, %slice3A_308, %slice3A_309, %slice3A_310, %slice3A_311, %slice3A_312, %slice3A_313, %slice3A_314, %slice3A_315, %slice3A_316, %slice3A_317, %slice3A_318, %slice3A_319, %slice3A_320, %slice3A_321, %slice3A_322, %slice3A_323, %slice3A_324, %slice3A_325, %slice3A_326, %slice3A_327, %slice3A_328, %slice3A_329, %slice3A_330, %slice3A_331, %slice3A_332, %slice3A_333, %slice3A_334, %slice3A_335, %slice3A_336, %slice3A_337, %slice3A_338 in 0 : vector<1x128xf32>, vector<1x128xf32>, vector<1x128xf32>, vector<1x128xf32>, vector<1x128xf32>, vector<1x128xf32>, vector<1x128xf32>, vector<1x128xf32>, vector<1x128xf32>, vector<1x128xf32>, vector<1x128xf32>, vector<1x128xf32>, vector<1x128xf32>, vector<1x128xf32>, vector<1x128xf32>, vector<1x128xf32>, vector<1x128xf32>, vector<1x128xf32>, vector<1x128xf32>, vector<1x128xf32>, vector<1x128xf32>, vector<1x128xf32>, vector<1x128xf32>, vector<1x128xf32>, vector<1x128xf32>, vector<1x128xf32>, vector<1x128xf32>, vector<1x128xf32>, vector<1x128xf32>, vector<1x128xf32>, vector<1x128xf32>, vector<1x128xf32>, vector<1x128xf32>, vector<1x128xf32>, vector<1x128xf32>, vector<1x128xf32>, vector<1x128xf32>, vector<1x128xf32>, vector<1x128xf32>, vector<1x128xf32>, vector<1x128xf32>, vector<1x128xf32>, vector<1x128xf32>, vector<1x128xf32>, vector<1x128xf32>, vector<1x128xf32>, vector<1x128xf32>, vector<1x128xf32>, vector<1x128xf32>, vector<1x128xf32>, vector<1x128xf32>, vector<1x128xf32>, vector<1x128xf32>, vector<1x128xf32>, vector<1x128xf32>, vector<1x128xf32>, vector<1x128xf32>, vector<1x128xf32>, vector<1x128xf32>, vector<1x128xf32>, vector<1x128xf32>, vector<1x128xf32>, vector<1x128xf32>, vector<1x128xf32> -> vector<64x128xf32>
    %slice3A_340 = vector.extract_strided_slice %dot_general3A_85 {offsets = [1, 0], sizes = [1, 128], strides = [1, 1]} : vector<2x128xf32> to vector<1x128xf32>
    %slice3A_341 = vector.extract_strided_slice %dot_general3A_88 {offsets = [1, 0], sizes = [1, 128], strides = [1, 1]} : vector<2x128xf32> to vector<1x128xf32>
    %slice3A_342 = vector.extract_strided_slice %dot_general3A_91 {offsets = [1, 0], sizes = [1, 128], strides = [1, 1]} : vector<2x128xf32> to vector<1x128xf32>
    %slice3A_343 = vector.extract_strided_slice %dot_general3A_94 {offsets = [1, 0], sizes = [1, 128], strides = [1, 1]} : vector<2x128xf32> to vector<1x128xf32>
    %slice3A_344 = vector.extract_strided_slice %dot_general3A_97 {offsets = [1, 0], sizes = [1, 128], strides = [1, 1]} : vector<2x128xf32> to vector<1x128xf32>
    %slice3A_345 = vector.extract_strided_slice %dot_general3A_100 {offsets = [1, 0], sizes = [1, 128], strides = [1, 1]} : vector<2x128xf32> to vector<1x128xf32>
    %slice3A_346 = vector.extract_strided_slice %dot_general3A_103 {offsets = [1, 0], sizes = [1, 128], strides = [1, 1]} : vector<2x128xf32> to vector<1x128xf32>
    %slice3A_347 = vector.extract_strided_slice %dot_general3A_106 {offsets = [1, 0], sizes = [1, 128], strides = [1, 1]} : vector<2x128xf32> to vector<1x128xf32>
    %slice3A_348 = vector.extract_strided_slice %dot_general3A_109 {offsets = [1, 0], sizes = [1, 128], strides = [1, 1]} : vector<2x128xf32> to vector<1x128xf32>
    %slice3A_349 = vector.extract_strided_slice %dot_general3A_112 {offsets = [1, 0], sizes = [1, 128], strides = [1, 1]} : vector<2x128xf32> to vector<1x128xf32>
    %slice3A_350 = vector.extract_strided_slice %dot_general3A_115 {offsets = [1, 0], sizes = [1, 128], strides = [1, 1]} : vector<2x128xf32> to vector<1x128xf32>
    %slice3A_351 = vector.extract_strided_slice %dot_general3A_118 {offsets = [1, 0], sizes = [1, 128], strides = [1, 1]} : vector<2x128xf32> to vector<1x128xf32>
    %slice3A_352 = vector.extract_strided_slice %dot_general3A_121 {offsets = [1, 0], sizes = [1, 128], strides = [1, 1]} : vector<2x128xf32> to vector<1x128xf32>
    %slice3A_353 = vector.extract_strided_slice %dot_general3A_124 {offsets = [1, 0], sizes = [1, 128], strides = [1, 1]} : vector<2x128xf32> to vector<1x128xf32>
    %slice3A_354 = vector.extract_strided_slice %dot_general3A_127 {offsets = [1, 0], sizes = [1, 128], strides = [1, 1]} : vector<2x128xf32> to vector<1x128xf32>
    %slice3A_355 = vector.extract_strided_slice %dot_general3A_130 {offsets = [1, 0], sizes = [1, 128], strides = [1, 1]} : vector<2x128xf32> to vector<1x128xf32>
    %slice3A_356 = vector.extract_strided_slice %dot_general3A_133 {offsets = [1, 0], sizes = [1, 128], strides = [1, 1]} : vector<2x128xf32> to vector<1x128xf32>
    %slice3A_357 = vector.extract_strided_slice %dot_general3A_136 {offsets = [1, 0], sizes = [1, 128], strides = [1, 1]} : vector<2x128xf32> to vector<1x128xf32>
    %slice3A_358 = vector.extract_strided_slice %dot_general3A_139 {offsets = [1, 0], sizes = [1, 128], strides = [1, 1]} : vector<2x128xf32> to vector<1x128xf32>
    %slice3A_359 = vector.extract_strided_slice %dot_general3A_142 {offsets = [1, 0], sizes = [1, 128], strides = [1, 1]} : vector<2x128xf32> to vector<1x128xf32>
    %slice3A_360 = vector.extract_strided_slice %dot_general3A_145 {offsets = [1, 0], sizes = [1, 128], strides = [1, 1]} : vector<2x128xf32> to vector<1x128xf32>
    %slice3A_361 = vector.extract_strided_slice %dot_general3A_148 {offsets = [1, 0], sizes = [1, 128], strides = [1, 1]} : vector<2x128xf32> to vector<1x128xf32>
    %slice3A_362 = vector.extract_strided_slice %dot_general3A_151 {offsets = [1, 0], sizes = [1, 128], strides = [1, 1]} : vector<2x128xf32> to vector<1x128xf32>
    %slice3A_363 = vector.extract_strided_slice %dot_general3A_154 {offsets = [1, 0], sizes = [1, 128], strides = [1, 1]} : vector<2x128xf32> to vector<1x128xf32>
    %slice3A_364 = vector.extract_strided_slice %dot_general3A_157 {offsets = [1, 0], sizes = [1, 128], strides = [1, 1]} : vector<2x128xf32> to vector<1x128xf32>
    %slice3A_365 = vector.extract_strided_slice %dot_general3A_160 {offsets = [1, 0], sizes = [1, 128], strides = [1, 1]} : vector<2x128xf32> to vector<1x128xf32>
    %slice3A_366 = vector.extract_strided_slice %dot_general3A_163 {offsets = [1, 0], sizes = [1, 128], strides = [1, 1]} : vector<2x128xf32> to vector<1x128xf32>
    %slice3A_367 = vector.extract_strided_slice %dot_general3A_166 {offsets = [1, 0], sizes = [1, 128], strides = [1, 1]} : vector<2x128xf32> to vector<1x128xf32>
    %slice3A_368 = vector.extract_strided_slice %dot_general3A_169 {offsets = [1, 0], sizes = [1, 128], strides = [1, 1]} : vector<2x128xf32> to vector<1x128xf32>
    %slice3A_369 = vector.extract_strided_slice %dot_general3A_172 {offsets = [1, 0], sizes = [1, 128], strides = [1, 1]} : vector<2x128xf32> to vector<1x128xf32>
    %slice3A_370 = vector.extract_strided_slice %dot_general3A_175 {offsets = [1, 0], sizes = [1, 128], strides = [1, 1]} : vector<2x128xf32> to vector<1x128xf32>
    %slice3A_371 = vector.extract_strided_slice %dot_general3A_178 {offsets = [1, 0], sizes = [1, 128], strides = [1, 1]} : vector<2x128xf32> to vector<1x128xf32>
    %slice3A_372 = vector.extract_strided_slice %dot_general3A_181 {offsets = [1, 0], sizes = [1, 128], strides = [1, 1]} : vector<2x128xf32> to vector<1x128xf32>
    %slice3A_373 = vector.extract_strided_slice %dot_general3A_184 {offsets = [1, 0], sizes = [1, 128], strides = [1, 1]} : vector<2x128xf32> to vector<1x128xf32>
    %slice3A_374 = vector.extract_strided_slice %dot_general3A_187 {offsets = [1, 0], sizes = [1, 128], strides = [1, 1]} : vector<2x128xf32> to vector<1x128xf32>
    %slice3A_375 = vector.extract_strided_slice %dot_general3A_190 {offsets = [1, 0], sizes = [1, 128], strides = [1, 1]} : vector<2x128xf32> to vector<1x128xf32>
    %slice3A_376 = vector.extract_strided_slice %dot_general3A_193 {offsets = [1, 0], sizes = [1, 128], strides = [1, 1]} : vector<2x128xf32> to vector<1x128xf32>
    %slice3A_377 = vector.extract_strided_slice %dot_general3A_196 {offsets = [1, 0], sizes = [1, 128], strides = [1, 1]} : vector<2x128xf32> to vector<1x128xf32>
    %slice3A_378 = vector.extract_strided_slice %dot_general3A_199 {offsets = [1, 0], sizes = [1, 128], strides = [1, 1]} : vector<2x128xf32> to vector<1x128xf32>
    %slice3A_379 = vector.extract_strided_slice %dot_general3A_202 {offsets = [1, 0], sizes = [1, 128], strides = [1, 1]} : vector<2x128xf32> to vector<1x128xf32>
    %slice3A_380 = vector.extract_strided_slice %dot_general3A_205 {offsets = [1, 0], sizes = [1, 128], strides = [1, 1]} : vector<2x128xf32> to vector<1x128xf32>
    %slice3A_381 = vector.extract_strided_slice %dot_general3A_208 {offsets = [1, 0], sizes = [1, 128], strides = [1, 1]} : vector<2x128xf32> to vector<1x128xf32>
    %slice3A_382 = vector.extract_strided_slice %dot_general3A_211 {offsets = [1, 0], sizes = [1, 128], strides = [1, 1]} : vector<2x128xf32> to vector<1x128xf32>
    %slice3A_383 = vector.extract_strided_slice %dot_general3A_214 {offsets = [1, 0], sizes = [1, 128], strides = [1, 1]} : vector<2x128xf32> to vector<1x128xf32>
    %slice3A_384 = vector.extract_strided_slice %dot_general3A_217 {offsets = [1, 0], sizes = [1, 128], strides = [1, 1]} : vector<2x128xf32> to vector<1x128xf32>
    %slice3A_385 = vector.extract_strided_slice %dot_general3A_220 {offsets = [1, 0], sizes = [1, 128], strides = [1, 1]} : vector<2x128xf32> to vector<1x128xf32>
    %slice3A_386 = vector.extract_strided_slice %dot_general3A_223 {offsets = [1, 0], sizes = [1, 128], strides = [1, 1]} : vector<2x128xf32> to vector<1x128xf32>
    %slice3A_387 = vector.extract_strided_slice %dot_general3A_226 {offsets = [1, 0], sizes = [1, 128], strides = [1, 1]} : vector<2x128xf32> to vector<1x128xf32>
    %slice3A_388 = vector.extract_strided_slice %dot_general3A_229 {offsets = [1, 0], sizes = [1, 128], strides = [1, 1]} : vector<2x128xf32> to vector<1x128xf32>
    %slice3A_389 = vector.extract_strided_slice %dot_general3A_232 {offsets = [1, 0], sizes = [1, 128], strides = [1, 1]} : vector<2x128xf32> to vector<1x128xf32>
    %slice3A_390 = vector.extract_strided_slice %dot_general3A_235 {offsets = [1, 0], sizes = [1, 128], strides = [1, 1]} : vector<2x128xf32> to vector<1x128xf32>
    %slice3A_391 = vector.extract_strided_slice %dot_general3A_238 {offsets = [1, 0], sizes = [1, 128], strides = [1, 1]} : vector<2x128xf32> to vector<1x128xf32>
    %slice3A_392 = vector.extract_strided_slice %dot_general3A_241 {offsets = [1, 0], sizes = [1, 128], strides = [1, 1]} : vector<2x128xf32> to vector<1x128xf32>
    %slice3A_393 = vector.extract_strided_slice %dot_general3A_244 {offsets = [1, 0], sizes = [1, 128], strides = [1, 1]} : vector<2x128xf32> to vector<1x128xf32>
    %slice3A_394 = vector.extract_strided_slice %dot_general3A_247 {offsets = [1, 0], sizes = [1, 128], strides = [1, 1]} : vector<2x128xf32> to vector<1x128xf32>
    %slice3A_395 = vector.extract_strided_slice %dot_general3A_250 {offsets = [1, 0], sizes = [1, 128], strides = [1, 1]} : vector<2x128xf32> to vector<1x128xf32>
    %slice3A_396 = vector.extract_strided_slice %dot_general3A_253 {offsets = [1, 0], sizes = [1, 128], strides = [1, 1]} : vector<2x128xf32> to vector<1x128xf32>
    %slice3A_397 = vector.extract_strided_slice %dot_general3A_256 {offsets = [1, 0], sizes = [1, 128], strides = [1, 1]} : vector<2x128xf32> to vector<1x128xf32>
    %slice3A_398 = vector.extract_strided_slice %dot_general3A_259 {offsets = [1, 0], sizes = [1, 128], strides = [1, 1]} : vector<2x128xf32> to vector<1x128xf32>
    %slice3A_399 = vector.extract_strided_slice %dot_general3A_262 {offsets = [1, 0], sizes = [1, 128], strides = [1, 1]} : vector<2x128xf32> to vector<1x128xf32>
    %slice3A_400 = vector.extract_strided_slice %dot_general3A_265 {offsets = [1, 0], sizes = [1, 128], strides = [1, 1]} : vector<2x128xf32> to vector<1x128xf32>
    %slice3A_401 = vector.extract_strided_slice %dot_general3A_268 {offsets = [1, 0], sizes = [1, 128], strides = [1, 1]} : vector<2x128xf32> to vector<1x128xf32>
    %slice3A_402 = vector.extract_strided_slice %dot_general3A_271 {offsets = [1, 0], sizes = [1, 128], strides = [1, 1]} : vector<2x128xf32> to vector<1x128xf32>
    %slice3A_403 = vector.extract_strided_slice %dot_general3A_274 {offsets = [1, 0], sizes = [1, 128], strides = [1, 1]} : vector<2x128xf32> to vector<1x128xf32>
    %concatenate3A_404 = tpu.concatenate %slice3A_340, %slice3A_341, %slice3A_342, %slice3A_343, %slice3A_344, %slice3A_345, %slice3A_346, %slice3A_347, %slice3A_348, %slice3A_349, %slice3A_350, %slice3A_351, %slice3A_352, %slice3A_353, %slice3A_354, %slice3A_355, %slice3A_356, %slice3A_357, %slice3A_358, %slice3A_359, %slice3A_360, %slice3A_361, %slice3A_362, %slice3A_363, %slice3A_364, %slice3A_365, %slice3A_366, %slice3A_367, %slice3A_368, %slice3A_369, %slice3A_370, %slice3A_371, %slice3A_372, %slice3A_373, %slice3A_374, %slice3A_375, %slice3A_376, %slice3A_377, %slice3A_378, %slice3A_379, %slice3A_380, %slice3A_381, %slice3A_382, %slice3A_383, %slice3A_384, %slice3A_385, %slice3A_386, %slice3A_387, %slice3A_388, %slice3A_389, %slice3A_390, %slice3A_391, %slice3A_392, %slice3A_393, %slice3A_394, %slice3A_395, %slice3A_396, %slice3A_397, %slice3A_398, %slice3A_399, %slice3A_400, %slice3A_401, %slice3A_402, %slice3A_403 in 0 : vector<1x128xf32>, vector<1x128xf32>, vector<1x128xf32>, vector<1x128xf32>, vector<1x128xf32>, vector<1x128xf32>, vector<1x128xf32>, vector<1x128xf32>, vector<1x128xf32>, vector<1x128xf32>, vector<1x128xf32>, vector<1x128xf32>, vector<1x128xf32>, vector<1x128xf32>, vector<1x128xf32>, vector<1x128xf32>, vector<1x128xf32>, vector<1x128xf32>, vector<1x128xf32>, vector<1x128xf32>, vector<1x128xf32>, vector<1x128xf32>, vector<1x128xf32>, vector<1x128xf32>, vector<1x128xf32>, vector<1x128xf32>, vector<1x128xf32>, vector<1x128xf32>, vector<1x128xf32>, vector<1x128xf32>, vector<1x128xf32>, vector<1x128xf32>, vector<1x128xf32>, vector<1x128xf32>, vector<1x128xf32>, vector<1x128xf32>, vector<1x128xf32>, vector<1x128xf32>, vector<1x128xf32>, vector<1x128xf32>, vector<1x128xf32>, vector<1x128xf32>, vector<1x128xf32>, vector<1x128xf32>, vector<1x128xf32>, vector<1x128xf32>, vector<1x128xf32>, vector<1x128xf32>, vector<1x128xf32>, vector<1x128xf32>, vector<1x128xf32>, vector<1x128xf32>, vector<1x128xf32>, vector<1x128xf32>, vector<1x128xf32>, vector<1x128xf32>, vector<1x128xf32>, vector<1x128xf32>, vector<1x128xf32>, vector<1x128xf32>, vector<1x128xf32>, vector<1x128xf32>, vector<1x128xf32>, vector<1x128xf32> -> vector<64x128xf32>
    %log3A = math.log %concatenate3A_339 : vector<64x128xf32>
    %sub3A = arith.subf %concatenate3A_404, %log3A : vector<64x128xf32>
    %swap3A = arith.constant 0 : index
    %swap3A_405 = arith.constant 0 : index
    %swap3A_406 = vector.load %arg4[%swap3A, %swap3A_405] : memref<64x128xf32, #tpu.memory_space<vmem>>, vector<64x128xf32>
    tpu.vector_store %arg4[%swap3A, %swap3A_405], %sub3A {strides = array<i32>} : memref<64x128xf32, #tpu.memory_space<vmem>>, vector<64x128xf32>,
    %broadcast_in_dim3A_407 = arith.constant 0.000000e+00 : f32
    %broadcast_in_dim3A_408 = vector.broadcast %broadcast_in_dim3A_407 : f32 to vector<64x128xf32>
    %eq3A_409 = arith.constant 0 : i32
    %eq3A_410 = vector.broadcast %eq3A_409 : i32 to vector<64x128xi32>
    %eq3A_411 = arith.cmpi eq, %get3A_4, %eq3A_410 : vector<64x128xi32>
    %get3A_412 = arith.constant 0 : index
    %get3A_413 = memref.load %arg3[%get3A_412] : memref<100xf32, #tpu.memory_space<smem>>
    %broadcast_in_dim3A_414 = vector.broadcast %get3A_413 : f32 to vector<64x128xf32>
    %select_n3A_415 = arith.select %eq3A_411, %broadcast_in_dim3A_414, %broadcast_in_dim3A_408 : vector<64x128xi1>, vector<64x128xf32>
    %eq3A_416 = arith.constant 1 : i32
    %eq3A_417 = vector.broadcast %eq3A_416 : i32 to vector<64x128xi32>
    %eq3A_418 = arith.cmpi eq, %get3A_4, %eq3A_417 : vector<64x128xi32>
    %get3A_419 = arith.constant 1 : index
    %get3A_420 = memref.load %arg3[%get3A_419] : memref<100xf32, #tpu.memory_space<smem>>
    %broadcast_in_dim3A_421 = vector.broadcast %get3A_420 : f32 to vector<64x128xf32>
    %select_n3A_422 = arith.select %eq3A_418, %broadcast_in_dim3A_421, %select_n3A_415 : vector<64x128xi1>, vector<64x128xf32>
    %eq3A_423 = arith.constant 2 : i32
    %eq3A_424 = vector.broadcast %eq3A_423 : i32 to vector<64x128xi32>
    %eq3A_425 = arith.cmpi eq, %get3A_4, %eq3A_424 : vector<64x128xi32>
    %get3A_426 = arith.constant 2 : index
    %get3A_427 = memref.load %arg3[%get3A_426] : memref<100xf32, #tpu.memory_space<smem>>
    %broadcast_in_dim3A_428 = vector.broadcast %get3A_427 : f32 to vector<64x128xf32>
    %select_n3A_429 = arith.select %eq3A_425, %broadcast_in_dim3A_428, %select_n3A_422 : vector<64x128xi1>, vector<64x128xf32>
    %eq3A_430 = arith.constant 3 : i32
    %eq3A_431 = vector.broadcast %eq3A_430 : i32 to vector<64x128xi32>
    %eq3A_432 = arith.cmpi eq, %get3A_4, %eq3A_431 : vector<64x128xi32>
    %get3A_433 = arith.constant 3 : index
    %get3A_434 = memref.load %arg3[%get3A_433] : memref<100xf32, #tpu.memory_space<smem>>
    %broadcast_in_dim3A_435 = vector.broadcast %get3A_434 : f32 to vector<64x128xf32>
    %select_n3A_436 = arith.select %eq3A_432, %broadcast_in_dim3A_435, %select_n3A_429 : vector<64x128xi1>, vector<64x128xf32>
    %eq3A_437 = arith.constant 4 : i32
    %eq3A_438 = vector.broadcast %eq3A_437 : i32 to vector<64x128xi32>
    %eq3A_439 = arith.cmpi eq, %get3A_4, %eq3A_438 : vector<64x128xi32>
    %get3A_440 = arith.constant 4 : index
    %get3A_441 = memref.load %arg3[%get3A_440] : memref<100xf32, #tpu.memory_space<smem>>
    %broadcast_in_dim3A_442 = vector.broadcast %get3A_441 : f32 to vector<64x128xf32>
    %select_n3A_443 = arith.select %eq3A_439, %broadcast_in_dim3A_442, %select_n3A_436 : vector<64x128xi1>, vector<64x128xf32>
    %eq3A_444 = arith.constant 5 : i32
    %eq3A_445 = vector.broadcast %eq3A_444 : i32 to vector<64x128xi32>
    %eq3A_446 = arith.cmpi eq, %get3A_4, %eq3A_445 : vector<64x128xi32>
    %get3A_447 = arith.constant 5 : index
    %get3A_448 = memref.load %arg3[%get3A_447] : memref<100xf32, #tpu.memory_space<smem>>
    %broadcast_in_dim3A_449 = vector.broadcast %get3A_448 : f32 to vector<64x128xf32>
    %select_n3A_450 = arith.select %eq3A_446, %broadcast_in_dim3A_449, %select_n3A_443 : vector<64x128xi1>, vector<64x128xf32>
    %eq3A_451 = arith.constant 6 : i32
    %eq3A_452 = vector.broadcast %eq3A_451 : i32 to vector<64x128xi32>
    %eq3A_453 = arith.cmpi eq, %get3A_4, %eq3A_452 : vector<64x128xi32>
    %get3A_454 = arith.constant 6 : index
    %get3A_455 = memref.load %arg3[%get3A_454] : memref<100xf32, #tpu.memory_space<smem>>
    %broadcast_in_dim3A_456 = vector.broadcast %get3A_455 : f32 to vector<64x128xf32>
    %select_n3A_457 = arith.select %eq3A_453, %broadcast_in_dim3A_456, %select_n3A_450 : vector<64x128xi1>, vector<64x128xf32>
    %eq3A_458 = arith.constant 7 : i32
    %eq3A_459 = vector.broadcast %eq3A_458 : i32 to vector<64x128xi32>
    %eq3A_460 = arith.cmpi eq, %get3A_4, %eq3A_459 : vector<64x128xi32>
    %get3A_461 = arith.constant 7 : index
    %get3A_462 = memref.load %arg3[%get3A_461] : memref<100xf32, #tpu.memory_space<smem>>
    %broadcast_in_dim3A_463 = vector.broadcast %get3A_462 : f32 to vector<64x128xf32>
    %select_n3A_464 = arith.select %eq3A_460, %broadcast_in_dim3A_463, %select_n3A_457 : vector<64x128xi1>, vector<64x128xf32>
    %eq3A_465 = arith.constant 8 : i32
    %eq3A_466 = vector.broadcast %eq3A_465 : i32 to vector<64x128xi32>
    %eq3A_467 = arith.cmpi eq, %get3A_4, %eq3A_466 : vector<64x128xi32>
    %get3A_468 = arith.constant 8 : index
    %get3A_469 = memref.load %arg3[%get3A_468] : memref<100xf32, #tpu.memory_space<smem>>
    %broadcast_in_dim3A_470 = vector.broadcast %get3A_469 : f32 to vector<64x128xf32>
    %select_n3A_471 = arith.select %eq3A_467, %broadcast_in_dim3A_470, %select_n3A_464 : vector<64x128xi1>, vector<64x128xf32>
    %eq3A_472 = arith.constant 9 : i32
    %eq3A_473 = vector.broadcast %eq3A_472 : i32 to vector<64x128xi32>
    %eq3A_474 = arith.cmpi eq, %get3A_4, %eq3A_473 : vector<64x128xi32>
    %get3A_475 = arith.constant 9 : index
    %get3A_476 = memref.load %arg3[%get3A_475] : memref<100xf32, #tpu.memory_space<smem>>
    %broadcast_in_dim3A_477 = vector.broadcast %get3A_476 : f32 to vector<64x128xf32>
    %select_n3A_478 = arith.select %eq3A_474, %broadcast_in_dim3A_477, %select_n3A_471 : vector<64x128xi1>, vector<64x128xf32>
    %eq3A_479 = arith.constant 10 : i32
    %eq3A_480 = vector.broadcast %eq3A_479 : i32 to vector<64x128xi32>
    %eq3A_481 = arith.cmpi eq, %get3A_4, %eq3A_480 : vector<64x128xi32>
    %get3A_482 = arith.constant 10 : index
    %get3A_483 = memref.load %arg3[%get3A_482] : memref<100xf32, #tpu.memory_space<smem>>
    %broadcast_in_dim3A_484 = vector.broadcast %get3A_483 : f32 to vector<64x128xf32>
    %select_n3A_485 = arith.select %eq3A_481, %broadcast_in_dim3A_484, %select_n3A_478 : vector<64x128xi1>, vector<64x128xf32>
    %eq3A_486 = arith.constant 11 : i32
    %eq3A_487 = vector.broadcast %eq3A_486 : i32 to vector<64x128xi32>
    %eq3A_488 = arith.cmpi eq, %get3A_4, %eq3A_487 : vector<64x128xi32>
    %get3A_489 = arith.constant 11 : index
    %get3A_490 = memref.load %arg3[%get3A_489] : memref<100xf32, #tpu.memory_space<smem>>
    %broadcast_in_dim3A_491 = vector.broadcast %get3A_490 : f32 to vector<64x128xf32>
    %select_n3A_492 = arith.select %eq3A_488, %broadcast_in_dim3A_491, %select_n3A_485 : vector<64x128xi1>, vector<64x128xf32>
    %eq3A_493 = arith.constant 12 : i32
    %eq3A_494 = vector.broadcast %eq3A_493 : i32 to vector<64x128xi32>
    %eq3A_495 = arith.cmpi eq, %get3A_4, %eq3A_494 : vector<64x128xi32>
    %get3A_496 = arith.constant 12 : index
    %get3A_497 = memref.load %arg3[%get3A_496] : memref<100xf32, #tpu.memory_space<smem>>
    %broadcast_in_dim3A_498 = vector.broadcast %get3A_497 : f32 to vector<64x128xf32>
    %select_n3A_499 = arith.select %eq3A_495, %broadcast_in_dim3A_498, %select_n3A_492 : vector<64x128xi1>, vector<64x128xf32>
    %eq3A_500 = arith.constant 13 : i32
    %eq3A_501 = vector.broadcast %eq3A_500 : i32 to vector<64x128xi32>
    %eq3A_502 = arith.cmpi eq, %get3A_4, %eq3A_501 : vector<64x128xi32>
    %get3A_503 = arith.constant 13 : index
    %get3A_504 = memref.load %arg3[%get3A_503] : memref<100xf32, #tpu.memory_space<smem>>
    %broadcast_in_dim3A_505 = vector.broadcast %get3A_504 : f32 to vector<64x128xf32>
    %select_n3A_506 = arith.select %eq3A_502, %broadcast_in_dim3A_505, %select_n3A_499 : vector<64x128xi1>, vector<64x128xf32>
    %eq3A_507 = arith.constant 14 : i32
    %eq3A_508 = vector.broadcast %eq3A_507 : i32 to vector<64x128xi32>
    %eq3A_509 = arith.cmpi eq, %get3A_4, %eq3A_508 : vector<64x128xi32>
    %get3A_510 = arith.constant 14 : index
    %get3A_511 = memref.load %arg3[%get3A_510] : memref<100xf32, #tpu.memory_space<smem>>
    %broadcast_in_dim3A_512 = vector.broadcast %get3A_511 : f32 to vector<64x128xf32>
    %select_n3A_513 = arith.select %eq3A_509, %broadcast_in_dim3A_512, %select_n3A_506 : vector<64x128xi1>, vector<64x128xf32>
    %eq3A_514 = arith.constant 15 : i32
    %eq3A_515 = vector.broadcast %eq3A_514 : i32 to vector<64x128xi32>
    %eq3A_516 = arith.cmpi eq, %get3A_4, %eq3A_515 : vector<64x128xi32>
    %get3A_517 = arith.constant 15 : index
    %get3A_518 = memref.load %arg3[%get3A_517] : memref<100xf32, #tpu.memory_space<smem>>
    %broadcast_in_dim3A_519 = vector.broadcast %get3A_518 : f32 to vector<64x128xf32>
    %select_n3A_520 = arith.select %eq3A_516, %broadcast_in_dim3A_519, %select_n3A_513 : vector<64x128xi1>, vector<64x128xf32>
    %eq3A_521 = arith.constant 16 : i32
    %eq3A_522 = vector.broadcast %eq3A_521 : i32 to vector<64x128xi32>
    %eq3A_523 = arith.cmpi eq, %get3A_4, %eq3A_522 : vector<64x128xi32>
    %get3A_524 = arith.constant 16 : index
    %get3A_525 = memref.load %arg3[%get3A_524] : memref<100xf32, #tpu.memory_space<smem>>
    %broadcast_in_dim3A_526 = vector.broadcast %get3A_525 : f32 to vector<64x128xf32>
    %select_n3A_527 = arith.select %eq3A_523, %broadcast_in_dim3A_526, %select_n3A_520 : vector<64x128xi1>, vector<64x128xf32>
    %eq3A_528 = arith.constant 17 : i32
    %eq3A_529 = vector.broadcast %eq3A_528 : i32 to vector<64x128xi32>
    %eq3A_530 = arith.cmpi eq, %get3A_4, %eq3A_529 : vector<64x128xi32>
    %get3A_531 = arith.constant 17 : index
    %get3A_532 = memref.load %arg3[%get3A_531] : memref<100xf32, #tpu.memory_space<smem>>
    %broadcast_in_dim3A_533 = vector.broadcast %get3A_532 : f32 to vector<64x128xf32>
    %select_n3A_534 = arith.select %eq3A_530, %broadcast_in_dim3A_533, %select_n3A_527 : vector<64x128xi1>, vector<64x128xf32>
    %eq3A_535 = arith.constant 18 : i32
    %eq3A_536 = vector.broadcast %eq3A_535 : i32 to vector<64x128xi32>
    %eq3A_537 = arith.cmpi eq, %get3A_4, %eq3A_536 : vector<64x128xi32>
    %get3A_538 = arith.constant 18 : index
    %get3A_539 = memref.load %arg3[%get3A_538] : memref<100xf32, #tpu.memory_space<smem>>
    %broadcast_in_dim3A_540 = vector.broadcast %get3A_539 : f32 to vector<64x128xf32>
    %select_n3A_541 = arith.select %eq3A_537, %broadcast_in_dim3A_540, %select_n3A_534 : vector<64x128xi1>, vector<64x128xf32>
    %eq3A_542 = arith.constant 19 : i32
    %eq3A_543 = vector.broadcast %eq3A_542 : i32 to vector<64x128xi32>
    %eq3A_544 = arith.cmpi eq, %get3A_4, %eq3A_543 : vector<64x128xi32>
    %get3A_545 = arith.constant 19 : index
    %get3A_546 = memref.load %arg3[%get3A_545] : memref<100xf32, #tpu.memory_space<smem>>
    %broadcast_in_dim3A_547 = vector.broadcast %get3A_546 : f32 to vector<64x128xf32>
    %select_n3A_548 = arith.select %eq3A_544, %broadcast_in_dim3A_547, %select_n3A_541 : vector<64x128xi1>, vector<64x128xf32>
    %eq3A_549 = arith.constant 20 : i32
    %eq3A_550 = vector.broadcast %eq3A_549 : i32 to vector<64x128xi32>
    %eq3A_551 = arith.cmpi eq, %get3A_4, %eq3A_550 : vector<64x128xi32>
    %get3A_552 = arith.constant 20 : index
    %get3A_553 = memref.load %arg3[%get3A_552] : memref<100xf32, #tpu.memory_space<smem>>
    %broadcast_in_dim3A_554 = vector.broadcast %get3A_553 : f32 to vector<64x128xf32>
    %select_n3A_555 = arith.select %eq3A_551, %broadcast_in_dim3A_554, %select_n3A_548 : vector<64x128xi1>, vector<64x128xf32>
    %eq3A_556 = arith.constant 21 : i32
    %eq3A_557 = vector.broadcast %eq3A_556 : i32 to vector<64x128xi32>
    %eq3A_558 = arith.cmpi eq, %get3A_4, %eq3A_557 : vector<64x128xi32>
    %get3A_559 = arith.constant 21 : index
    %get3A_560 = memref.load %arg3[%get3A_559] : memref<100xf32, #tpu.memory_space<smem>>
    %broadcast_in_dim3A_561 = vector.broadcast %get3A_560 : f32 to vector<64x128xf32>
    %select_n3A_562 = arith.select %eq3A_558, %broadcast_in_dim3A_561, %select_n3A_555 : vector<64x128xi1>, vector<64x128xf32>
    %eq3A_563 = arith.constant 22 : i32
    %eq3A_564 = vector.broadcast %eq3A_563 : i32 to vector<64x128xi32>
    %eq3A_565 = arith.cmpi eq, %get3A_4, %eq3A_564 : vector<64x128xi32>
    %get3A_566 = arith.constant 22 : index
    %get3A_567 = memref.load %arg3[%get3A_566] : memref<100xf32, #tpu.memory_space<smem>>
    %broadcast_in_dim3A_568 = vector.broadcast %get3A_567 : f32 to vector<64x128xf32>
    %select_n3A_569 = arith.select %eq3A_565, %broadcast_in_dim3A_568, %select_n3A_562 : vector<64x128xi1>, vector<64x128xf32>
    %eq3A_570 = arith.constant 23 : i32
    %eq3A_571 = vector.broadcast %eq3A_570 : i32 to vector<64x128xi32>
    %eq3A_572 = arith.cmpi eq, %get3A_4, %eq3A_571 : vector<64x128xi32>
    %get3A_573 = arith.constant 23 : index
    %get3A_574 = memref.load %arg3[%get3A_573] : memref<100xf32, #tpu.memory_space<smem>>
    %broadcast_in_dim3A_575 = vector.broadcast %get3A_574 : f32 to vector<64x128xf32>
    %select_n3A_576 = arith.select %eq3A_572, %broadcast_in_dim3A_575, %select_n3A_569 : vector<64x128xi1>, vector<64x128xf32>
    %eq3A_577 = arith.constant 24 : i32
    %eq3A_578 = vector.broadcast %eq3A_577 : i32 to vector<64x128xi32>
    %eq3A_579 = arith.cmpi eq, %get3A_4, %eq3A_578 : vector<64x128xi32>
    %get3A_580 = arith.constant 24 : index
    %get3A_581 = memref.load %arg3[%get3A_580] : memref<100xf32, #tpu.memory_space<smem>>
    %broadcast_in_dim3A_582 = vector.broadcast %get3A_581 : f32 to vector<64x128xf32>
    %select_n3A_583 = arith.select %eq3A_579, %broadcast_in_dim3A_582, %select_n3A_576 : vector<64x128xi1>, vector<64x128xf32>
    %eq3A_584 = arith.constant 25 : i32
    %eq3A_585 = vector.broadcast %eq3A_584 : i32 to vector<64x128xi32>
    %eq3A_586 = arith.cmpi eq, %get3A_4, %eq3A_585 : vector<64x128xi32>
    %get3A_587 = arith.constant 25 : index
    %get3A_588 = memref.load %arg3[%get3A_587] : memref<100xf32, #tpu.memory_space<smem>>
    %broadcast_in_dim3A_589 = vector.broadcast %get3A_588 : f32 to vector<64x128xf32>
    %select_n3A_590 = arith.select %eq3A_586, %broadcast_in_dim3A_589, %select_n3A_583 : vector<64x128xi1>, vector<64x128xf32>
    %eq3A_591 = arith.constant 26 : i32
    %eq3A_592 = vector.broadcast %eq3A_591 : i32 to vector<64x128xi32>
    %eq3A_593 = arith.cmpi eq, %get3A_4, %eq3A_592 : vector<64x128xi32>
    %get3A_594 = arith.constant 26 : index
    %get3A_595 = memref.load %arg3[%get3A_594] : memref<100xf32, #tpu.memory_space<smem>>
    %broadcast_in_dim3A_596 = vector.broadcast %get3A_595 : f32 to vector<64x128xf32>
    %select_n3A_597 = arith.select %eq3A_593, %broadcast_in_dim3A_596, %select_n3A_590 : vector<64x128xi1>, vector<64x128xf32>
    %eq3A_598 = arith.constant 27 : i32
    %eq3A_599 = vector.broadcast %eq3A_598 : i32 to vector<64x128xi32>
    %eq3A_600 = arith.cmpi eq, %get3A_4, %eq3A_599 : vector<64x128xi32>
    %get3A_601 = arith.constant 27 : index
    %get3A_602 = memref.load %arg3[%get3A_601] : memref<100xf32, #tpu.memory_space<smem>>
    %broadcast_in_dim3A_603 = vector.broadcast %get3A_602 : f32 to vector<64x128xf32>
    %select_n3A_604 = arith.select %eq3A_600, %broadcast_in_dim3A_603, %select_n3A_597 : vector<64x128xi1>, vector<64x128xf32>
    %eq3A_605 = arith.constant 28 : i32
    %eq3A_606 = vector.broadcast %eq3A_605 : i32 to vector<64x128xi32>
    %eq3A_607 = arith.cmpi eq, %get3A_4, %eq3A_606 : vector<64x128xi32>
    %get3A_608 = arith.constant 28 : index
    %get3A_609 = memref.load %arg3[%get3A_608] : memref<100xf32, #tpu.memory_space<smem>>
    %broadcast_in_dim3A_610 = vector.broadcast %get3A_609 : f32 to vector<64x128xf32>
    %select_n3A_611 = arith.select %eq3A_607, %broadcast_in_dim3A_610, %select_n3A_604 : vector<64x128xi1>, vector<64x128xf32>
    %eq3A_612 = arith.constant 29 : i32
    %eq3A_613 = vector.broadcast %eq3A_612 : i32 to vector<64x128xi32>
    %eq3A_614 = arith.cmpi eq, %get3A_4, %eq3A_613 : vector<64x128xi32>
    %get3A_615 = arith.constant 29 : index
    %get3A_616 = memref.load %arg3[%get3A_615] : memref<100xf32, #tpu.memory_space<smem>>
    %broadcast_in_dim3A_617 = vector.broadcast %get3A_616 : f32 to vector<64x128xf32>
    %select_n3A_618 = arith.select %eq3A_614, %broadcast_in_dim3A_617, %select_n3A_611 : vector<64x128xi1>, vector<64x128xf32>
    %eq3A_619 = arith.constant 30 : i32
    %eq3A_620 = vector.broadcast %eq3A_619 : i32 to vector<64x128xi32>
    %eq3A_621 = arith.cmpi eq, %get3A_4, %eq3A_620 : vector<64x128xi32>
    %get3A_622 = arith.constant 30 : index
    %get3A_623 = memref.load %arg3[%get3A_622] : memref<100xf32, #tpu.memory_space<smem>>
    %broadcast_in_dim3A_624 = vector.broadcast %get3A_623 : f32 to vector<64x128xf32>
    %select_n3A_625 = arith.select %eq3A_621, %broadcast_in_dim3A_624, %select_n3A_618 : vector<64x128xi1>, vector<64x128xf32>
    %eq3A_626 = arith.constant 31 : i32
    %eq3A_627 = vector.broadcast %eq3A_626 : i32 to vector<64x128xi32>
    %eq3A_628 = arith.cmpi eq, %get3A_4, %eq3A_627 : vector<64x128xi32>
    %get3A_629 = arith.constant 31 : index
    %get3A_630 = memref.load %arg3[%get3A_629] : memref<100xf32, #tpu.memory_space<smem>>
    %broadcast_in_dim3A_631 = vector.broadcast %get3A_630 : f32 to vector<64x128xf32>
    %select_n3A_632 = arith.select %eq3A_628, %broadcast_in_dim3A_631, %select_n3A_625 : vector<64x128xi1>, vector<64x128xf32>
    %eq3A_633 = arith.constant 32 : i32
    %eq3A_634 = vector.broadcast %eq3A_633 : i32 to vector<64x128xi32>
    %eq3A_635 = arith.cmpi eq, %get3A_4, %eq3A_634 : vector<64x128xi32>
    %get3A_636 = arith.constant 32 : index
    %get3A_637 = memref.load %arg3[%get3A_636] : memref<100xf32, #tpu.memory_space<smem>>
    %broadcast_in_dim3A_638 = vector.broadcast %get3A_637 : f32 to vector<64x128xf32>
    %select_n3A_639 = arith.select %eq3A_635, %broadcast_in_dim3A_638, %select_n3A_632 : vector<64x128xi1>, vector<64x128xf32>
    %eq3A_640 = arith.constant 33 : i32
    %eq3A_641 = vector.broadcast %eq3A_640 : i32 to vector<64x128xi32>
    %eq3A_642 = arith.cmpi eq, %get3A_4, %eq3A_641 : vector<64x128xi32>
    %get3A_643 = arith.constant 33 : index
    %get3A_644 = memref.load %arg3[%get3A_643] : memref<100xf32, #tpu.memory_space<smem>>
    %broadcast_in_dim3A_645 = vector.broadcast %get3A_644 : f32 to vector<64x128xf32>
    %select_n3A_646 = arith.select %eq3A_642, %broadcast_in_dim3A_645, %select_n3A_639 : vector<64x128xi1>, vector<64x128xf32>
    %eq3A_647 = arith.constant 34 : i32
    %eq3A_648 = vector.broadcast %eq3A_647 : i32 to vector<64x128xi32>
    %eq3A_649 = arith.cmpi eq, %get3A_4, %eq3A_648 : vector<64x128xi32>
    %get3A_650 = arith.constant 34 : index
    %get3A_651 = memref.load %arg3[%get3A_650] : memref<100xf32, #tpu.memory_space<smem>>
    %broadcast_in_dim3A_652 = vector.broadcast %get3A_651 : f32 to vector<64x128xf32>
    %select_n3A_653 = arith.select %eq3A_649, %broadcast_in_dim3A_652, %select_n3A_646 : vector<64x128xi1>, vector<64x128xf32>
    %eq3A_654 = arith.constant 35 : i32
    %eq3A_655 = vector.broadcast %eq3A_654 : i32 to vector<64x128xi32>
    %eq3A_656 = arith.cmpi eq, %get3A_4, %eq3A_655 : vector<64x128xi32>
    %get3A_657 = arith.constant 35 : index
    %get3A_658 = memref.load %arg3[%get3A_657] : memref<100xf32, #tpu.memory_space<smem>>
    %broadcast_in_dim3A_659 = vector.broadcast %get3A_658 : f32 to vector<64x128xf32>
    %select_n3A_660 = arith.select %eq3A_656, %broadcast_in_dim3A_659, %select_n3A_653 : vector<64x128xi1>, vector<64x128xf32>
    %eq3A_661 = arith.constant 36 : i32
    %eq3A_662 = vector.broadcast %eq3A_661 : i32 to vector<64x128xi32>
    %eq3A_663 = arith.cmpi eq, %get3A_4, %eq3A_662 : vector<64x128xi32>
    %get3A_664 = arith.constant 36 : index
    %get3A_665 = memref.load %arg3[%get3A_664] : memref<100xf32, #tpu.memory_space<smem>>
    %broadcast_in_dim3A_666 = vector.broadcast %get3A_665 : f32 to vector<64x128xf32>
    %select_n3A_667 = arith.select %eq3A_663, %broadcast_in_dim3A_666, %select_n3A_660 : vector<64x128xi1>, vector<64x128xf32>
    %eq3A_668 = arith.constant 37 : i32
    %eq3A_669 = vector.broadcast %eq3A_668 : i32 to vector<64x128xi32>
    %eq3A_670 = arith.cmpi eq, %get3A_4, %eq3A_669 : vector<64x128xi32>
    %get3A_671 = arith.constant 37 : index
    %get3A_672 = memref.load %arg3[%get3A_671] : memref<100xf32, #tpu.memory_space<smem>>
    %broadcast_in_dim3A_673 = vector.broadcast %get3A_672 : f32 to vector<64x128xf32>
    %select_n3A_674 = arith.select %eq3A_670, %broadcast_in_dim3A_673, %select_n3A_667 : vector<64x128xi1>, vector<64x128xf32>
    %eq3A_675 = arith.constant 38 : i32
    %eq3A_676 = vector.broadcast %eq3A_675 : i32 to vector<64x128xi32>
    %eq3A_677 = arith.cmpi eq, %get3A_4, %eq3A_676 : vector<64x128xi32>
    %get3A_678 = arith.constant 38 : index
    %get3A_679 = memref.load %arg3[%get3A_678] : memref<100xf32, #tpu.memory_space<smem>>
    %broadcast_in_dim3A_680 = vector.broadcast %get3A_679 : f32 to vector<64x128xf32>
    %select_n3A_681 = arith.select %eq3A_677, %broadcast_in_dim3A_680, %select_n3A_674 : vector<64x128xi1>, vector<64x128xf32>
    %eq3A_682 = arith.constant 39 : i32
    %eq3A_683 = vector.broadcast %eq3A_682 : i32 to vector<64x128xi32>
    %eq3A_684 = arith.cmpi eq, %get3A_4, %eq3A_683 : vector<64x128xi32>
    %get3A_685 = arith.constant 39 : index
    %get3A_686 = memref.load %arg3[%get3A_685] : memref<100xf32, #tpu.memory_space<smem>>
    %broadcast_in_dim3A_687 = vector.broadcast %get3A_686 : f32 to vector<64x128xf32>
    %select_n3A_688 = arith.select %eq3A_684, %broadcast_in_dim3A_687, %select_n3A_681 : vector<64x128xi1>, vector<64x128xf32>
    %eq3A_689 = arith.constant 40 : i32
    %eq3A_690 = vector.broadcast %eq3A_689 : i32 to vector<64x128xi32>
    %eq3A_691 = arith.cmpi eq, %get3A_4, %eq3A_690 : vector<64x128xi32>
    %get3A_692 = arith.constant 40 : index
    %get3A_693 = memref.load %arg3[%get3A_692] : memref<100xf32, #tpu.memory_space<smem>>
    %broadcast_in_dim3A_694 = vector.broadcast %get3A_693 : f32 to vector<64x128xf32>
    %select_n3A_695 = arith.select %eq3A_691, %broadcast_in_dim3A_694, %select_n3A_688 : vector<64x128xi1>, vector<64x128xf32>
    %eq3A_696 = arith.constant 41 : i32
    %eq3A_697 = vector.broadcast %eq3A_696 : i32 to vector<64x128xi32>
    %eq3A_698 = arith.cmpi eq, %get3A_4, %eq3A_697 : vector<64x128xi32>
    %get3A_699 = arith.constant 41 : index
    %get3A_700 = memref.load %arg3[%get3A_699] : memref<100xf32, #tpu.memory_space<smem>>
    %broadcast_in_dim3A_701 = vector.broadcast %get3A_700 : f32 to vector<64x128xf32>
    %select_n3A_702 = arith.select %eq3A_698, %broadcast_in_dim3A_701, %select_n3A_695 : vector<64x128xi1>, vector<64x128xf32>
    %eq3A_703 = arith.constant 42 : i32
    %eq3A_704 = vector.broadcast %eq3A_703 : i32 to vector<64x128xi32>
    %eq3A_705 = arith.cmpi eq, %get3A_4, %eq3A_704 : vector<64x128xi32>
    %get3A_706 = arith.constant 42 : index
    %get3A_707 = memref.load %arg3[%get3A_706] : memref<100xf32, #tpu.memory_space<smem>>
    %broadcast_in_dim3A_708 = vector.broadcast %get3A_707 : f32 to vector<64x128xf32>
    %select_n3A_709 = arith.select %eq3A_705, %broadcast_in_dim3A_708, %select_n3A_702 : vector<64x128xi1>, vector<64x128xf32>
    %eq3A_710 = arith.constant 43 : i32
    %eq3A_711 = vector.broadcast %eq3A_710 : i32 to vector<64x128xi32>
    %eq3A_712 = arith.cmpi eq, %get3A_4, %eq3A_711 : vector<64x128xi32>
    %get3A_713 = arith.constant 43 : index
    %get3A_714 = memref.load %arg3[%get3A_713] : memref<100xf32, #tpu.memory_space<smem>>
    %broadcast_in_dim3A_715 = vector.broadcast %get3A_714 : f32 to vector<64x128xf32>
    %select_n3A_716 = arith.select %eq3A_712, %broadcast_in_dim3A_715, %select_n3A_709 : vector<64x128xi1>, vector<64x128xf32>
    %eq3A_717 = arith.constant 44 : i32
    %eq3A_718 = vector.broadcast %eq3A_717 : i32 to vector<64x128xi32>
    %eq3A_719 = arith.cmpi eq, %get3A_4, %eq3A_718 : vector<64x128xi32>
    %get3A_720 = arith.constant 44 : index
    %get3A_721 = memref.load %arg3[%get3A_720] : memref<100xf32, #tpu.memory_space<smem>>
    %broadcast_in_dim3A_722 = vector.broadcast %get3A_721 : f32 to vector<64x128xf32>
    %select_n3A_723 = arith.select %eq3A_719, %broadcast_in_dim3A_722, %select_n3A_716 : vector<64x128xi1>, vector<64x128xf32>
    %eq3A_724 = arith.constant 45 : i32
    %eq3A_725 = vector.broadcast %eq3A_724 : i32 to vector<64x128xi32>
    %eq3A_726 = arith.cmpi eq, %get3A_4, %eq3A_725 : vector<64x128xi32>
    %get3A_727 = arith.constant 45 : index
    %get3A_728 = memref.load %arg3[%get3A_727] : memref<100xf32, #tpu.memory_space<smem>>
    %broadcast_in_dim3A_729 = vector.broadcast %get3A_728 : f32 to vector<64x128xf32>
    %select_n3A_730 = arith.select %eq3A_726, %broadcast_in_dim3A_729, %select_n3A_723 : vector<64x128xi1>, vector<64x128xf32>
    %eq3A_731 = arith.constant 46 : i32
    %eq3A_732 = vector.broadcast %eq3A_731 : i32 to vector<64x128xi32>
    %eq3A_733 = arith.cmpi eq, %get3A_4, %eq3A_732 : vector<64x128xi32>
    %get3A_734 = arith.constant 46 : index
    %get3A_735 = memref.load %arg3[%get3A_734] : memref<100xf32, #tpu.memory_space<smem>>
    %broadcast_in_dim3A_736 = vector.broadcast %get3A_735 : f32 to vector<64x128xf32>
    %select_n3A_737 = arith.select %eq3A_733, %broadcast_in_dim3A_736, %select_n3A_730 : vector<64x128xi1>, vector<64x128xf32>
    %eq3A_738 = arith.constant 47 : i32
    %eq3A_739 = vector.broadcast %eq3A_738 : i32 to vector<64x128xi32>
    %eq3A_740 = arith.cmpi eq, %get3A_4, %eq3A_739 : vector<64x128xi32>
    %get3A_741 = arith.constant 47 : index
    %get3A_742 = memref.load %arg3[%get3A_741] : memref<100xf32, #tpu.memory_space<smem>>
    %broadcast_in_dim3A_743 = vector.broadcast %get3A_742 : f32 to vector<64x128xf32>
    %select_n3A_744 = arith.select %eq3A_740, %broadcast_in_dim3A_743, %select_n3A_737 : vector<64x128xi1>, vector<64x128xf32>
    %eq3A_745 = arith.constant 48 : i32
    %eq3A_746 = vector.broadcast %eq3A_745 : i32 to vector<64x128xi32>
    %eq3A_747 = arith.cmpi eq, %get3A_4, %eq3A_746 : vector<64x128xi32>
    %get3A_748 = arith.constant 48 : index
    %get3A_749 = memref.load %arg3[%get3A_748] : memref<100xf32, #tpu.memory_space<smem>>
    %broadcast_in_dim3A_750 = vector.broadcast %get3A_749 : f32 to vector<64x128xf32>
    %select_n3A_751 = arith.select %eq3A_747, %broadcast_in_dim3A_750, %select_n3A_744 : vector<64x128xi1>, vector<64x128xf32>
    %eq3A_752 = arith.constant 49 : i32
    %eq3A_753 = vector.broadcast %eq3A_752 : i32 to vector<64x128xi32>
    %eq3A_754 = arith.cmpi eq, %get3A_4, %eq3A_753 : vector<64x128xi32>
    %get3A_755 = arith.constant 49 : index
    %get3A_756 = memref.load %arg3[%get3A_755] : memref<100xf32, #tpu.memory_space<smem>>
    %broadcast_in_dim3A_757 = vector.broadcast %get3A_756 : f32 to vector<64x128xf32>
    %select_n3A_758 = arith.select %eq3A_754, %broadcast_in_dim3A_757, %select_n3A_751 : vector<64x128xi1>, vector<64x128xf32>
    %eq3A_759 = arith.constant 50 : i32
    %eq3A_760 = vector.broadcast %eq3A_759 : i32 to vector<64x128xi32>
    %eq3A_761 = arith.cmpi eq, %get3A_4, %eq3A_760 : vector<64x128xi32>
    %get3A_762 = arith.constant 50 : index
    %get3A_763 = memref.load %arg3[%get3A_762] : memref<100xf32, #tpu.memory_space<smem>>
    %broadcast_in_dim3A_764 = vector.broadcast %get3A_763 : f32 to vector<64x128xf32>
    %select_n3A_765 = arith.select %eq3A_761, %broadcast_in_dim3A_764, %select_n3A_758 : vector<64x128xi1>, vector<64x128xf32>
    %eq3A_766 = arith.constant 51 : i32
    %eq3A_767 = vector.broadcast %eq3A_766 : i32 to vector<64x128xi32>
    %eq3A_768 = arith.cmpi eq, %get3A_4, %eq3A_767 : vector<64x128xi32>
    %get3A_769 = arith.constant 51 : index
    %get3A_770 = memref.load %arg3[%get3A_769] : memref<100xf32, #tpu.memory_space<smem>>
    %broadcast_in_dim3A_771 = vector.broadcast %get3A_770 : f32 to vector<64x128xf32>
    %select_n3A_772 = arith.select %eq3A_768, %broadcast_in_dim3A_771, %select_n3A_765 : vector<64x128xi1>, vector<64x128xf32>
    %eq3A_773 = arith.constant 52 : i32
    %eq3A_774 = vector.broadcast %eq3A_773 : i32 to vector<64x128xi32>
    %eq3A_775 = arith.cmpi eq, %get3A_4, %eq3A_774 : vector<64x128xi32>
    %get3A_776 = arith.constant 52 : index
    %get3A_777 = memref.load %arg3[%get3A_776] : memref<100xf32, #tpu.memory_space<smem>>
    %broadcast_in_dim3A_778 = vector.broadcast %get3A_777 : f32 to vector<64x128xf32>
    %select_n3A_779 = arith.select %eq3A_775, %broadcast_in_dim3A_778, %select_n3A_772 : vector<64x128xi1>, vector<64x128xf32>
    %eq3A_780 = arith.constant 53 : i32
    %eq3A_781 = vector.broadcast %eq3A_780 : i32 to vector<64x128xi32>
    %eq3A_782 = arith.cmpi eq, %get3A_4, %eq3A_781 : vector<64x128xi32>
    %get3A_783 = arith.constant 53 : index
    %get3A_784 = memref.load %arg3[%get3A_783] : memref<100xf32, #tpu.memory_space<smem>>
    %broadcast_in_dim3A_785 = vector.broadcast %get3A_784 : f32 to vector<64x128xf32>
    %select_n3A_786 = arith.select %eq3A_782, %broadcast_in_dim3A_785, %select_n3A_779 : vector<64x128xi1>, vector<64x128xf32>
    %eq3A_787 = arith.constant 54 : i32
    %eq3A_788 = vector.broadcast %eq3A_787 : i32 to vector<64x128xi32>
    %eq3A_789 = arith.cmpi eq, %get3A_4, %eq3A_788 : vector<64x128xi32>
    %get3A_790 = arith.constant 54 : index
    %get3A_791 = memref.load %arg3[%get3A_790] : memref<100xf32, #tpu.memory_space<smem>>
    %broadcast_in_dim3A_792 = vector.broadcast %get3A_791 : f32 to vector<64x128xf32>
    %select_n3A_793 = arith.select %eq3A_789, %broadcast_in_dim3A_792, %select_n3A_786 : vector<64x128xi1>, vector<64x128xf32>
    %eq3A_794 = arith.constant 55 : i32
    %eq3A_795 = vector.broadcast %eq3A_794 : i32 to vector<64x128xi32>
    %eq3A_796 = arith.cmpi eq, %get3A_4, %eq3A_795 : vector<64x128xi32>
    %get3A_797 = arith.constant 55 : index
    %get3A_798 = memref.load %arg3[%get3A_797] : memref<100xf32, #tpu.memory_space<smem>>
    %broadcast_in_dim3A_799 = vector.broadcast %get3A_798 : f32 to vector<64x128xf32>
    %select_n3A_800 = arith.select %eq3A_796, %broadcast_in_dim3A_799, %select_n3A_793 : vector<64x128xi1>, vector<64x128xf32>
    %eq3A_801 = arith.constant 56 : i32
    %eq3A_802 = vector.broadcast %eq3A_801 : i32 to vector<64x128xi32>
    %eq3A_803 = arith.cmpi eq, %get3A_4, %eq3A_802 : vector<64x128xi32>
    %get3A_804 = arith.constant 56 : index
    %get3A_805 = memref.load %arg3[%get3A_804] : memref<100xf32, #tpu.memory_space<smem>>
    %broadcast_in_dim3A_806 = vector.broadcast %get3A_805 : f32 to vector<64x128xf32>
    %select_n3A_807 = arith.select %eq3A_803, %broadcast_in_dim3A_806, %select_n3A_800 : vector<64x128xi1>, vector<64x128xf32>
    %eq3A_808 = arith.constant 57 : i32
    %eq3A_809 = vector.broadcast %eq3A_808 : i32 to vector<64x128xi32>
    %eq3A_810 = arith.cmpi eq, %get3A_4, %eq3A_809 : vector<64x128xi32>
    %get3A_811 = arith.constant 57 : index
    %get3A_812 = memref.load %arg3[%get3A_811] : memref<100xf32, #tpu.memory_space<smem>>
    %broadcast_in_dim3A_813 = vector.broadcast %get3A_812 : f32 to vector<64x128xf32>
    %select_n3A_814 = arith.select %eq3A_810, %broadcast_in_dim3A_813, %select_n3A_807 : vector<64x128xi1>, vector<64x128xf32>
    %eq3A_815 = arith.constant 58 : i32
    %eq3A_816 = vector.broadcast %eq3A_815 : i32 to vector<64x128xi32>
    %eq3A_817 = arith.cmpi eq, %get3A_4, %eq3A_816 : vector<64x128xi32>
    %get3A_818 = arith.constant 58 : index
    %get3A_819 = memref.load %arg3[%get3A_818] : memref<100xf32, #tpu.memory_space<smem>>
    %broadcast_in_dim3A_820 = vector.broadcast %get3A_819 : f32 to vector<64x128xf32>
    %select_n3A_821 = arith.select %eq3A_817, %broadcast_in_dim3A_820, %select_n3A_814 : vector<64x128xi1>, vector<64x128xf32>
    %eq3A_822 = arith.constant 59 : i32
    %eq3A_823 = vector.broadcast %eq3A_822 : i32 to vector<64x128xi32>
    %eq3A_824 = arith.cmpi eq, %get3A_4, %eq3A_823 : vector<64x128xi32>
    %get3A_825 = arith.constant 59 : index
    %get3A_826 = memref.load %arg3[%get3A_825] : memref<100xf32, #tpu.memory_space<smem>>
    %broadcast_in_dim3A_827 = vector.broadcast %get3A_826 : f32 to vector<64x128xf32>
    %select_n3A_828 = arith.select %eq3A_824, %broadcast_in_dim3A_827, %select_n3A_821 : vector<64x128xi1>, vector<64x128xf32>
    %eq3A_829 = arith.constant 60 : i32
    %eq3A_830 = vector.broadcast %eq3A_829 : i32 to vector<64x128xi32>
    %eq3A_831 = arith.cmpi eq, %get3A_4, %eq3A_830 : vector<64x128xi32>
    %get3A_832 = arith.constant 60 : index
    %get3A_833 = memref.load %arg3[%get3A_832] : memref<100xf32, #tpu.memory_space<smem>>
    %broadcast_in_dim3A_834 = vector.broadcast %get3A_833 : f32 to vector<64x128xf32>
    %select_n3A_835 = arith.select %eq3A_831, %broadcast_in_dim3A_834, %select_n3A_828 : vector<64x128xi1>, vector<64x128xf32>
    %eq3A_836 = arith.constant 61 : i32
    %eq3A_837 = vector.broadcast %eq3A_836 : i32 to vector<64x128xi32>
    %eq3A_838 = arith.cmpi eq, %get3A_4, %eq3A_837 : vector<64x128xi32>
    %get3A_839 = arith.constant 61 : index
    %get3A_840 = memref.load %arg3[%get3A_839] : memref<100xf32, #tpu.memory_space<smem>>
    %broadcast_in_dim3A_841 = vector.broadcast %get3A_840 : f32 to vector<64x128xf32>
    %select_n3A_842 = arith.select %eq3A_838, %broadcast_in_dim3A_841, %select_n3A_835 : vector<64x128xi1>, vector<64x128xf32>
    %eq3A_843 = arith.constant 62 : i32
    %eq3A_844 = vector.broadcast %eq3A_843 : i32 to vector<64x128xi32>
    %eq3A_845 = arith.cmpi eq, %get3A_4, %eq3A_844 : vector<64x128xi32>
    %get3A_846 = arith.constant 62 : index
    %get3A_847 = memref.load %arg3[%get3A_846] : memref<100xf32, #tpu.memory_space<smem>>
    %broadcast_in_dim3A_848 = vector.broadcast %get3A_847 : f32 to vector<64x128xf32>
    %select_n3A_849 = arith.select %eq3A_845, %broadcast_in_dim3A_848, %select_n3A_842 : vector<64x128xi1>, vector<64x128xf32>
    %eq3A_850 = arith.constant 63 : i32
    %eq3A_851 = vector.broadcast %eq3A_850 : i32 to vector<64x128xi32>
    %eq3A_852 = arith.cmpi eq, %get3A_4, %eq3A_851 : vector<64x128xi32>
    %get3A_853 = arith.constant 63 : index
    %get3A_854 = memref.load %arg3[%get3A_853] : memref<100xf32, #tpu.memory_space<smem>>
    %broadcast_in_dim3A_855 = vector.broadcast %get3A_854 : f32 to vector<64x128xf32>
    %select_n3A_856 = arith.select %eq3A_852, %broadcast_in_dim3A_855, %select_n3A_849 : vector<64x128xi1>, vector<64x128xf32>
    %eq3A_857 = arith.constant 64 : i32
    %eq3A_858 = vector.broadcast %eq3A_857 : i32 to vector<64x128xi32>
    %eq3A_859 = arith.cmpi eq, %get3A_4, %eq3A_858 : vector<64x128xi32>
    %get3A_860 = arith.constant 64 : index
    %get3A_861 = memref.load %arg3[%get3A_860] : memref<100xf32, #tpu.memory_space<smem>>
    %broadcast_in_dim3A_862 = vector.broadcast %get3A_861 : f32 to vector<64x128xf32>
    %select_n3A_863 = arith.select %eq3A_859, %broadcast_in_dim3A_862, %select_n3A_856 : vector<64x128xi1>, vector<64x128xf32>
    %eq3A_864 = arith.constant 65 : i32
    %eq3A_865 = vector.broadcast %eq3A_864 : i32 to vector<64x128xi32>
    %eq3A_866 = arith.cmpi eq, %get3A_4, %eq3A_865 : vector<64x128xi32>
    %get3A_867 = arith.constant 65 : index
    %get3A_868 = memref.load %arg3[%get3A_867] : memref<100xf32, #tpu.memory_space<smem>>
    %broadcast_in_dim3A_869 = vector.broadcast %get3A_868 : f32 to vector<64x128xf32>
    %select_n3A_870 = arith.select %eq3A_866, %broadcast_in_dim3A_869, %select_n3A_863 : vector<64x128xi1>, vector<64x128xf32>
    %eq3A_871 = arith.constant 66 : i32
    %eq3A_872 = vector.broadcast %eq3A_871 : i32 to vector<64x128xi32>
    %eq3A_873 = arith.cmpi eq, %get3A_4, %eq3A_872 : vector<64x128xi32>
    %get3A_874 = arith.constant 66 : index
    %get3A_875 = memref.load %arg3[%get3A_874] : memref<100xf32, #tpu.memory_space<smem>>
    %broadcast_in_dim3A_876 = vector.broadcast %get3A_875 : f32 to vector<64x128xf32>
    %select_n3A_877 = arith.select %eq3A_873, %broadcast_in_dim3A_876, %select_n3A_870 : vector<64x128xi1>, vector<64x128xf32>
    %eq3A_878 = arith.constant 67 : i32
    %eq3A_879 = vector.broadcast %eq3A_878 : i32 to vector<64x128xi32>
    %eq3A_880 = arith.cmpi eq, %get3A_4, %eq3A_879 : vector<64x128xi32>
    %get3A_881 = arith.constant 67 : index
    %get3A_882 = memref.load %arg3[%get3A_881] : memref<100xf32, #tpu.memory_space<smem>>
    %broadcast_in_dim3A_883 = vector.broadcast %get3A_882 : f32 to vector<64x128xf32>
    %select_n3A_884 = arith.select %eq3A_880, %broadcast_in_dim3A_883, %select_n3A_877 : vector<64x128xi1>, vector<64x128xf32>
    %eq3A_885 = arith.constant 68 : i32
    %eq3A_886 = vector.broadcast %eq3A_885 : i32 to vector<64x128xi32>
    %eq3A_887 = arith.cmpi eq, %get3A_4, %eq3A_886 : vector<64x128xi32>
    %get3A_888 = arith.constant 68 : index
    %get3A_889 = memref.load %arg3[%get3A_888] : memref<100xf32, #tpu.memory_space<smem>>
    %broadcast_in_dim3A_890 = vector.broadcast %get3A_889 : f32 to vector<64x128xf32>
    %select_n3A_891 = arith.select %eq3A_887, %broadcast_in_dim3A_890, %select_n3A_884 : vector<64x128xi1>, vector<64x128xf32>
    %eq3A_892 = arith.constant 69 : i32
    %eq3A_893 = vector.broadcast %eq3A_892 : i32 to vector<64x128xi32>
    %eq3A_894 = arith.cmpi eq, %get3A_4, %eq3A_893 : vector<64x128xi32>
    %get3A_895 = arith.constant 69 : index
    %get3A_896 = memref.load %arg3[%get3A_895] : memref<100xf32, #tpu.memory_space<smem>>
    %broadcast_in_dim3A_897 = vector.broadcast %get3A_896 : f32 to vector<64x128xf32>
    %select_n3A_898 = arith.select %eq3A_894, %broadcast_in_dim3A_897, %select_n3A_891 : vector<64x128xi1>, vector<64x128xf32>
    %eq3A_899 = arith.constant 70 : i32
    %eq3A_900 = vector.broadcast %eq3A_899 : i32 to vector<64x128xi32>
    %eq3A_901 = arith.cmpi eq, %get3A_4, %eq3A_900 : vector<64x128xi32>
    %get3A_902 = arith.constant 70 : index
    %get3A_903 = memref.load %arg3[%get3A_902] : memref<100xf32, #tpu.memory_space<smem>>
    %broadcast_in_dim3A_904 = vector.broadcast %get3A_903 : f32 to vector<64x128xf32>
    %select_n3A_905 = arith.select %eq3A_901, %broadcast_in_dim3A_904, %select_n3A_898 : vector<64x128xi1>, vector<64x128xf32>
    %eq3A_906 = arith.constant 71 : i32
    %eq3A_907 = vector.broadcast %eq3A_906 : i32 to vector<64x128xi32>
    %eq3A_908 = arith.cmpi eq, %get3A_4, %eq3A_907 : vector<64x128xi32>
    %get3A_909 = arith.constant 71 : index
    %get3A_910 = memref.load %arg3[%get3A_909] : memref<100xf32, #tpu.memory_space<smem>>
    %broadcast_in_dim3A_911 = vector.broadcast %get3A_910 : f32 to vector<64x128xf32>
    %select_n3A_912 = arith.select %eq3A_908, %broadcast_in_dim3A_911, %select_n3A_905 : vector<64x128xi1>, vector<64x128xf32>
    %eq3A_913 = arith.constant 72 : i32
    %eq3A_914 = vector.broadcast %eq3A_913 : i32 to vector<64x128xi32>
    %eq3A_915 = arith.cmpi eq, %get3A_4, %eq3A_914 : vector<64x128xi32>
    %get3A_916 = arith.constant 72 : index
    %get3A_917 = memref.load %arg3[%get3A_916] : memref<100xf32, #tpu.memory_space<smem>>
    %broadcast_in_dim3A_918 = vector.broadcast %get3A_917 : f32 to vector<64x128xf32>
    %select_n3A_919 = arith.select %eq3A_915, %broadcast_in_dim3A_918, %select_n3A_912 : vector<64x128xi1>, vector<64x128xf32>
    %eq3A_920 = arith.constant 73 : i32
    %eq3A_921 = vector.broadcast %eq3A_920 : i32 to vector<64x128xi32>
    %eq3A_922 = arith.cmpi eq, %get3A_4, %eq3A_921 : vector<64x128xi32>
    %get3A_923 = arith.constant 73 : index
    %get3A_924 = memref.load %arg3[%get3A_923] : memref<100xf32, #tpu.memory_space<smem>>
    %broadcast_in_dim3A_925 = vector.broadcast %get3A_924 : f32 to vector<64x128xf32>
    %select_n3A_926 = arith.select %eq3A_922, %broadcast_in_dim3A_925, %select_n3A_919 : vector<64x128xi1>, vector<64x128xf32>
    %eq3A_927 = arith.constant 74 : i32
    %eq3A_928 = vector.broadcast %eq3A_927 : i32 to vector<64x128xi32>
    %eq3A_929 = arith.cmpi eq, %get3A_4, %eq3A_928 : vector<64x128xi32>
    %get3A_930 = arith.constant 74 : index
    %get3A_931 = memref.load %arg3[%get3A_930] : memref<100xf32, #tpu.memory_space<smem>>
    %broadcast_in_dim3A_932 = vector.broadcast %get3A_931 : f32 to vector<64x128xf32>
    %select_n3A_933 = arith.select %eq3A_929, %broadcast_in_dim3A_932, %select_n3A_926 : vector<64x128xi1>, vector<64x128xf32>
    %eq3A_934 = arith.constant 75 : i32
    %eq3A_935 = vector.broadcast %eq3A_934 : i32 to vector<64x128xi32>
    %eq3A_936 = arith.cmpi eq, %get3A_4, %eq3A_935 : vector<64x128xi32>
    %get3A_937 = arith.constant 75 : index
    %get3A_938 = memref.load %arg3[%get3A_937] : memref<100xf32, #tpu.memory_space<smem>>
    %broadcast_in_dim3A_939 = vector.broadcast %get3A_938 : f32 to vector<64x128xf32>
    %select_n3A_940 = arith.select %eq3A_936, %broadcast_in_dim3A_939, %select_n3A_933 : vector<64x128xi1>, vector<64x128xf32>
    %eq3A_941 = arith.constant 76 : i32
    %eq3A_942 = vector.broadcast %eq3A_941 : i32 to vector<64x128xi32>
    %eq3A_943 = arith.cmpi eq, %get3A_4, %eq3A_942 : vector<64x128xi32>
    %get3A_944 = arith.constant 76 : index
    %get3A_945 = memref.load %arg3[%get3A_944] : memref<100xf32, #tpu.memory_space<smem>>
    %broadcast_in_dim3A_946 = vector.broadcast %get3A_945 : f32 to vector<64x128xf32>
    %select_n3A_947 = arith.select %eq3A_943, %broadcast_in_dim3A_946, %select_n3A_940 : vector<64x128xi1>, vector<64x128xf32>
    %eq3A_948 = arith.constant 77 : i32
    %eq3A_949 = vector.broadcast %eq3A_948 : i32 to vector<64x128xi32>
    %eq3A_950 = arith.cmpi eq, %get3A_4, %eq3A_949 : vector<64x128xi32>
    %get3A_951 = arith.constant 77 : index
    %get3A_952 = memref.load %arg3[%get3A_951] : memref<100xf32, #tpu.memory_space<smem>>
    %broadcast_in_dim3A_953 = vector.broadcast %get3A_952 : f32 to vector<64x128xf32>
    %select_n3A_954 = arith.select %eq3A_950, %broadcast_in_dim3A_953, %select_n3A_947 : vector<64x128xi1>, vector<64x128xf32>
    %eq3A_955 = arith.constant 78 : i32
    %eq3A_956 = vector.broadcast %eq3A_955 : i32 to vector<64x128xi32>
    %eq3A_957 = arith.cmpi eq, %get3A_4, %eq3A_956 : vector<64x128xi32>
    %get3A_958 = arith.constant 78 : index
    %get3A_959 = memref.load %arg3[%get3A_958] : memref<100xf32, #tpu.memory_space<smem>>
    %broadcast_in_dim3A_960 = vector.broadcast %get3A_959 : f32 to vector<64x128xf32>
    %select_n3A_961 = arith.select %eq3A_957, %broadcast_in_dim3A_960, %select_n3A_954 : vector<64x128xi1>, vector<64x128xf32>
    %eq3A_962 = arith.constant 79 : i32
    %eq3A_963 = vector.broadcast %eq3A_962 : i32 to vector<64x128xi32>
    %eq3A_964 = arith.cmpi eq, %get3A_4, %eq3A_963 : vector<64x128xi32>
    %get3A_965 = arith.constant 79 : index
    %get3A_966 = memref.load %arg3[%get3A_965] : memref<100xf32, #tpu.memory_space<smem>>
    %broadcast_in_dim3A_967 = vector.broadcast %get3A_966 : f32 to vector<64x128xf32>
    %select_n3A_968 = arith.select %eq3A_964, %broadcast_in_dim3A_967, %select_n3A_961 : vector<64x128xi1>, vector<64x128xf32>
    %eq3A_969 = arith.constant 80 : i32
    %eq3A_970 = vector.broadcast %eq3A_969 : i32 to vector<64x128xi32>
    %eq3A_971 = arith.cmpi eq, %get3A_4, %eq3A_970 : vector<64x128xi32>
    %get3A_972 = arith.constant 80 : index
    %get3A_973 = memref.load %arg3[%get3A_972] : memref<100xf32, #tpu.memory_space<smem>>
    %broadcast_in_dim3A_974 = vector.broadcast %get3A_973 : f32 to vector<64x128xf32>
    %select_n3A_975 = arith.select %eq3A_971, %broadcast_in_dim3A_974, %select_n3A_968 : vector<64x128xi1>, vector<64x128xf32>
    %eq3A_976 = arith.constant 81 : i32
    %eq3A_977 = vector.broadcast %eq3A_976 : i32 to vector<64x128xi32>
    %eq3A_978 = arith.cmpi eq, %get3A_4, %eq3A_977 : vector<64x128xi32>
    %get3A_979 = arith.constant 81 : index
    %get3A_980 = memref.load %arg3[%get3A_979] : memref<100xf32, #tpu.memory_space<smem>>
    %broadcast_in_dim3A_981 = vector.broadcast %get3A_980 : f32 to vector<64x128xf32>
    %select_n3A_982 = arith.select %eq3A_978, %broadcast_in_dim3A_981, %select_n3A_975 : vector<64x128xi1>, vector<64x128xf32>
    %eq3A_983 = arith.constant 82 : i32
    %eq3A_984 = vector.broadcast %eq3A_983 : i32 to vector<64x128xi32>
    %eq3A_985 = arith.cmpi eq, %get3A_4, %eq3A_984 : vector<64x128xi32>
    %get3A_986 = arith.constant 82 : index
    %get3A_987 = memref.load %arg3[%get3A_986] : memref<100xf32, #tpu.memory_space<smem>>
    %broadcast_in_dim3A_988 = vector.broadcast %get3A_987 : f32 to vector<64x128xf32>
    %select_n3A_989 = arith.select %eq3A_985, %broadcast_in_dim3A_988, %select_n3A_982 : vector<64x128xi1>, vector<64x128xf32>
    %eq3A_990 = arith.constant 83 : i32
    %eq3A_991 = vector.broadcast %eq3A_990 : i32 to vector<64x128xi32>
    %eq3A_992 = arith.cmpi eq, %get3A_4, %eq3A_991 : vector<64x128xi32>
    %get3A_993 = arith.constant 83 : index
    %get3A_994 = memref.load %arg3[%get3A_993] : memref<100xf32, #tpu.memory_space<smem>>
    %broadcast_in_dim3A_995 = vector.broadcast %get3A_994 : f32 to vector<64x128xf32>
    %select_n3A_996 = arith.select %eq3A_992, %broadcast_in_dim3A_995, %select_n3A_989 : vector<64x128xi1>, vector<64x128xf32>
    %eq3A_997 = arith.constant 84 : i32
    %eq3A_998 = vector.broadcast %eq3A_997 : i32 to vector<64x128xi32>
    %eq3A_999 = arith.cmpi eq, %get3A_4, %eq3A_998 : vector<64x128xi32>
    %get3A_1000 = arith.constant 84 : index
    %get3A_1001 = memref.load %arg3[%get3A_1000] : memref<100xf32, #tpu.memory_space<smem>>
    %broadcast_in_dim3A_1002 = vector.broadcast %get3A_1001 : f32 to vector<64x128xf32>
    %select_n3A_1003 = arith.select %eq3A_999, %broadcast_in_dim3A_1002, %select_n3A_996 : vector<64x128xi1>, vector<64x128xf32>
    %eq3A_1004 = arith.constant 85 : i32
    %eq3A_1005 = vector.broadcast %eq3A_1004 : i32 to vector<64x128xi32>
    %eq3A_1006 = arith.cmpi eq, %get3A_4, %eq3A_1005 : vector<64x128xi32>
    %get3A_1007 = arith.constant 85 : index
    %get3A_1008 = memref.load %arg3[%get3A_1007] : memref<100xf32, #tpu.memory_space<smem>>
    %broadcast_in_dim3A_1009 = vector.broadcast %get3A_1008 : f32 to vector<64x128xf32>
    %select_n3A_1010 = arith.select %eq3A_1006, %broadcast_in_dim3A_1009, %select_n3A_1003 : vector<64x128xi1>, vector<64x128xf32>
    %eq3A_1011 = arith.constant 86 : i32
    %eq3A_1012 = vector.broadcast %eq3A_1011 : i32 to vector<64x128xi32>
    %eq3A_1013 = arith.cmpi eq, %get3A_4, %eq3A_1012 : vector<64x128xi32>
    %get3A_1014 = arith.constant 86 : index
    %get3A_1015 = memref.load %arg3[%get3A_1014] : memref<100xf32, #tpu.memory_space<smem>>
    %broadcast_in_dim3A_1016 = vector.broadcast %get3A_1015 : f32 to vector<64x128xf32>
    %select_n3A_1017 = arith.select %eq3A_1013, %broadcast_in_dim3A_1016, %select_n3A_1010 : vector<64x128xi1>, vector<64x128xf32>
    %eq3A_1018 = arith.constant 87 : i32
    %eq3A_1019 = vector.broadcast %eq3A_1018 : i32 to vector<64x128xi32>
    %eq3A_1020 = arith.cmpi eq, %get3A_4, %eq3A_1019 : vector<64x128xi32>
    %get3A_1021 = arith.constant 87 : index
    %get3A_1022 = memref.load %arg3[%get3A_1021] : memref<100xf32, #tpu.memory_space<smem>>
    %broadcast_in_dim3A_1023 = vector.broadcast %get3A_1022 : f32 to vector<64x128xf32>
    %select_n3A_1024 = arith.select %eq3A_1020, %broadcast_in_dim3A_1023, %select_n3A_1017 : vector<64x128xi1>, vector<64x128xf32>
    %eq3A_1025 = arith.constant 88 : i32
    %eq3A_1026 = vector.broadcast %eq3A_1025 : i32 to vector<64x128xi32>
    %eq3A_1027 = arith.cmpi eq, %get3A_4, %eq3A_1026 : vector<64x128xi32>
    %get3A_1028 = arith.constant 88 : index
    %get3A_1029 = memref.load %arg3[%get3A_1028] : memref<100xf32, #tpu.memory_space<smem>>
    %broadcast_in_dim3A_1030 = vector.broadcast %get3A_1029 : f32 to vector<64x128xf32>
    %select_n3A_1031 = arith.select %eq3A_1027, %broadcast_in_dim3A_1030, %select_n3A_1024 : vector<64x128xi1>, vector<64x128xf32>
    %eq3A_1032 = arith.constant 89 : i32
    %eq3A_1033 = vector.broadcast %eq3A_1032 : i32 to vector<64x128xi32>
    %eq3A_1034 = arith.cmpi eq, %get3A_4, %eq3A_1033 : vector<64x128xi32>
    %get3A_1035 = arith.constant 89 : index
    %get3A_1036 = memref.load %arg3[%get3A_1035] : memref<100xf32, #tpu.memory_space<smem>>
    %broadcast_in_dim3A_1037 = vector.broadcast %get3A_1036 : f32 to vector<64x128xf32>
    %select_n3A_1038 = arith.select %eq3A_1034, %broadcast_in_dim3A_1037, %select_n3A_1031 : vector<64x128xi1>, vector<64x128xf32>
    %eq3A_1039 = arith.constant 90 : i32
    %eq3A_1040 = vector.broadcast %eq3A_1039 : i32 to vector<64x128xi32>
    %eq3A_1041 = arith.cmpi eq, %get3A_4, %eq3A_1040 : vector<64x128xi32>
    %get3A_1042 = arith.constant 90 : index
    %get3A_1043 = memref.load %arg3[%get3A_1042] : memref<100xf32, #tpu.memory_space<smem>>
    %broadcast_in_dim3A_1044 = vector.broadcast %get3A_1043 : f32 to vector<64x128xf32>
    %select_n3A_1045 = arith.select %eq3A_1041, %broadcast_in_dim3A_1044, %select_n3A_1038 : vector<64x128xi1>, vector<64x128xf32>
    %eq3A_1046 = arith.constant 91 : i32
    %eq3A_1047 = vector.broadcast %eq3A_1046 : i32 to vector<64x128xi32>
    %eq3A_1048 = arith.cmpi eq, %get3A_4, %eq3A_1047 : vector<64x128xi32>
    %get3A_1049 = arith.constant 91 : index
    %get3A_1050 = memref.load %arg3[%get3A_1049] : memref<100xf32, #tpu.memory_space<smem>>
    %broadcast_in_dim3A_1051 = vector.broadcast %get3A_1050 : f32 to vector<64x128xf32>
    %select_n3A_1052 = arith.select %eq3A_1048, %broadcast_in_dim3A_1051, %select_n3A_1045 : vector<64x128xi1>, vector<64x128xf32>
    %eq3A_1053 = arith.constant 92 : i32
    %eq3A_1054 = vector.broadcast %eq3A_1053 : i32 to vector<64x128xi32>
    %eq3A_1055 = arith.cmpi eq, %get3A_4, %eq3A_1054 : vector<64x128xi32>
    %get3A_1056 = arith.constant 92 : index
    %get3A_1057 = memref.load %arg3[%get3A_1056] : memref<100xf32, #tpu.memory_space<smem>>
    %broadcast_in_dim3A_1058 = vector.broadcast %get3A_1057 : f32 to vector<64x128xf32>
    %select_n3A_1059 = arith.select %eq3A_1055, %broadcast_in_dim3A_1058, %select_n3A_1052 : vector<64x128xi1>, vector<64x128xf32>
    %eq3A_1060 = arith.constant 93 : i32
    %eq3A_1061 = vector.broadcast %eq3A_1060 : i32 to vector<64x128xi32>
    %eq3A_1062 = arith.cmpi eq, %get3A_4, %eq3A_1061 : vector<64x128xi32>
    %get3A_1063 = arith.constant 93 : index
    %get3A_1064 = memref.load %arg3[%get3A_1063] : memref<100xf32, #tpu.memory_space<smem>>
    %broadcast_in_dim3A_1065 = vector.broadcast %get3A_1064 : f32 to vector<64x128xf32>
    %select_n3A_1066 = arith.select %eq3A_1062, %broadcast_in_dim3A_1065, %select_n3A_1059 : vector<64x128xi1>, vector<64x128xf32>
    %eq3A_1067 = arith.constant 94 : i32
    %eq3A_1068 = vector.broadcast %eq3A_1067 : i32 to vector<64x128xi32>
    %eq3A_1069 = arith.cmpi eq, %get3A_4, %eq3A_1068 : vector<64x128xi32>
    %get3A_1070 = arith.constant 94 : index
    %get3A_1071 = memref.load %arg3[%get3A_1070] : memref<100xf32, #tpu.memory_space<smem>>
    %broadcast_in_dim3A_1072 = vector.broadcast %get3A_1071 : f32 to vector<64x128xf32>
    %select_n3A_1073 = arith.select %eq3A_1069, %broadcast_in_dim3A_1072, %select_n3A_1066 : vector<64x128xi1>, vector<64x128xf32>
    %eq3A_1074 = arith.constant 95 : i32
    %eq3A_1075 = vector.broadcast %eq3A_1074 : i32 to vector<64x128xi32>
    %eq3A_1076 = arith.cmpi eq, %get3A_4, %eq3A_1075 : vector<64x128xi32>
    %get3A_1077 = arith.constant 95 : index
    %get3A_1078 = memref.load %arg3[%get3A_1077] : memref<100xf32, #tpu.memory_space<smem>>
    %broadcast_in_dim3A_1079 = vector.broadcast %get3A_1078 : f32 to vector<64x128xf32>
    %select_n3A_1080 = arith.select %eq3A_1076, %broadcast_in_dim3A_1079, %select_n3A_1073 : vector<64x128xi1>, vector<64x128xf32>
    %eq3A_1081 = arith.constant 96 : i32
    %eq3A_1082 = vector.broadcast %eq3A_1081 : i32 to vector<64x128xi32>
    %eq3A_1083 = arith.cmpi eq, %get3A_4, %eq3A_1082 : vector<64x128xi32>
    %get3A_1084 = arith.constant 96 : index
    %get3A_1085 = memref.load %arg3[%get3A_1084] : memref<100xf32, #tpu.memory_space<smem>>
    %broadcast_in_dim3A_1086 = vector.broadcast %get3A_1085 : f32 to vector<64x128xf32>
    %select_n3A_1087 = arith.select %eq3A_1083, %broadcast_in_dim3A_1086, %select_n3A_1080 : vector<64x128xi1>, vector<64x128xf32>
    %eq3A_1088 = arith.constant 97 : i32
    %eq3A_1089 = vector.broadcast %eq3A_1088 : i32 to vector<64x128xi32>
    %eq3A_1090 = arith.cmpi eq, %get3A_4, %eq3A_1089 : vector<64x128xi32>
    %get3A_1091 = arith.constant 97 : index
    %get3A_1092 = memref.load %arg3[%get3A_1091] : memref<100xf32, #tpu.memory_space<smem>>
    %broadcast_in_dim3A_1093 = vector.broadcast %get3A_1092 : f32 to vector<64x128xf32>
    %select_n3A_1094 = arith.select %eq3A_1090, %broadcast_in_dim3A_1093, %select_n3A_1087 : vector<64x128xi1>, vector<64x128xf32>
    %eq3A_1095 = arith.constant 98 : i32
    %eq3A_1096 = vector.broadcast %eq3A_1095 : i32 to vector<64x128xi32>
    %eq3A_1097 = arith.cmpi eq, %get3A_4, %eq3A_1096 : vector<64x128xi32>
    %get3A_1098 = arith.constant 98 : index
    %get3A_1099 = memref.load %arg3[%get3A_1098] : memref<100xf32, #tpu.memory_space<smem>>
    %broadcast_in_dim3A_1100 = vector.broadcast %get3A_1099 : f32 to vector<64x128xf32>
    %select_n3A_1101 = arith.select %eq3A_1097, %broadcast_in_dim3A_1100, %select_n3A_1094 : vector<64x128xi1>, vector<64x128xf32>
    %eq3A_1102 = arith.constant 99 : i32
    %eq3A_1103 = vector.broadcast %eq3A_1102 : i32 to vector<64x128xi32>
    %eq3A_1104 = arith.cmpi eq, %get3A_4, %eq3A_1103 : vector<64x128xi32>
    %get3A_1105 = arith.constant 99 : index
    %get3A_1106 = memref.load %arg3[%get3A_1105] : memref<100xf32, #tpu.memory_space<smem>>
    %broadcast_in_dim3A_1107 = vector.broadcast %get3A_1106 : f32 to vector<64x128xf32>
    %select_n3A_1108 = arith.select %eq3A_1104, %broadcast_in_dim3A_1107, %select_n3A_1101 : vector<64x128xi1>, vector<64x128xf32>
    %swap3A_1109 = arith.constant 0 : index
    %swap3A_1110 = arith.constant 0 : index
    %swap3A_1111 = vector.load %arg5[%swap3A_1109, %swap3A_1110] : memref<64x128xf32, #tpu.memory_space<vmem>>, vector<64x128xf32>
    tpu.vector_store %arg5[%swap3A_1109, %swap3A_1110], %select_n3A_1108 {strides = array<i32>} : memref<64x128xf32, #tpu.memory_space<vmem>>, vector<64x128xf32>,
    return
  }
  func.func @transform_0(%arg0: i32) -> (i32, i32) {
    %c0_i32 = arith.constant 0 : i32
    %c0_i32_0 = arith.constant 0 : i32
    return %arg0, %c0_i32 : i32, i32
  }
  func.func @transform_1(%arg0: i32) -> (i32, i32) {
    %c0_i32 = arith.constant 0 : i32
    %c0_i32_0 = arith.constant 0 : i32
    return %arg0, %c0_i32 : i32, i32
  }
  func.func @transform_2(%arg0: i32) -> i32 {
    %c0_i32 = arith.constant 0 : i32
    %c0_i32_0 = arith.constant 0 : i32
    return %c0_i32 : i32
  }
  func.func @transform_3(%arg0: i32) -> (i32, i32) {
    %c0_i32 = arith.constant 0 : i32
    %c0_i32_0 = arith.constant 0 : i32
    return %arg0, %c0_i32 : i32, i32
  }
  func.func @transform_4(%arg0: i32) -> (i32, i32) {
    %c0_i32 = arith.constant 0 : i32
    %c0_i32_0 = arith.constant 0 : i32
    return %arg0, %c0_i32 : i32, i32
  }
}

module attributes {stable_mosaic.version = 14 : i64} {
  func.func @_pass_c_body(%arg0: i32, %arg1: memref<512x128xf32, #tpu.memory_space<vmem>>, %arg2: memref<512x128xf32, #tpu.memory_space<vmem>>, %arg3: memref<16xi32, #tpu.memory_space<smem>>, %arg4: memref<16xf32, #tpu.memory_space<smem>>, %arg5: memref<16xf32, #tpu.memory_space<smem>>, %arg6: memref<16xf32, #tpu.memory_space<smem>>, %arg7: memref<4xf32, #tpu.memory_space<smem>>, %arg8: memref<4xf32, #tpu.memory_space<smem>>) attributes {dimension_semantics = [#tpu.dimension_semantics<arbitrary>], iteration_bounds = array<i64: 8>, scalar_prefetch = 0 : i64, scratch_operands = 1 : i64, tpu.core_type = #tpu.core_type<tc>, window_params = [{transform_indices = @transform_0, window_bounds = array<i64: 512, 128>}, {transform_indices = @transform_1, window_bounds = array<i64: 512, 128>}, {transform_indices = @transform_2, window_bounds = array<i64: 16>}, {transform_indices = @transform_3, window_bounds = array<i64: 16>}, {transform_indices = @transform_4, window_bounds = array<i64: 16>}, {transform_indices = @transform_5, window_bounds = array<i64: 16>}, {transform_indices = @transform_6, window_bounds = array<i64: 4>}]} {
    %eq3A = arith.constant 0 : i32
    %eq3A_0 = arith.cmpi eq, %arg0, %eq3A : i32
    %convert_element_type3A = arith.extui %eq3A_0 : i1 to i32
    %cond3A = arith.constant 0 : i32
    %cond3A_1 = arith.cmpi ne, %convert_element_type3A, %cond3A : i32
    scf.if %cond3A_1 {
      %swap3A_542 = arith.constant 0.000000e+00 : f32
      %swap3A_543 = arith.constant 0 : index
      %swap3A_544 = memref.load %arg8[%swap3A_543] : memref<4xf32, #tpu.memory_space<smem>>
      memref.store %swap3A_542, %arg8[%swap3A_543] : memref<4xf32, #tpu.memory_space<smem>>
      %swap3A_545 = arith.constant 0.000000e+00 : f32
      %swap3A_546 = arith.constant 1 : index
      %swap3A_547 = memref.load %arg8[%swap3A_546] : memref<4xf32, #tpu.memory_space<smem>>
      memref.store %swap3A_545, %arg8[%swap3A_546] : memref<4xf32, #tpu.memory_space<smem>>
      %swap3A_548 = arith.constant 0.000000e+00 : f32
      %swap3A_549 = arith.constant 2 : index
      %swap3A_550 = memref.load %arg8[%swap3A_549] : memref<4xf32, #tpu.memory_space<smem>>
      memref.store %swap3A_548, %arg8[%swap3A_549] : memref<4xf32, #tpu.memory_space<smem>>
      %swap3A_551 = arith.constant 0.000000e+00 : f32
      %swap3A_552 = arith.constant 3 : index
      %swap3A_553 = memref.load %arg8[%swap3A_552] : memref<4xf32, #tpu.memory_space<smem>>
      memref.store %swap3A_551, %arg8[%swap3A_552] : memref<4xf32, #tpu.memory_space<smem>>
    } else {
    }
    %get3A = arith.constant 0 : index
    %get3A_2 = arith.constant 0 : index
    %get3A_3 = vector.load %arg1[%get3A, %get3A_2] : memref<512x128xf32, #tpu.memory_space<vmem>>, vector<512x128xf32>
    %exp3A = math.exp %get3A_3 : vector<512x128xf32>
    %mul3A = arith.constant 1.500000e+01 : f32
    %mul3A_4 = vector.broadcast %mul3A : f32 to vector<512x128xf32>
    %mul3A_5 = arith.mulf %exp3A, %mul3A_4 : vector<512x128xf32>
    %convert_element_type3A_6 = arith.fptosi %mul3A_5 : vector<512x128xf32> to vector<512x128xi32>
    %jit3A = arith.constant 0 : i32
    %jit3A_7 = arith.constant 14 : i32
    %max3A = vector.broadcast %jit3A : i32 to vector<512x128xi32>
    %max3A_8 = arith.maxsi %max3A, %convert_element_type3A_6 : vector<512x128xi32>
    %min3A = vector.broadcast %jit3A_7 : i32 to vector<512x128xi32>
    %min3A_9 = arith.minsi %min3A, %max3A_8 : vector<512x128xi32>
    %broadcast_in_dim3A = arith.constant 0.000000e+00 : f32
    %broadcast_in_dim3A_10 = vector.broadcast %broadcast_in_dim3A : f32 to vector<512x128xf32>
    %eq3A_11 = arith.constant 0 : i32
    %eq3A_12 = vector.broadcast %eq3A_11 : i32 to vector<512x128xi32>
    %eq3A_13 = arith.cmpi eq, %min3A_9, %eq3A_12 : vector<512x128xi32>
    %get3A_14 = arith.constant 0 : index
    %get3A_15 = memref.load %arg6[%get3A_14] : memref<16xf32, #tpu.memory_space<smem>>
    %broadcast_in_dim3A_16 = vector.broadcast %get3A_15 : f32 to vector<512x128xf32>
    %select_n3A = arith.select %eq3A_13, %broadcast_in_dim3A_16, %broadcast_in_dim3A_10 : vector<512x128xi1>, vector<512x128xf32>
    %eq3A_17 = arith.constant 1 : i32
    %eq3A_18 = vector.broadcast %eq3A_17 : i32 to vector<512x128xi32>
    %eq3A_19 = arith.cmpi eq, %min3A_9, %eq3A_18 : vector<512x128xi32>
    %get3A_20 = arith.constant 1 : index
    %get3A_21 = memref.load %arg6[%get3A_20] : memref<16xf32, #tpu.memory_space<smem>>
    %broadcast_in_dim3A_22 = vector.broadcast %get3A_21 : f32 to vector<512x128xf32>
    %select_n3A_23 = arith.select %eq3A_19, %broadcast_in_dim3A_22, %select_n3A : vector<512x128xi1>, vector<512x128xf32>
    %eq3A_24 = arith.constant 2 : i32
    %eq3A_25 = vector.broadcast %eq3A_24 : i32 to vector<512x128xi32>
    %eq3A_26 = arith.cmpi eq, %min3A_9, %eq3A_25 : vector<512x128xi32>
    %get3A_27 = arith.constant 2 : index
    %get3A_28 = memref.load %arg6[%get3A_27] : memref<16xf32, #tpu.memory_space<smem>>
    %broadcast_in_dim3A_29 = vector.broadcast %get3A_28 : f32 to vector<512x128xf32>
    %select_n3A_30 = arith.select %eq3A_26, %broadcast_in_dim3A_29, %select_n3A_23 : vector<512x128xi1>, vector<512x128xf32>
    %eq3A_31 = arith.constant 3 : i32
    %eq3A_32 = vector.broadcast %eq3A_31 : i32 to vector<512x128xi32>
    %eq3A_33 = arith.cmpi eq, %min3A_9, %eq3A_32 : vector<512x128xi32>
    %get3A_34 = arith.constant 3 : index
    %get3A_35 = memref.load %arg6[%get3A_34] : memref<16xf32, #tpu.memory_space<smem>>
    %broadcast_in_dim3A_36 = vector.broadcast %get3A_35 : f32 to vector<512x128xf32>
    %select_n3A_37 = arith.select %eq3A_33, %broadcast_in_dim3A_36, %select_n3A_30 : vector<512x128xi1>, vector<512x128xf32>
    %eq3A_38 = arith.constant 4 : i32
    %eq3A_39 = vector.broadcast %eq3A_38 : i32 to vector<512x128xi32>
    %eq3A_40 = arith.cmpi eq, %min3A_9, %eq3A_39 : vector<512x128xi32>
    %get3A_41 = arith.constant 4 : index
    %get3A_42 = memref.load %arg6[%get3A_41] : memref<16xf32, #tpu.memory_space<smem>>
    %broadcast_in_dim3A_43 = vector.broadcast %get3A_42 : f32 to vector<512x128xf32>
    %select_n3A_44 = arith.select %eq3A_40, %broadcast_in_dim3A_43, %select_n3A_37 : vector<512x128xi1>, vector<512x128xf32>
    %eq3A_45 = arith.constant 5 : i32
    %eq3A_46 = vector.broadcast %eq3A_45 : i32 to vector<512x128xi32>
    %eq3A_47 = arith.cmpi eq, %min3A_9, %eq3A_46 : vector<512x128xi32>
    %get3A_48 = arith.constant 5 : index
    %get3A_49 = memref.load %arg6[%get3A_48] : memref<16xf32, #tpu.memory_space<smem>>
    %broadcast_in_dim3A_50 = vector.broadcast %get3A_49 : f32 to vector<512x128xf32>
    %select_n3A_51 = arith.select %eq3A_47, %broadcast_in_dim3A_50, %select_n3A_44 : vector<512x128xi1>, vector<512x128xf32>
    %eq3A_52 = arith.constant 6 : i32
    %eq3A_53 = vector.broadcast %eq3A_52 : i32 to vector<512x128xi32>
    %eq3A_54 = arith.cmpi eq, %min3A_9, %eq3A_53 : vector<512x128xi32>
    %get3A_55 = arith.constant 6 : index
    %get3A_56 = memref.load %arg6[%get3A_55] : memref<16xf32, #tpu.memory_space<smem>>
    %broadcast_in_dim3A_57 = vector.broadcast %get3A_56 : f32 to vector<512x128xf32>
    %select_n3A_58 = arith.select %eq3A_54, %broadcast_in_dim3A_57, %select_n3A_51 : vector<512x128xi1>, vector<512x128xf32>
    %eq3A_59 = arith.constant 7 : i32
    %eq3A_60 = vector.broadcast %eq3A_59 : i32 to vector<512x128xi32>
    %eq3A_61 = arith.cmpi eq, %min3A_9, %eq3A_60 : vector<512x128xi32>
    %get3A_62 = arith.constant 7 : index
    %get3A_63 = memref.load %arg6[%get3A_62] : memref<16xf32, #tpu.memory_space<smem>>
    %broadcast_in_dim3A_64 = vector.broadcast %get3A_63 : f32 to vector<512x128xf32>
    %select_n3A_65 = arith.select %eq3A_61, %broadcast_in_dim3A_64, %select_n3A_58 : vector<512x128xi1>, vector<512x128xf32>
    %eq3A_66 = arith.constant 8 : i32
    %eq3A_67 = vector.broadcast %eq3A_66 : i32 to vector<512x128xi32>
    %eq3A_68 = arith.cmpi eq, %min3A_9, %eq3A_67 : vector<512x128xi32>
    %get3A_69 = arith.constant 8 : index
    %get3A_70 = memref.load %arg6[%get3A_69] : memref<16xf32, #tpu.memory_space<smem>>
    %broadcast_in_dim3A_71 = vector.broadcast %get3A_70 : f32 to vector<512x128xf32>
    %select_n3A_72 = arith.select %eq3A_68, %broadcast_in_dim3A_71, %select_n3A_65 : vector<512x128xi1>, vector<512x128xf32>
    %eq3A_73 = arith.constant 9 : i32
    %eq3A_74 = vector.broadcast %eq3A_73 : i32 to vector<512x128xi32>
    %eq3A_75 = arith.cmpi eq, %min3A_9, %eq3A_74 : vector<512x128xi32>
    %get3A_76 = arith.constant 9 : index
    %get3A_77 = memref.load %arg6[%get3A_76] : memref<16xf32, #tpu.memory_space<smem>>
    %broadcast_in_dim3A_78 = vector.broadcast %get3A_77 : f32 to vector<512x128xf32>
    %select_n3A_79 = arith.select %eq3A_75, %broadcast_in_dim3A_78, %select_n3A_72 : vector<512x128xi1>, vector<512x128xf32>
    %eq3A_80 = arith.constant 10 : i32
    %eq3A_81 = vector.broadcast %eq3A_80 : i32 to vector<512x128xi32>
    %eq3A_82 = arith.cmpi eq, %min3A_9, %eq3A_81 : vector<512x128xi32>
    %get3A_83 = arith.constant 10 : index
    %get3A_84 = memref.load %arg6[%get3A_83] : memref<16xf32, #tpu.memory_space<smem>>
    %broadcast_in_dim3A_85 = vector.broadcast %get3A_84 : f32 to vector<512x128xf32>
    %select_n3A_86 = arith.select %eq3A_82, %broadcast_in_dim3A_85, %select_n3A_79 : vector<512x128xi1>, vector<512x128xf32>
    %eq3A_87 = arith.constant 11 : i32
    %eq3A_88 = vector.broadcast %eq3A_87 : i32 to vector<512x128xi32>
    %eq3A_89 = arith.cmpi eq, %min3A_9, %eq3A_88 : vector<512x128xi32>
    %get3A_90 = arith.constant 11 : index
    %get3A_91 = memref.load %arg6[%get3A_90] : memref<16xf32, #tpu.memory_space<smem>>
    %broadcast_in_dim3A_92 = vector.broadcast %get3A_91 : f32 to vector<512x128xf32>
    %select_n3A_93 = arith.select %eq3A_89, %broadcast_in_dim3A_92, %select_n3A_86 : vector<512x128xi1>, vector<512x128xf32>
    %eq3A_94 = arith.constant 12 : i32
    %eq3A_95 = vector.broadcast %eq3A_94 : i32 to vector<512x128xi32>
    %eq3A_96 = arith.cmpi eq, %min3A_9, %eq3A_95 : vector<512x128xi32>
    %get3A_97 = arith.constant 12 : index
    %get3A_98 = memref.load %arg6[%get3A_97] : memref<16xf32, #tpu.memory_space<smem>>
    %broadcast_in_dim3A_99 = vector.broadcast %get3A_98 : f32 to vector<512x128xf32>
    %select_n3A_100 = arith.select %eq3A_96, %broadcast_in_dim3A_99, %select_n3A_93 : vector<512x128xi1>, vector<512x128xf32>
    %eq3A_101 = arith.constant 13 : i32
    %eq3A_102 = vector.broadcast %eq3A_101 : i32 to vector<512x128xi32>
    %eq3A_103 = arith.cmpi eq, %min3A_9, %eq3A_102 : vector<512x128xi32>
    %get3A_104 = arith.constant 13 : index
    %get3A_105 = memref.load %arg6[%get3A_104] : memref<16xf32, #tpu.memory_space<smem>>
    %broadcast_in_dim3A_106 = vector.broadcast %get3A_105 : f32 to vector<512x128xf32>
    %select_n3A_107 = arith.select %eq3A_103, %broadcast_in_dim3A_106, %select_n3A_100 : vector<512x128xi1>, vector<512x128xf32>
    %eq3A_108 = arith.constant 14 : i32
    %eq3A_109 = vector.broadcast %eq3A_108 : i32 to vector<512x128xi32>
    %eq3A_110 = arith.cmpi eq, %min3A_9, %eq3A_109 : vector<512x128xi32>
    %get3A_111 = arith.constant 14 : index
    %get3A_112 = memref.load %arg6[%get3A_111] : memref<16xf32, #tpu.memory_space<smem>>
    %broadcast_in_dim3A_113 = vector.broadcast %get3A_112 : f32 to vector<512x128xf32>
    %select_n3A_114 = arith.select %eq3A_110, %broadcast_in_dim3A_113, %select_n3A_107 : vector<512x128xi1>, vector<512x128xf32>
    %mul3A_115 = arith.constant 1.280000e+02 : f32
    %mul3A_116 = vector.broadcast %mul3A_115 : f32 to vector<512x128xf32>
    %mul3A_117 = arith.mulf %get3A_3, %mul3A_116 : vector<512x128xf32>
    %convert_element_type3A_118 = arith.fptosi %mul3A_117 : vector<512x128xf32> to vector<512x128xi32>
    %add3A = arith.constant 4095 : i32
    %add3A_119 = vector.broadcast %add3A : i32 to vector<512x128xi32>
    %add3A_120 = arith.addi %convert_element_type3A_118, %add3A_119 : vector<512x128xi32>
    %jit3A_121 = arith.constant 0 : i32
    %jit3A_122 = arith.constant 4095 : i32
    %max3A_123 = vector.broadcast %jit3A_121 : i32 to vector<512x128xi32>
    %max3A_124 = arith.maxsi %max3A_123, %add3A_120 : vector<512x128xi32>
    %min3A_125 = vector.broadcast %jit3A_122 : i32 to vector<512x128xi32>
    %min3A_126 = arith.minsi %min3A_125, %max3A_124 : vector<512x128xi32>
    %broadcast_in_dim3A_127 = arith.constant 0.000000e+00 : f32
    %broadcast_in_dim3A_128 = vector.broadcast %broadcast_in_dim3A_127 : f32 to vector<512x128xf32>
    %get3A_129 = arith.constant 0 : index
    %get3A_130 = memref.load %arg3[%get3A_129] : memref<16xi32, #tpu.memory_space<smem>>
    %get3A_131 = arith.constant 0 : index
    %get3A_132 = memref.load %arg5[%get3A_131] : memref<16xf32, #tpu.memory_space<smem>>
    %gt3A = vector.broadcast %get3A_130 : i32 to vector<512x128xi32>
    %gt3A_133 = arith.cmpi sgt, %min3A_126, %gt3A : vector<512x128xi32>
    %jit3A_134 = arith.constant 1.000000e+00 : f32
    %jit3A_135 = arith.constant 0.000000e+00 : f32
    %broadcast_in_dim3A_136 = vector.broadcast %jit3A_134 : f32 to vector<512x128xf32>
    %broadcast_in_dim3A_137 = vector.broadcast %jit3A_135 : f32 to vector<512x128xf32>
    %select_n3A_138 = arith.select %gt3A_133, %broadcast_in_dim3A_136, %broadcast_in_dim3A_137 : vector<512x128xi1>, vector<512x128xf32>
    %get3A_139 = arith.constant 0 : index
    %get3A_140 = memref.load %arg4[%get3A_139] : memref<16xf32, #tpu.memory_space<smem>>
    %eq3A_141 = vector.broadcast %get3A_130 : i32 to vector<512x128xi32>
    %eq3A_142 = arith.cmpi eq, %min3A_126, %eq3A_141 : vector<512x128xi32>
    %jit3A_143 = arith.constant 1.000000e+00 : f32
    %jit3A_144 = arith.constant 0.000000e+00 : f32
    %broadcast_in_dim3A_145 = vector.broadcast %jit3A_143 : f32 to vector<512x128xf32>
    %broadcast_in_dim3A_146 = vector.broadcast %jit3A_144 : f32 to vector<512x128xf32>
    %select_n3A_147 = arith.select %eq3A_142, %broadcast_in_dim3A_145, %broadcast_in_dim3A_146 : vector<512x128xi1>, vector<512x128xf32>
    %mul3A_148 = vector.broadcast %get3A_140 : f32 to vector<512x128xf32>
    %mul3A_149 = arith.mulf %mul3A_148, %select_n3A_147 : vector<512x128xf32>
    %add3A_150 = arith.addf %select_n3A_138, %mul3A_149 : vector<512x128xf32>
    %mul3A_151 = vector.broadcast %get3A_132 : f32 to vector<512x128xf32>
    %mul3A_152 = arith.mulf %mul3A_151, %add3A_150 : vector<512x128xf32>
    %add3A_153 = arith.addf %broadcast_in_dim3A_128, %mul3A_152 : vector<512x128xf32>
    %get3A_154 = arith.constant 1 : index
    %get3A_155 = memref.load %arg3[%get3A_154] : memref<16xi32, #tpu.memory_space<smem>>
    %get3A_156 = arith.constant 1 : index
    %get3A_157 = memref.load %arg5[%get3A_156] : memref<16xf32, #tpu.memory_space<smem>>
    %gt3A_158 = vector.broadcast %get3A_155 : i32 to vector<512x128xi32>
    %gt3A_159 = arith.cmpi sgt, %min3A_126, %gt3A_158 : vector<512x128xi32>
    %jit3A_160 = arith.constant 1.000000e+00 : f32
    %jit3A_161 = arith.constant 0.000000e+00 : f32
    %broadcast_in_dim3A_162 = vector.broadcast %jit3A_160 : f32 to vector<512x128xf32>
    %broadcast_in_dim3A_163 = vector.broadcast %jit3A_161 : f32 to vector<512x128xf32>
    %select_n3A_164 = arith.select %gt3A_159, %broadcast_in_dim3A_162, %broadcast_in_dim3A_163 : vector<512x128xi1>, vector<512x128xf32>
    %get3A_165 = arith.constant 1 : index
    %get3A_166 = memref.load %arg4[%get3A_165] : memref<16xf32, #tpu.memory_space<smem>>
    %eq3A_167 = vector.broadcast %get3A_155 : i32 to vector<512x128xi32>
    %eq3A_168 = arith.cmpi eq, %min3A_126, %eq3A_167 : vector<512x128xi32>
    %jit3A_169 = arith.constant 1.000000e+00 : f32
    %jit3A_170 = arith.constant 0.000000e+00 : f32
    %broadcast_in_dim3A_171 = vector.broadcast %jit3A_169 : f32 to vector<512x128xf32>
    %broadcast_in_dim3A_172 = vector.broadcast %jit3A_170 : f32 to vector<512x128xf32>
    %select_n3A_173 = arith.select %eq3A_168, %broadcast_in_dim3A_171, %broadcast_in_dim3A_172 : vector<512x128xi1>, vector<512x128xf32>
    %mul3A_174 = vector.broadcast %get3A_166 : f32 to vector<512x128xf32>
    %mul3A_175 = arith.mulf %mul3A_174, %select_n3A_173 : vector<512x128xf32>
    %add3A_176 = arith.addf %select_n3A_164, %mul3A_175 : vector<512x128xf32>
    %mul3A_177 = vector.broadcast %get3A_157 : f32 to vector<512x128xf32>
    %mul3A_178 = arith.mulf %mul3A_177, %add3A_176 : vector<512x128xf32>
    %add3A_179 = arith.addf %add3A_153, %mul3A_178 : vector<512x128xf32>
    %get3A_180 = arith.constant 2 : index
    %get3A_181 = memref.load %arg3[%get3A_180] : memref<16xi32, #tpu.memory_space<smem>>
    %get3A_182 = arith.constant 2 : index
    %get3A_183 = memref.load %arg5[%get3A_182] : memref<16xf32, #tpu.memory_space<smem>>
    %gt3A_184 = vector.broadcast %get3A_181 : i32 to vector<512x128xi32>
    %gt3A_185 = arith.cmpi sgt, %min3A_126, %gt3A_184 : vector<512x128xi32>
    %jit3A_186 = arith.constant 1.000000e+00 : f32
    %jit3A_187 = arith.constant 0.000000e+00 : f32
    %broadcast_in_dim3A_188 = vector.broadcast %jit3A_186 : f32 to vector<512x128xf32>
    %broadcast_in_dim3A_189 = vector.broadcast %jit3A_187 : f32 to vector<512x128xf32>
    %select_n3A_190 = arith.select %gt3A_185, %broadcast_in_dim3A_188, %broadcast_in_dim3A_189 : vector<512x128xi1>, vector<512x128xf32>
    %get3A_191 = arith.constant 2 : index
    %get3A_192 = memref.load %arg4[%get3A_191] : memref<16xf32, #tpu.memory_space<smem>>
    %eq3A_193 = vector.broadcast %get3A_181 : i32 to vector<512x128xi32>
    %eq3A_194 = arith.cmpi eq, %min3A_126, %eq3A_193 : vector<512x128xi32>
    %jit3A_195 = arith.constant 1.000000e+00 : f32
    %jit3A_196 = arith.constant 0.000000e+00 : f32
    %broadcast_in_dim3A_197 = vector.broadcast %jit3A_195 : f32 to vector<512x128xf32>
    %broadcast_in_dim3A_198 = vector.broadcast %jit3A_196 : f32 to vector<512x128xf32>
    %select_n3A_199 = arith.select %eq3A_194, %broadcast_in_dim3A_197, %broadcast_in_dim3A_198 : vector<512x128xi1>, vector<512x128xf32>
    %mul3A_200 = vector.broadcast %get3A_192 : f32 to vector<512x128xf32>
    %mul3A_201 = arith.mulf %mul3A_200, %select_n3A_199 : vector<512x128xf32>
    %add3A_202 = arith.addf %select_n3A_190, %mul3A_201 : vector<512x128xf32>
    %mul3A_203 = vector.broadcast %get3A_183 : f32 to vector<512x128xf32>
    %mul3A_204 = arith.mulf %mul3A_203, %add3A_202 : vector<512x128xf32>
    %add3A_205 = arith.addf %add3A_179, %mul3A_204 : vector<512x128xf32>
    %get3A_206 = arith.constant 3 : index
    %get3A_207 = memref.load %arg3[%get3A_206] : memref<16xi32, #tpu.memory_space<smem>>
    %get3A_208 = arith.constant 3 : index
    %get3A_209 = memref.load %arg5[%get3A_208] : memref<16xf32, #tpu.memory_space<smem>>
    %gt3A_210 = vector.broadcast %get3A_207 : i32 to vector<512x128xi32>
    %gt3A_211 = arith.cmpi sgt, %min3A_126, %gt3A_210 : vector<512x128xi32>
    %jit3A_212 = arith.constant 1.000000e+00 : f32
    %jit3A_213 = arith.constant 0.000000e+00 : f32
    %broadcast_in_dim3A_214 = vector.broadcast %jit3A_212 : f32 to vector<512x128xf32>
    %broadcast_in_dim3A_215 = vector.broadcast %jit3A_213 : f32 to vector<512x128xf32>
    %select_n3A_216 = arith.select %gt3A_211, %broadcast_in_dim3A_214, %broadcast_in_dim3A_215 : vector<512x128xi1>, vector<512x128xf32>
    %get3A_217 = arith.constant 3 : index
    %get3A_218 = memref.load %arg4[%get3A_217] : memref<16xf32, #tpu.memory_space<smem>>
    %eq3A_219 = vector.broadcast %get3A_207 : i32 to vector<512x128xi32>
    %eq3A_220 = arith.cmpi eq, %min3A_126, %eq3A_219 : vector<512x128xi32>
    %jit3A_221 = arith.constant 1.000000e+00 : f32
    %jit3A_222 = arith.constant 0.000000e+00 : f32
    %broadcast_in_dim3A_223 = vector.broadcast %jit3A_221 : f32 to vector<512x128xf32>
    %broadcast_in_dim3A_224 = vector.broadcast %jit3A_222 : f32 to vector<512x128xf32>
    %select_n3A_225 = arith.select %eq3A_220, %broadcast_in_dim3A_223, %broadcast_in_dim3A_224 : vector<512x128xi1>, vector<512x128xf32>
    %mul3A_226 = vector.broadcast %get3A_218 : f32 to vector<512x128xf32>
    %mul3A_227 = arith.mulf %mul3A_226, %select_n3A_225 : vector<512x128xf32>
    %add3A_228 = arith.addf %select_n3A_216, %mul3A_227 : vector<512x128xf32>
    %mul3A_229 = vector.broadcast %get3A_209 : f32 to vector<512x128xf32>
    %mul3A_230 = arith.mulf %mul3A_229, %add3A_228 : vector<512x128xf32>
    %add3A_231 = arith.addf %add3A_205, %mul3A_230 : vector<512x128xf32>
    %get3A_232 = arith.constant 4 : index
    %get3A_233 = memref.load %arg3[%get3A_232] : memref<16xi32, #tpu.memory_space<smem>>
    %get3A_234 = arith.constant 4 : index
    %get3A_235 = memref.load %arg5[%get3A_234] : memref<16xf32, #tpu.memory_space<smem>>
    %gt3A_236 = vector.broadcast %get3A_233 : i32 to vector<512x128xi32>
    %gt3A_237 = arith.cmpi sgt, %min3A_126, %gt3A_236 : vector<512x128xi32>
    %jit3A_238 = arith.constant 1.000000e+00 : f32
    %jit3A_239 = arith.constant 0.000000e+00 : f32
    %broadcast_in_dim3A_240 = vector.broadcast %jit3A_238 : f32 to vector<512x128xf32>
    %broadcast_in_dim3A_241 = vector.broadcast %jit3A_239 : f32 to vector<512x128xf32>
    %select_n3A_242 = arith.select %gt3A_237, %broadcast_in_dim3A_240, %broadcast_in_dim3A_241 : vector<512x128xi1>, vector<512x128xf32>
    %get3A_243 = arith.constant 4 : index
    %get3A_244 = memref.load %arg4[%get3A_243] : memref<16xf32, #tpu.memory_space<smem>>
    %eq3A_245 = vector.broadcast %get3A_233 : i32 to vector<512x128xi32>
    %eq3A_246 = arith.cmpi eq, %min3A_126, %eq3A_245 : vector<512x128xi32>
    %jit3A_247 = arith.constant 1.000000e+00 : f32
    %jit3A_248 = arith.constant 0.000000e+00 : f32
    %broadcast_in_dim3A_249 = vector.broadcast %jit3A_247 : f32 to vector<512x128xf32>
    %broadcast_in_dim3A_250 = vector.broadcast %jit3A_248 : f32 to vector<512x128xf32>
    %select_n3A_251 = arith.select %eq3A_246, %broadcast_in_dim3A_249, %broadcast_in_dim3A_250 : vector<512x128xi1>, vector<512x128xf32>
    %mul3A_252 = vector.broadcast %get3A_244 : f32 to vector<512x128xf32>
    %mul3A_253 = arith.mulf %mul3A_252, %select_n3A_251 : vector<512x128xf32>
    %add3A_254 = arith.addf %select_n3A_242, %mul3A_253 : vector<512x128xf32>
    %mul3A_255 = vector.broadcast %get3A_235 : f32 to vector<512x128xf32>
    %mul3A_256 = arith.mulf %mul3A_255, %add3A_254 : vector<512x128xf32>
    %add3A_257 = arith.addf %add3A_231, %mul3A_256 : vector<512x128xf32>
    %get3A_258 = arith.constant 5 : index
    %get3A_259 = memref.load %arg3[%get3A_258] : memref<16xi32, #tpu.memory_space<smem>>
    %get3A_260 = arith.constant 5 : index
    %get3A_261 = memref.load %arg5[%get3A_260] : memref<16xf32, #tpu.memory_space<smem>>
    %gt3A_262 = vector.broadcast %get3A_259 : i32 to vector<512x128xi32>
    %gt3A_263 = arith.cmpi sgt, %min3A_126, %gt3A_262 : vector<512x128xi32>
    %jit3A_264 = arith.constant 1.000000e+00 : f32
    %jit3A_265 = arith.constant 0.000000e+00 : f32
    %broadcast_in_dim3A_266 = vector.broadcast %jit3A_264 : f32 to vector<512x128xf32>
    %broadcast_in_dim3A_267 = vector.broadcast %jit3A_265 : f32 to vector<512x128xf32>
    %select_n3A_268 = arith.select %gt3A_263, %broadcast_in_dim3A_266, %broadcast_in_dim3A_267 : vector<512x128xi1>, vector<512x128xf32>
    %get3A_269 = arith.constant 5 : index
    %get3A_270 = memref.load %arg4[%get3A_269] : memref<16xf32, #tpu.memory_space<smem>>
    %eq3A_271 = vector.broadcast %get3A_259 : i32 to vector<512x128xi32>
    %eq3A_272 = arith.cmpi eq, %min3A_126, %eq3A_271 : vector<512x128xi32>
    %jit3A_273 = arith.constant 1.000000e+00 : f32
    %jit3A_274 = arith.constant 0.000000e+00 : f32
    %broadcast_in_dim3A_275 = vector.broadcast %jit3A_273 : f32 to vector<512x128xf32>
    %broadcast_in_dim3A_276 = vector.broadcast %jit3A_274 : f32 to vector<512x128xf32>
    %select_n3A_277 = arith.select %eq3A_272, %broadcast_in_dim3A_275, %broadcast_in_dim3A_276 : vector<512x128xi1>, vector<512x128xf32>
    %mul3A_278 = vector.broadcast %get3A_270 : f32 to vector<512x128xf32>
    %mul3A_279 = arith.mulf %mul3A_278, %select_n3A_277 : vector<512x128xf32>
    %add3A_280 = arith.addf %select_n3A_268, %mul3A_279 : vector<512x128xf32>
    %mul3A_281 = vector.broadcast %get3A_261 : f32 to vector<512x128xf32>
    %mul3A_282 = arith.mulf %mul3A_281, %add3A_280 : vector<512x128xf32>
    %add3A_283 = arith.addf %add3A_257, %mul3A_282 : vector<512x128xf32>
    %get3A_284 = arith.constant 6 : index
    %get3A_285 = memref.load %arg3[%get3A_284] : memref<16xi32, #tpu.memory_space<smem>>
    %get3A_286 = arith.constant 6 : index
    %get3A_287 = memref.load %arg5[%get3A_286] : memref<16xf32, #tpu.memory_space<smem>>
    %gt3A_288 = vector.broadcast %get3A_285 : i32 to vector<512x128xi32>
    %gt3A_289 = arith.cmpi sgt, %min3A_126, %gt3A_288 : vector<512x128xi32>
    %jit3A_290 = arith.constant 1.000000e+00 : f32
    %jit3A_291 = arith.constant 0.000000e+00 : f32
    %broadcast_in_dim3A_292 = vector.broadcast %jit3A_290 : f32 to vector<512x128xf32>
    %broadcast_in_dim3A_293 = vector.broadcast %jit3A_291 : f32 to vector<512x128xf32>
    %select_n3A_294 = arith.select %gt3A_289, %broadcast_in_dim3A_292, %broadcast_in_dim3A_293 : vector<512x128xi1>, vector<512x128xf32>
    %get3A_295 = arith.constant 6 : index
    %get3A_296 = memref.load %arg4[%get3A_295] : memref<16xf32, #tpu.memory_space<smem>>
    %eq3A_297 = vector.broadcast %get3A_285 : i32 to vector<512x128xi32>
    %eq3A_298 = arith.cmpi eq, %min3A_126, %eq3A_297 : vector<512x128xi32>
    %jit3A_299 = arith.constant 1.000000e+00 : f32
    %jit3A_300 = arith.constant 0.000000e+00 : f32
    %broadcast_in_dim3A_301 = vector.broadcast %jit3A_299 : f32 to vector<512x128xf32>
    %broadcast_in_dim3A_302 = vector.broadcast %jit3A_300 : f32 to vector<512x128xf32>
    %select_n3A_303 = arith.select %eq3A_298, %broadcast_in_dim3A_301, %broadcast_in_dim3A_302 : vector<512x128xi1>, vector<512x128xf32>
    %mul3A_304 = vector.broadcast %get3A_296 : f32 to vector<512x128xf32>
    %mul3A_305 = arith.mulf %mul3A_304, %select_n3A_303 : vector<512x128xf32>
    %add3A_306 = arith.addf %select_n3A_294, %mul3A_305 : vector<512x128xf32>
    %mul3A_307 = vector.broadcast %get3A_287 : f32 to vector<512x128xf32>
    %mul3A_308 = arith.mulf %mul3A_307, %add3A_306 : vector<512x128xf32>
    %add3A_309 = arith.addf %add3A_283, %mul3A_308 : vector<512x128xf32>
    %get3A_310 = arith.constant 7 : index
    %get3A_311 = memref.load %arg3[%get3A_310] : memref<16xi32, #tpu.memory_space<smem>>
    %get3A_312 = arith.constant 7 : index
    %get3A_313 = memref.load %arg5[%get3A_312] : memref<16xf32, #tpu.memory_space<smem>>
    %gt3A_314 = vector.broadcast %get3A_311 : i32 to vector<512x128xi32>
    %gt3A_315 = arith.cmpi sgt, %min3A_126, %gt3A_314 : vector<512x128xi32>
    %jit3A_316 = arith.constant 1.000000e+00 : f32
    %jit3A_317 = arith.constant 0.000000e+00 : f32
    %broadcast_in_dim3A_318 = vector.broadcast %jit3A_316 : f32 to vector<512x128xf32>
    %broadcast_in_dim3A_319 = vector.broadcast %jit3A_317 : f32 to vector<512x128xf32>
    %select_n3A_320 = arith.select %gt3A_315, %broadcast_in_dim3A_318, %broadcast_in_dim3A_319 : vector<512x128xi1>, vector<512x128xf32>
    %get3A_321 = arith.constant 7 : index
    %get3A_322 = memref.load %arg4[%get3A_321] : memref<16xf32, #tpu.memory_space<smem>>
    %eq3A_323 = vector.broadcast %get3A_311 : i32 to vector<512x128xi32>
    %eq3A_324 = arith.cmpi eq, %min3A_126, %eq3A_323 : vector<512x128xi32>
    %jit3A_325 = arith.constant 1.000000e+00 : f32
    %jit3A_326 = arith.constant 0.000000e+00 : f32
    %broadcast_in_dim3A_327 = vector.broadcast %jit3A_325 : f32 to vector<512x128xf32>
    %broadcast_in_dim3A_328 = vector.broadcast %jit3A_326 : f32 to vector<512x128xf32>
    %select_n3A_329 = arith.select %eq3A_324, %broadcast_in_dim3A_327, %broadcast_in_dim3A_328 : vector<512x128xi1>, vector<512x128xf32>
    %mul3A_330 = vector.broadcast %get3A_322 : f32 to vector<512x128xf32>
    %mul3A_331 = arith.mulf %mul3A_330, %select_n3A_329 : vector<512x128xf32>
    %add3A_332 = arith.addf %select_n3A_320, %mul3A_331 : vector<512x128xf32>
    %mul3A_333 = vector.broadcast %get3A_313 : f32 to vector<512x128xf32>
    %mul3A_334 = arith.mulf %mul3A_333, %add3A_332 : vector<512x128xf32>
    %add3A_335 = arith.addf %add3A_309, %mul3A_334 : vector<512x128xf32>
    %get3A_336 = arith.constant 8 : index
    %get3A_337 = memref.load %arg3[%get3A_336] : memref<16xi32, #tpu.memory_space<smem>>
    %get3A_338 = arith.constant 8 : index
    %get3A_339 = memref.load %arg5[%get3A_338] : memref<16xf32, #tpu.memory_space<smem>>
    %gt3A_340 = vector.broadcast %get3A_337 : i32 to vector<512x128xi32>
    %gt3A_341 = arith.cmpi sgt, %min3A_126, %gt3A_340 : vector<512x128xi32>
    %jit3A_342 = arith.constant 1.000000e+00 : f32
    %jit3A_343 = arith.constant 0.000000e+00 : f32
    %broadcast_in_dim3A_344 = vector.broadcast %jit3A_342 : f32 to vector<512x128xf32>
    %broadcast_in_dim3A_345 = vector.broadcast %jit3A_343 : f32 to vector<512x128xf32>
    %select_n3A_346 = arith.select %gt3A_341, %broadcast_in_dim3A_344, %broadcast_in_dim3A_345 : vector<512x128xi1>, vector<512x128xf32>
    %get3A_347 = arith.constant 8 : index
    %get3A_348 = memref.load %arg4[%get3A_347] : memref<16xf32, #tpu.memory_space<smem>>
    %eq3A_349 = vector.broadcast %get3A_337 : i32 to vector<512x128xi32>
    %eq3A_350 = arith.cmpi eq, %min3A_126, %eq3A_349 : vector<512x128xi32>
    %jit3A_351 = arith.constant 1.000000e+00 : f32
    %jit3A_352 = arith.constant 0.000000e+00 : f32
    %broadcast_in_dim3A_353 = vector.broadcast %jit3A_351 : f32 to vector<512x128xf32>
    %broadcast_in_dim3A_354 = vector.broadcast %jit3A_352 : f32 to vector<512x128xf32>
    %select_n3A_355 = arith.select %eq3A_350, %broadcast_in_dim3A_353, %broadcast_in_dim3A_354 : vector<512x128xi1>, vector<512x128xf32>
    %mul3A_356 = vector.broadcast %get3A_348 : f32 to vector<512x128xf32>
    %mul3A_357 = arith.mulf %mul3A_356, %select_n3A_355 : vector<512x128xf32>
    %add3A_358 = arith.addf %select_n3A_346, %mul3A_357 : vector<512x128xf32>
    %mul3A_359 = vector.broadcast %get3A_339 : f32 to vector<512x128xf32>
    %mul3A_360 = arith.mulf %mul3A_359, %add3A_358 : vector<512x128xf32>
    %add3A_361 = arith.addf %add3A_335, %mul3A_360 : vector<512x128xf32>
    %get3A_362 = arith.constant 9 : index
    %get3A_363 = memref.load %arg3[%get3A_362] : memref<16xi32, #tpu.memory_space<smem>>
    %get3A_364 = arith.constant 9 : index
    %get3A_365 = memref.load %arg5[%get3A_364] : memref<16xf32, #tpu.memory_space<smem>>
    %gt3A_366 = vector.broadcast %get3A_363 : i32 to vector<512x128xi32>
    %gt3A_367 = arith.cmpi sgt, %min3A_126, %gt3A_366 : vector<512x128xi32>
    %jit3A_368 = arith.constant 1.000000e+00 : f32
    %jit3A_369 = arith.constant 0.000000e+00 : f32
    %broadcast_in_dim3A_370 = vector.broadcast %jit3A_368 : f32 to vector<512x128xf32>
    %broadcast_in_dim3A_371 = vector.broadcast %jit3A_369 : f32 to vector<512x128xf32>
    %select_n3A_372 = arith.select %gt3A_367, %broadcast_in_dim3A_370, %broadcast_in_dim3A_371 : vector<512x128xi1>, vector<512x128xf32>
    %get3A_373 = arith.constant 9 : index
    %get3A_374 = memref.load %arg4[%get3A_373] : memref<16xf32, #tpu.memory_space<smem>>
    %eq3A_375 = vector.broadcast %get3A_363 : i32 to vector<512x128xi32>
    %eq3A_376 = arith.cmpi eq, %min3A_126, %eq3A_375 : vector<512x128xi32>
    %jit3A_377 = arith.constant 1.000000e+00 : f32
    %jit3A_378 = arith.constant 0.000000e+00 : f32
    %broadcast_in_dim3A_379 = vector.broadcast %jit3A_377 : f32 to vector<512x128xf32>
    %broadcast_in_dim3A_380 = vector.broadcast %jit3A_378 : f32 to vector<512x128xf32>
    %select_n3A_381 = arith.select %eq3A_376, %broadcast_in_dim3A_379, %broadcast_in_dim3A_380 : vector<512x128xi1>, vector<512x128xf32>
    %mul3A_382 = vector.broadcast %get3A_374 : f32 to vector<512x128xf32>
    %mul3A_383 = arith.mulf %mul3A_382, %select_n3A_381 : vector<512x128xf32>
    %add3A_384 = arith.addf %select_n3A_372, %mul3A_383 : vector<512x128xf32>
    %mul3A_385 = vector.broadcast %get3A_365 : f32 to vector<512x128xf32>
    %mul3A_386 = arith.mulf %mul3A_385, %add3A_384 : vector<512x128xf32>
    %add3A_387 = arith.addf %add3A_361, %mul3A_386 : vector<512x128xf32>
    %get3A_388 = arith.constant 10 : index
    %get3A_389 = memref.load %arg3[%get3A_388] : memref<16xi32, #tpu.memory_space<smem>>
    %get3A_390 = arith.constant 10 : index
    %get3A_391 = memref.load %arg5[%get3A_390] : memref<16xf32, #tpu.memory_space<smem>>
    %gt3A_392 = vector.broadcast %get3A_389 : i32 to vector<512x128xi32>
    %gt3A_393 = arith.cmpi sgt, %min3A_126, %gt3A_392 : vector<512x128xi32>
    %jit3A_394 = arith.constant 1.000000e+00 : f32
    %jit3A_395 = arith.constant 0.000000e+00 : f32
    %broadcast_in_dim3A_396 = vector.broadcast %jit3A_394 : f32 to vector<512x128xf32>
    %broadcast_in_dim3A_397 = vector.broadcast %jit3A_395 : f32 to vector<512x128xf32>
    %select_n3A_398 = arith.select %gt3A_393, %broadcast_in_dim3A_396, %broadcast_in_dim3A_397 : vector<512x128xi1>, vector<512x128xf32>
    %get3A_399 = arith.constant 10 : index
    %get3A_400 = memref.load %arg4[%get3A_399] : memref<16xf32, #tpu.memory_space<smem>>
    %eq3A_401 = vector.broadcast %get3A_389 : i32 to vector<512x128xi32>
    %eq3A_402 = arith.cmpi eq, %min3A_126, %eq3A_401 : vector<512x128xi32>
    %jit3A_403 = arith.constant 1.000000e+00 : f32
    %jit3A_404 = arith.constant 0.000000e+00 : f32
    %broadcast_in_dim3A_405 = vector.broadcast %jit3A_403 : f32 to vector<512x128xf32>
    %broadcast_in_dim3A_406 = vector.broadcast %jit3A_404 : f32 to vector<512x128xf32>
    %select_n3A_407 = arith.select %eq3A_402, %broadcast_in_dim3A_405, %broadcast_in_dim3A_406 : vector<512x128xi1>, vector<512x128xf32>
    %mul3A_408 = vector.broadcast %get3A_400 : f32 to vector<512x128xf32>
    %mul3A_409 = arith.mulf %mul3A_408, %select_n3A_407 : vector<512x128xf32>
    %add3A_410 = arith.addf %select_n3A_398, %mul3A_409 : vector<512x128xf32>
    %mul3A_411 = vector.broadcast %get3A_391 : f32 to vector<512x128xf32>
    %mul3A_412 = arith.mulf %mul3A_411, %add3A_410 : vector<512x128xf32>
    %add3A_413 = arith.addf %add3A_387, %mul3A_412 : vector<512x128xf32>
    %get3A_414 = arith.constant 11 : index
    %get3A_415 = memref.load %arg3[%get3A_414] : memref<16xi32, #tpu.memory_space<smem>>
    %get3A_416 = arith.constant 11 : index
    %get3A_417 = memref.load %arg5[%get3A_416] : memref<16xf32, #tpu.memory_space<smem>>
    %gt3A_418 = vector.broadcast %get3A_415 : i32 to vector<512x128xi32>
    %gt3A_419 = arith.cmpi sgt, %min3A_126, %gt3A_418 : vector<512x128xi32>
    %jit3A_420 = arith.constant 1.000000e+00 : f32
    %jit3A_421 = arith.constant 0.000000e+00 : f32
    %broadcast_in_dim3A_422 = vector.broadcast %jit3A_420 : f32 to vector<512x128xf32>
    %broadcast_in_dim3A_423 = vector.broadcast %jit3A_421 : f32 to vector<512x128xf32>
    %select_n3A_424 = arith.select %gt3A_419, %broadcast_in_dim3A_422, %broadcast_in_dim3A_423 : vector<512x128xi1>, vector<512x128xf32>
    %get3A_425 = arith.constant 11 : index
    %get3A_426 = memref.load %arg4[%get3A_425] : memref<16xf32, #tpu.memory_space<smem>>
    %eq3A_427 = vector.broadcast %get3A_415 : i32 to vector<512x128xi32>
    %eq3A_428 = arith.cmpi eq, %min3A_126, %eq3A_427 : vector<512x128xi32>
    %jit3A_429 = arith.constant 1.000000e+00 : f32
    %jit3A_430 = arith.constant 0.000000e+00 : f32
    %broadcast_in_dim3A_431 = vector.broadcast %jit3A_429 : f32 to vector<512x128xf32>
    %broadcast_in_dim3A_432 = vector.broadcast %jit3A_430 : f32 to vector<512x128xf32>
    %select_n3A_433 = arith.select %eq3A_428, %broadcast_in_dim3A_431, %broadcast_in_dim3A_432 : vector<512x128xi1>, vector<512x128xf32>
    %mul3A_434 = vector.broadcast %get3A_426 : f32 to vector<512x128xf32>
    %mul3A_435 = arith.mulf %mul3A_434, %select_n3A_433 : vector<512x128xf32>
    %add3A_436 = arith.addf %select_n3A_424, %mul3A_435 : vector<512x128xf32>
    %mul3A_437 = vector.broadcast %get3A_417 : f32 to vector<512x128xf32>
    %mul3A_438 = arith.mulf %mul3A_437, %add3A_436 : vector<512x128xf32>
    %add3A_439 = arith.addf %add3A_413, %mul3A_438 : vector<512x128xf32>
    %get3A_440 = arith.constant 12 : index
    %get3A_441 = memref.load %arg3[%get3A_440] : memref<16xi32, #tpu.memory_space<smem>>
    %get3A_442 = arith.constant 12 : index
    %get3A_443 = memref.load %arg5[%get3A_442] : memref<16xf32, #tpu.memory_space<smem>>
    %gt3A_444 = vector.broadcast %get3A_441 : i32 to vector<512x128xi32>
    %gt3A_445 = arith.cmpi sgt, %min3A_126, %gt3A_444 : vector<512x128xi32>
    %jit3A_446 = arith.constant 1.000000e+00 : f32
    %jit3A_447 = arith.constant 0.000000e+00 : f32
    %broadcast_in_dim3A_448 = vector.broadcast %jit3A_446 : f32 to vector<512x128xf32>
    %broadcast_in_dim3A_449 = vector.broadcast %jit3A_447 : f32 to vector<512x128xf32>
    %select_n3A_450 = arith.select %gt3A_445, %broadcast_in_dim3A_448, %broadcast_in_dim3A_449 : vector<512x128xi1>, vector<512x128xf32>
    %get3A_451 = arith.constant 12 : index
    %get3A_452 = memref.load %arg4[%get3A_451] : memref<16xf32, #tpu.memory_space<smem>>
    %eq3A_453 = vector.broadcast %get3A_441 : i32 to vector<512x128xi32>
    %eq3A_454 = arith.cmpi eq, %min3A_126, %eq3A_453 : vector<512x128xi32>
    %jit3A_455 = arith.constant 1.000000e+00 : f32
    %jit3A_456 = arith.constant 0.000000e+00 : f32
    %broadcast_in_dim3A_457 = vector.broadcast %jit3A_455 : f32 to vector<512x128xf32>
    %broadcast_in_dim3A_458 = vector.broadcast %jit3A_456 : f32 to vector<512x128xf32>
    %select_n3A_459 = arith.select %eq3A_454, %broadcast_in_dim3A_457, %broadcast_in_dim3A_458 : vector<512x128xi1>, vector<512x128xf32>
    %mul3A_460 = vector.broadcast %get3A_452 : f32 to vector<512x128xf32>
    %mul3A_461 = arith.mulf %mul3A_460, %select_n3A_459 : vector<512x128xf32>
    %add3A_462 = arith.addf %select_n3A_450, %mul3A_461 : vector<512x128xf32>
    %mul3A_463 = vector.broadcast %get3A_443 : f32 to vector<512x128xf32>
    %mul3A_464 = arith.mulf %mul3A_463, %add3A_462 : vector<512x128xf32>
    %add3A_465 = arith.addf %add3A_439, %mul3A_464 : vector<512x128xf32>
    %get3A_466 = arith.constant 13 : index
    %get3A_467 = memref.load %arg3[%get3A_466] : memref<16xi32, #tpu.memory_space<smem>>
    %get3A_468 = arith.constant 13 : index
    %get3A_469 = memref.load %arg5[%get3A_468] : memref<16xf32, #tpu.memory_space<smem>>
    %gt3A_470 = vector.broadcast %get3A_467 : i32 to vector<512x128xi32>
    %gt3A_471 = arith.cmpi sgt, %min3A_126, %gt3A_470 : vector<512x128xi32>
    %jit3A_472 = arith.constant 1.000000e+00 : f32
    %jit3A_473 = arith.constant 0.000000e+00 : f32
    %broadcast_in_dim3A_474 = vector.broadcast %jit3A_472 : f32 to vector<512x128xf32>
    %broadcast_in_dim3A_475 = vector.broadcast %jit3A_473 : f32 to vector<512x128xf32>
    %select_n3A_476 = arith.select %gt3A_471, %broadcast_in_dim3A_474, %broadcast_in_dim3A_475 : vector<512x128xi1>, vector<512x128xf32>
    %get3A_477 = arith.constant 13 : index
    %get3A_478 = memref.load %arg4[%get3A_477] : memref<16xf32, #tpu.memory_space<smem>>
    %eq3A_479 = vector.broadcast %get3A_467 : i32 to vector<512x128xi32>
    %eq3A_480 = arith.cmpi eq, %min3A_126, %eq3A_479 : vector<512x128xi32>
    %jit3A_481 = arith.constant 1.000000e+00 : f32
    %jit3A_482 = arith.constant 0.000000e+00 : f32
    %broadcast_in_dim3A_483 = vector.broadcast %jit3A_481 : f32 to vector<512x128xf32>
    %broadcast_in_dim3A_484 = vector.broadcast %jit3A_482 : f32 to vector<512x128xf32>
    %select_n3A_485 = arith.select %eq3A_480, %broadcast_in_dim3A_483, %broadcast_in_dim3A_484 : vector<512x128xi1>, vector<512x128xf32>
    %mul3A_486 = vector.broadcast %get3A_478 : f32 to vector<512x128xf32>
    %mul3A_487 = arith.mulf %mul3A_486, %select_n3A_485 : vector<512x128xf32>
    %add3A_488 = arith.addf %select_n3A_476, %mul3A_487 : vector<512x128xf32>
    %mul3A_489 = vector.broadcast %get3A_469 : f32 to vector<512x128xf32>
    %mul3A_490 = arith.mulf %mul3A_489, %add3A_488 : vector<512x128xf32>
    %add3A_491 = arith.addf %add3A_465, %mul3A_490 : vector<512x128xf32>
    %get3A_492 = arith.constant 0 : index
    %get3A_493 = memref.load %arg8[%get3A_492] : memref<4xf32, #tpu.memory_space<smem>>
    %reduce_sum3A = vector.shape_cast %get3A_3 : vector<512x128xf32> to vector<1x512x128xf32>
    %reduce_sum3A_494 = arith.constant dense<0.000000e+00> : vector<1xf32>
    %reduce_sum3A_495 = vector.multi_reduction <add>, %reduce_sum3A, %reduce_sum3A_494 [1, 2] : vector<1x512x128xf32> to vector<1xf32>
    %reduce_sum3A_496 = vector.shape_cast %reduce_sum3A_495 : vector<1xf32> to vector<1x1x1xf32>
    %reduce_sum3A_497 = vector.extract %reduce_sum3A_496[0, 0, 0] : f32 from vector<1x1x1xf32>
    %add3A_498 = arith.addf %get3A_493, %reduce_sum3A_497 : f32
    %swap3A = arith.constant 0 : index
    %swap3A_499 = memref.load %arg8[%swap3A] : memref<4xf32, #tpu.memory_space<smem>>
    memref.store %add3A_498, %arg8[%swap3A] : memref<4xf32, #tpu.memory_space<smem>>
    %get3A_500 = arith.constant 1 : index
    %get3A_501 = memref.load %arg8[%get3A_500] : memref<4xf32, #tpu.memory_space<smem>>
    %abs3A = math.absf %select_n3A_114 : vector<512x128xf32>
    %mul3A_502 = arith.mulf %abs3A, %get3A_3 : vector<512x128xf32>
    %reduce_sum3A_503 = vector.shape_cast %mul3A_502 : vector<512x128xf32> to vector<1x512x128xf32>
    %reduce_sum3A_504 = arith.constant dense<0.000000e+00> : vector<1xf32>
    %reduce_sum3A_505 = vector.multi_reduction <add>, %reduce_sum3A_503, %reduce_sum3A_504 [1, 2] : vector<1x512x128xf32> to vector<1xf32>
    %reduce_sum3A_506 = vector.shape_cast %reduce_sum3A_505 : vector<1xf32> to vector<1x1x1xf32>
    %reduce_sum3A_507 = vector.extract %reduce_sum3A_506[0, 0, 0] : f32 from vector<1x1x1xf32>
    %add3A_508 = arith.addf %get3A_501, %reduce_sum3A_507 : f32
    %swap3A_509 = arith.constant 1 : index
    %swap3A_510 = memref.load %arg8[%swap3A_509] : memref<4xf32, #tpu.memory_space<smem>>
    memref.store %add3A_508, %arg8[%swap3A_509] : memref<4xf32, #tpu.memory_space<smem>>
    %get3A_511 = arith.constant 2 : index
    %get3A_512 = memref.load %arg8[%get3A_511] : memref<4xf32, #tpu.memory_space<smem>>
    %get3A_513 = arith.constant 0 : index
    %get3A_514 = arith.constant 0 : index
    %get3A_515 = vector.load %arg2[%get3A_513, %get3A_514] : memref<512x128xf32, #tpu.memory_space<vmem>>, vector<512x128xf32>
    %abs3A_516 = math.absf %get3A_515 : vector<512x128xf32>
    %mul3A_517 = arith.mulf %abs3A_516, %get3A_3 : vector<512x128xf32>
    %reduce_sum3A_518 = vector.shape_cast %mul3A_517 : vector<512x128xf32> to vector<1x512x128xf32>
    %reduce_sum3A_519 = arith.constant dense<0.000000e+00> : vector<1xf32>
    %reduce_sum3A_520 = vector.multi_reduction <add>, %reduce_sum3A_518, %reduce_sum3A_519 [1, 2] : vector<1x512x128xf32> to vector<1xf32>
    %reduce_sum3A_521 = vector.shape_cast %reduce_sum3A_520 : vector<1xf32> to vector<1x1x1xf32>
    %reduce_sum3A_522 = vector.extract %reduce_sum3A_521[0, 0, 0] : f32 from vector<1x1x1xf32>
    %add3A_523 = arith.addf %get3A_512, %reduce_sum3A_522 : f32
    %swap3A_524 = arith.constant 2 : index
    %swap3A_525 = memref.load %arg8[%swap3A_524] : memref<4xf32, #tpu.memory_space<smem>>
    memref.store %add3A_523, %arg8[%swap3A_524] : memref<4xf32, #tpu.memory_space<smem>>
    %get3A_526 = arith.constant 3 : index
    %get3A_527 = memref.load %arg8[%get3A_526] : memref<4xf32, #tpu.memory_space<smem>>
    %mul3A_528 = arith.mulf %add3A_491, %get3A_3 : vector<512x128xf32>
    %reduce_sum3A_529 = vector.shape_cast %mul3A_528 : vector<512x128xf32> to vector<1x512x128xf32>
    %reduce_sum3A_530 = arith.constant dense<0.000000e+00> : vector<1xf32>
    %reduce_sum3A_531 = vector.multi_reduction <add>, %reduce_sum3A_529, %reduce_sum3A_530 [1, 2] : vector<1x512x128xf32> to vector<1xf32>
    %reduce_sum3A_532 = vector.shape_cast %reduce_sum3A_531 : vector<1xf32> to vector<1x1x1xf32>
    %reduce_sum3A_533 = vector.extract %reduce_sum3A_532[0, 0, 0] : f32 from vector<1x1x1xf32>
    %add3A_534 = arith.addf %get3A_527, %reduce_sum3A_533 : f32
    %swap3A_535 = arith.constant 3 : index
    %swap3A_536 = memref.load %arg8[%swap3A_535] : memref<4xf32, #tpu.memory_space<smem>>
    memref.store %add3A_534, %arg8[%swap3A_535] : memref<4xf32, #tpu.memory_space<smem>>
    %eq3A_537 = arith.constant 7 : i32
    %eq3A_538 = arith.cmpi eq, %arg0, %eq3A_537 : i32
    %convert_element_type3A_539 = arith.extui %eq3A_538 : i1 to i32
    %cond3A_540 = arith.constant 0 : i32
    %cond3A_541 = arith.cmpi ne, %convert_element_type3A_539, %cond3A_540 : i32
    scf.if %cond3A_541 {
      %get3A_542 = arith.constant 0 : index
      %get3A_543 = memref.load %arg8[%get3A_542] : memref<4xf32, #tpu.memory_space<smem>>
      %swap3A_544 = arith.constant 0 : index
      %swap3A_545 = memref.load %arg7[%swap3A_544] : memref<4xf32, #tpu.memory_space<smem>>
      memref.store %get3A_543, %arg7[%swap3A_544] : memref<4xf32, #tpu.memory_space<smem>>
      %get3A_546 = arith.constant 1 : index
      %get3A_547 = memref.load %arg8[%get3A_546] : memref<4xf32, #tpu.memory_space<smem>>
      %swap3A_548 = arith.constant 1 : index
      %swap3A_549 = memref.load %arg7[%swap3A_548] : memref<4xf32, #tpu.memory_space<smem>>
      memref.store %get3A_547, %arg7[%swap3A_548] : memref<4xf32, #tpu.memory_space<smem>>
      %get3A_550 = arith.constant 2 : index
      %get3A_551 = memref.load %arg8[%get3A_550] : memref<4xf32, #tpu.memory_space<smem>>
      %swap3A_552 = arith.constant 2 : index
      %swap3A_553 = memref.load %arg7[%swap3A_552] : memref<4xf32, #tpu.memory_space<smem>>
      memref.store %get3A_551, %arg7[%swap3A_552] : memref<4xf32, #tpu.memory_space<smem>>
      %get3A_554 = arith.constant 3 : index
      %get3A_555 = memref.load %arg8[%get3A_554] : memref<4xf32, #tpu.memory_space<smem>>
      %swap3A_556 = arith.constant 3 : index
      %swap3A_557 = memref.load %arg7[%swap3A_556] : memref<4xf32, #tpu.memory_space<smem>>
      memref.store %get3A_555, %arg7[%swap3A_556] : memref<4xf32, #tpu.memory_space<smem>>
    } else {
    }
    return
  }
  func.func @transform_0(%arg0: i32) -> (i32, i32) {
    %c0_i32 = arith.constant 0 : i32
    %c0_i32_0 = arith.constant 0 : i32
    return %arg0, %c0_i32 : i32, i32
  }
  func.func @transform_1(%arg0: i32) -> (i32, i32) {
    %c0_i32 = arith.constant 0 : i32
    %c0_i32_0 = arith.constant 0 : i32
    return %arg0, %c0_i32 : i32, i32
  }
  func.func @transform_2(%arg0: i32) -> i32 {
    %c0_i32 = arith.constant 0 : i32
    %c0_i32_0 = arith.constant 0 : i32
    return %c0_i32 : i32
  }
  func.func @transform_3(%arg0: i32) -> i32 {
    %c0_i32 = arith.constant 0 : i32
    %c0_i32_0 = arith.constant 0 : i32
    return %c0_i32 : i32
  }
  func.func @transform_4(%arg0: i32) -> i32 {
    %c0_i32 = arith.constant 0 : i32
    %c0_i32_0 = arith.constant 0 : i32
    return %c0_i32 : i32
  }
  func.func @transform_5(%arg0: i32) -> i32 {
    %c0_i32 = arith.constant 0 : i32
    %c0_i32_0 = arith.constant 0 : i32
    return %c0_i32 : i32
  }
  func.func @transform_6(%arg0: i32) -> i32 {
    %c0_i32 = arith.constant 0 : i32
    %c0_i32_0 = arith.constant 0 : i32
    return %c0_i32 : i32
  }
}

</mosaic_0001>

<sc_bundles>
// kernel: kernel.5.cloned.1.call-start
scs
__scs_entry_jumppad:
0x0: {  	(pc) =	sbr.rel $0x88, $3  }
0x1: {  	(tag) =	ssettag $0x0;
	lr =	simm.s32 $0x1  }
0x2: {  	[smem:$0x3F9B] =	sst lr;
	_ =	strace $0xD0000000  }
0x3: {  	_ = 	snop  }
0x4: {  	_ = 	snop  }
0x5: {  	_ = 	snop  }
0x6: {  	_ = 	snop  }
0x7: {  	_ = 	snop  }
__scs_overlays_trampoline_lowered:
0x8: {  	[smem:$0x3FAA] =	sst s0  }
0x9: {  	[smem:$0x3FAB] =	sst s1  }
0xa: {  	[smem:$0x3FAC] =	sst s2  }
0xb: {  	[smem:$0x3FAD] =	sst s3  }
0xc: {  	[smem:$0x3FAE] =	sst s4  }
0xd: {  	[smem:$0x3FAF] =	sst s5  }
0xe: {  	[smem:$0x3FB0] =	sst s6  }
0xf: {  	[smem:$0x3FB1] =	sst s7  }
0x10: {  	[smem:$0x3FB2] =	sst s8  }
0x11: {  	[smem:$0x3FB3] =	sst s9;
	s0 =	simm.s32 @!p0 $0x0  }
0x12: {  	s1 =	sld [smem:$0x3F99];
	s0 =	simm.s32 @p0 $0x1  }
0x13: {  	[smem:$0x3FB4] =	sst s0;
	s0 =	simm.s32 @!p1 $0x0  }
0x14: {  	s2 =	sld [smem:$0x3F98];
	s0 =	simm.s32 @p1 $0x1  }
0x15: {  	[smem:$0x3FB5] =	sst s0;
	s0 =	simm.s32 @!p2 $0x0  }
0x16: {  	s3 =	sld [smem:$0x3FDB];
	s0 =	simm.s32 @p2 $0x1  }
0x17: {  	s4 =	simm.s32 $0x1BF5;
	[smem:$0x3FB7] =	sst s0  }
0x18: {  	s0 =	sld [smem:$0x3F9A];
	_ =	swait.ge [sflag:s4], $0x0  }
0x19: {  	s7 =	sld [smem:$0x3F9B]  }
0x1a: {  	s8 =	sadd.s32 $0xFFFFE003, lr  }
0x1b: {  	s9 =	sadd.s32 $0xFFFFFEF7, lr;
	s5 =	simm.s32 $0xFFFFFFFF;
	p2 =	slt.u32 s8, $0xFFFFF086  }
0x1c: {  	p1 =	slt.u32 s9, $0xF7A;
	s5 =	simm.s32 @!p2 $0x0  }
0x1d: {  	s5 =	simm.s32 @p1 $0x1;
	p0 =	seq.s32 s7, s2  }
0x1e: {  	s7 =	smul.u32 @!p0 $0xF7A, s2;
	p2 =	seq.s32 @!p0 s5, $0x0  }
0x1f: {  	s9 =	smul.u32 $0xF7A, s1;
	s8 =	simm.s32 @!p0 $0x1BF5;
	p2 =	por !p2, p0  }
0x20: {  	[sflag:s8] =	ssyncset.s32 @!p0 $0xFFFFF086;
	s6 =	sadd.s32 @!p0 s3, s7;
	s7 =	simm.s32 @!p0 $0x108  }
0x21: {  	s3 =	sadd.s32 s3, s9;
	s6 =	sadd.s32 @!p0 $0x88, s6;
	s7 =	simm.s32 @p2 $0x1082  }
0x22: {  	[simem:s7], [sflag:s8] =	dma.local @!p0 [hbm:s6], $0xF7A  }
0x23: {  	s9 =	sor.u32 $0xD0000000, s2;
	s6 =	simm.s32 $0x108;
	_ =	swait.ge @!p0 [sflag:s8], $0x0  }
0x24: {  	s3 =	sadd.s32 $0x88, s3;
	s6 =	simm.s32 @!p1 $0x1082;
	[sflag:s4] =	ssyncset.s32 $0xFFFFF086  }
0x25: {  	[simem:s6], [sflag:s4] =	dma.local [hbm:s3], $0xF7A  }
0x26: {  	[smem:$0x3F9B] =	sst s1;
	(tag) =	ssettag s2;
	_ =	strace s9  }
0x27: {  	s1 =	sld [smem:$0x3FAB]  }
0x28: {  	s2 =	sld [smem:$0x3FAC]  }
0x29: {  	s4 =	sld [smem:$0x3FAE]  }
0x2a: {  	p0 =	seq.s32 s5, $0x0;
	s5 =	sld [smem:$0x3FAF]  }
0x2b: {  	s6 =	sld [smem:$0x3FB0]  }
0x2c: {  	s7 =	sld [smem:$0x3FB1]  }
0x2d: {  	s3 =	simm.s32 $0x108;
	s8 =	sld [smem:$0x3FB2]  }
0x2e: {  	s3 =	simm.s32 @!p0 $0x1082;
	s9 =	sld [smem:$0x3FB3]  }
0x2f: {  	lr =	sadd.s32 s0, s3;
	s0 =	sld [smem:$0x3FAA]  }
0x30: {  	s3 =	sld [smem:$0x3FAD]  }
0x31: {  	[smem:$0x3FB6] =	sst s10  }
0x32: {  	s10 =	sld [smem:$0x3FB4];
	_ =	sdelay $0x3  }
0x33: {  	p0 =	seq.s32 s10, $0x1;
	s10 =	sld [smem:$0x3FB6];
	_ =	sdelay $0x3  }
0x34: {  	[smem:$0x3FB6] =	sst s10  }
0x35: {  	s10 =	sld [smem:$0x3FB5];
	_ =	sdelay $0x3  }
0x36: {  	p1 =	seq.s32 s10, $0x1;
	s10 =	sld [smem:$0x3FB6];
	_ =	sdelay $0x3  }
0x37: {  	[smem:$0x3FB6] =	sst s10  }
0x38: {  	s10 =	sld [smem:$0x3FB7]  }
0x39: {  	_ = 	snop;
	(pc) =	sbr.ind lr, $3  }
0x3a: {  	_ = 	snop  }
0x3b: {  	_ = 	snop  }
0x3c: {  	p2 =	seq.s32 s10, $0x1;
	s10 =	sld [smem:$0x3FB6]  }
0x3d: {  	_ =	shalt  }
0x3e: {  	_ =	shalt  }
0x3f: {  	_ =	shalt  }
0x40: {  	_ =	shalt  }
0x41: {  	_ =	shalt  }
0x42: {  	_ =	shalt  }
0x43: {  	_ =	shalt  }
0x44: {  	_ =	shalt  }
0x45: {  	_ =	shalt  }
0x46: {  	_ =	shalt  }
0x47: {  	_ =	shalt  }
0x48: {  	_ =	shalt  }
0x49: {  	_ =	shalt  }
0x4a: {  	_ =	shalt  }
0x4b: {  	_ =	shalt  }
0x4c: {  	_ =	shalt  }
0x4d: {  	_ =	shalt  }
0x4e: {  	_ =	shalt  }
0x4f: {  	_ =	shalt  }
0x50: {  	_ =	shalt  }
0x51: {  	_ =	shalt  }
0x52: {  	_ =	shalt  }
0x53: {  	_ =	shalt  }
0x54: {  	_ =	shalt  }
0x55: {  	_ =	shalt  }
0x56: {  	_ =	shalt  }
0x57: {  	_ =	shalt  }
0x58: {  	_ =	shalt  }
0x59: {  	_ =	shalt  }
0x5a: {  	_ =	shalt  }
0x5b: {  	_ =	shalt  }
0x5c: {  	_ =	shalt  }
0x5d: {  	_ =	shalt  }
0x5e: {  	_ =	shalt  }
0x5f: {  	_ =	shalt  }
0x60: {  	_ =	shalt  }
0x61: {  	_ =	shalt  }
0x62: {  	_ =	shalt  }
0x63: {  	_ =	shalt  }
0x64: {  	_ =	shalt  }
0x65: {  	_ =	shalt  }
0x66: {  	_ =	shalt  }
0x67: {  	_ =	shalt  }
0x68: {  	_ =	shalt  }
0x69: {  	_ =	shalt  }
0x6a: {  	_ =	shalt  }
0x6b: {  	_ =	shalt  }
0x6c: {  	_ =	shalt  }
0x6d: {  	_ =	shalt  }
0x6e: {  	_ =	shalt  }
0x6f: {  	_ =	shalt  }
0x70: {  	_ =	shalt  }
0x71: {  	_ =	shalt  }
0x72: {  	_ =	shalt  }
0x73: {  	_ =	shalt  }
0x74: {  	_ =	shalt  }
0x75: {  	_ =	shalt  }
0x76: {  	_ =	shalt  }
0x77: {  	_ =	shalt  }
0x78: {  	_ =	shalt  }
0x79: {  	_ =	shalt  }
0x7a: {  	_ =	shalt  }
0x7b: {  	_ =	shalt  }
0x7c: {  	_ =	shalt  }
0x7d: {  	_ =	shalt  }
0x7e: {  	_ =	shalt  }
0x7f: {  	_ =	shalt  }
0x80: {  	_ =	shalt  }
0x81: {  	_ =	shalt  }
0x82: {  	_ =	shalt  }
0x83: {  	_ =	shalt  }
0x84: {  	_ =	shalt  }
0x85: {  	_ =	shalt  }
0x86: {  	_ =	shalt  }
0x87: {  	_ =	shalt  }
.Lfunc_end0:
.L_simem_size_0:
called_computation_lowered:
.L_overlay_start_0:
0x88: {  	s0 =	sld [smem:$0x3FD9]  }
0x89: {  	s1 =	sld [smem:$0x3FFE];
	_ =	sdelay $0x3  }
0x8a: {  	s0 =	sadd.s32 s1, s0  }
0x8b: {  	[smem:$0x3FC2] =	sst s0  }
0x8c: {  	_ = 	snop  }
0x8d: {  	s0 =	sld [smem:$0x3FD0];
	(tm) =	ssettm $0x1  }
0x8e: {  	s16 =	sld [smem:$0x3FFB];
	_ =	sdelay $0x3  }
0x8f: {  	_ =	strace s16  }
0x90: {  	s1 =	sld [smem:$0x3FFC];
	_ =	sdelay $0x3  }
0x91: {  	_ =	strace s1  }
0x92: {  	s1 =	sld [smem:$0x3FFD];
	_ =	sdelay $0x3  }
0x93: {  	_ =	strace s1  }
0x94: {  	_ =	strace $0x8FFFFFFF  }
0x95: {  	s17 =	sld [smem:$0x3FDB];
	_ =	sdelay $0x1  }
0x96: {  	s2 =	simm.s32 $_scs_section_size  }
0x97: {  	s3 =	simm.s32 $_size__tile_overlayer_lowered;
	s4 =	simm.s32 $_tile_overlayer_lowered  }
0x98: {  	s20 =	simm.s32 $0x1BFF;
	s19 =	sshll.u32 s4, $0x1;
	s1 =	sadd.s32 s2, s17  }
0x99: {  	s5 =	simm.s32 $0x0;
	s18 =	sshll.u32 s3, $0x1;
	s3 =	sadd.s32 s19, s1  }
0x9a: {  	[timem:s5], [sflag:s20] =	dma.local [hbm:s3], s18  }
0x9b: {  	_ =	swait.ge [sflag:s20], s18  }
0x9c: {  	s2 =	ssub.s32 $0x0, s18;
	[sflag:s20] =	ssyncset.done $0x0  }
0x9d: {  	[sflag:s20] =	ssyncadd.s32 s2;
	_ =	sdelay $0x1  }
0x9e: {  	s21 =	simm.s32 $0x1B8B  }
0x9f: {  	_ =	swait.ge [sflag:s21], $0x1  }
0xa0: {  	[sflag:s21] =	ssyncset.done $0x0  }
0xa1: {  	s23 =	simm.s32 $0x1B8E;
	s22 =	sld [smem:$0x3FFE];
	[sflag:s21] =	ssyncadd.s32 $0xFFFFFFFF  }
0xa2: {  	s24 =	simm.s32 $execute0_lowered;
	[smem:$0x3FD2] =	sst s23  }
0xa3: {  	s3 =	sshll.u32 s24, $0x1;
	_ =	strace $0x80000046;
	[dreg:$0x1] =	wrdreg $0xFFFFFFFF  }
0xa4: {  	s25 =	simm.s32 $_size_execute0_lowered;
	s1 =	sadd.s32 s1, s3;
	[dreg:$0x0] =	wrdreg $0x0  }
0xa5: {  	s3 =	sshll.u32 s25, $0x1;
	[dreg:$0x2] =	wrdreg s1  }
0xa6: {  	[dreg:$0x3] =	wrdreg s3  }
0xa7: {  	[dreg:$0x4] =	wrdreg $0xC0  }
0xa8: {  	_ =	task [dreg:s5], $0x5FFFF  }
0xa9: {  	[dreg:$0x1] =	wrdreg $0xFFFFFFFF  }
0xaa: {  	[dreg:$0x0] =	wrdreg $0x60  }
0xab: {  	[dreg:$0x2] =	wrdreg s22  }
0xac: {  	[dreg:$0x3] =	wrdreg s0  }
0xad: {  	[dreg:$0x4] =	wrdreg $0x1C1000  }
0xae: {  	[dreg:$0x5] =	wrdreg $0x9  }
0xaf: {  	_ =	task.clear_ibuf [dreg:s5], $0x6FFFF;
	_ =	strace $0x90000046  }
0xb0: {  	s26 =	simm.s32 $0x9;
	_ =	strace $0x80000048  }
0xb1: {  	_ =	swait.ge [sflag:s26], $0x1  }
0xb2: {  	[sflag:s26] =	ssyncadd.s32 $0xFFFFFFFF  }
0xb3: {  	_ =	strace $0x90000048  }
0xb4: {  	_ =	sfence  }
0xb5: {  	s28 =	sld [smem:$0x0];
	_ =	sdelay $0x1  }
0xb6: {  	s29 =	srdreg.scid  }
0xb7: {  	s30 =	sshll.u32 s29, $0xD;
	s31 =	sshrl.u32 s29, $0x2  }
0xb8: {  	s2 =	sand.u32 $0x4000, s30;
	s1 =	sand.u32 $0x1, s29;
	s0 =	sadd.s32 s31, s28  }
0xb9: {  	s1 =	sor.u32 s2, s1;
	s0 =	sshll.u32 s0, $0x11  }
0xba: {  	s0 =	sor.u32 s0, s1  }
0xbb: {  	s0 =	sadd.s32 $0x8F2B, s0  }
0xbc: {  	[sflag:s0] =	ssyncadd.remote.s32 $0x1  }
0xbd: {  	_ =	sfence.sel $0xFFFF  }
0xbe: {  	[dreg:$0x0] =	wrdreg $0xFFFFFFFF;
	(pc) =	sbr.abs _section_cstart, $3  }
0xbf: {  	[dreg:$0x1] =	wrdreg $0xFFFFFFFF  }
0xc0: {  	_ =	task.clear_ibuf [dreg:s5], $0x2FFFF;
	_ =	strace $0x9FFFFFFF  }
0xc1: {  	(tm) =	ssettm $0x7FFFFFFF  }
tec
execute0_lowered:
.L_overlay_start_1:
0x0: {  	(tag) =	ssettag $0x1  }
0x1: {  	s2 =	rddreg [dreg:$0x0]  }
0x2: {  	s1 =	rddreg [dreg:$0x1]  }
0x3: {  	s3 =	rddreg [dreg:$0x2]  }
0x4: {  	s0 =	rddreg [dreg:$0x3];
	s5 =	simm.s32 $0x0;
	s4 =	stileid.u32  }
0x5: {  	[smem:$0x7FF] =	sst s5;
	s5 =	sshll.u32 s4, $0xC  }
0x6: {  	s8 =	simm.s32 $0x0;
	_ =	strace $0x80000047;
	s6 =	sadd.s32 s5, s2  }
0x7: {  	v0 =	vimm.s32 $0x0;
	s2 =	sadd.s32 $0x11C00, s2;
	s7 =	sadd.s32 $0x1C00, s6;
	s6 =	simm.s32 $0x40  }
.LBB2_1:
0x8: {  	p0 =	sne.s32 s6, $0x3FFC0;
	[tilespmem:s8+$0x8000] =	vst v0;
	s8 =	smov.u32 s6;
	s6 =	sadd.s32 $0x40, s6  }
.Ltmp0:
0x9: {  	(pc) =	sbr.rel @p0 .LBB2_1-.Ltmp0, $2  }
0xa: {  	_ =	sdelay $0x2  }
0xb: {  	s8 =	sshra.s32 s8, $0x2  }
0xc: {  	[tilespmem:s8+$0x8000] =	vst v0;
	s6 =	simm.s32 $0x0;
	s31 =	simm.s32 $0x1  }
0xd: {  	[tilespmem:s6], [sflag:$0x1] =	stream.linear.gather [hbm4b:s7+s6], $0x8000, $0x38;
	[tilespmem:$0x1D100] =	vst v63  }
0xe: {  	_ =	swait.ge [sflag:s31], $0x8000  }
0xf: {  	v0 =	vlaneseq.u32;
	[sflag:s31] =	ssyncset.done $0x0  }
0x10: {  	v1 =	vimm.s32 $0x1;
	v0 =	vmul.u32 $0x1000, v0;
	s7 =	simm.s32 $0x0;
	[sflag:s31] =	ssyncadd.s32 $0xFFFF8000  }
.LBB2_3:
0x11: {  	s8 =	sshra.s32 s7, $0x2  }
0x12: {  	v2 =	vld [tilespmem:s8+$0x0];
	_ =	sdelay $0x4  }
0x13: {  	v2 =	vmul.f32 $1.280000000e+02, v2;
	_ =	sdelay $0x1  }
0x14: {  	v2 =	vtrunc.f32 v2  }
0x15: {  	v2 =	vcvt.f32.s32 v2;
	_ =	sdelay $0x1  }
0x16: {  	v2 =	vadd.s32 $0xFFF, v2  }
0x17: {  	vm0 =	vgt.s32 v2, $0x0  }
0x18: {  	v2 =	vnsel vm0, $0x0, v2  }
0x19: {  	v2 =	vmin.u32 v2, $0xFFF  }
0x1a: {  	p0 =	sne.s32 s7, $0x1FFC0;
	v2 =	vor.u32 v0, v2  }
.Ltmp1:
0x1b: {  	_ = 	snop;
	(pc) =	sbr.rel @p0 .LBB2_3-.Ltmp1, $3  }
0x1c: {  	_ =	sdelay $0x1  }
0x1d: {  	s8 =	simm.s32 $0x8000  }
0x1e: {  	s7 =	sadd.s32 $0x40, s7;
	[tilespmem:v2+s8+$0x0] =	vst.idx.add.s32.msk $0xffff, v1  }
0x1f: {  	s6 =	sand.u32 $0xFF0, s6;
	v1 =	vld [tilespmem:s8+$0x0]  }
0x20: {  	v0 =	vld [tilespmem:s6+$0x9000]  }
0x21: {  	v2 =	vld [tilespmem:s6+$0xA000]  }
0x22: {  	v3 =	vld [tilespmem:s6+$0xB000]  }
0x23: {  	v4 =	vld [tilespmem:s6+$0xC000]  }
0x24: {  	v5 =	vld [tilespmem:s6+$0xD000]  }
0x25: {  	v0 =	vadd.s32 v1, v0;
	v1 =	vld [tilespmem:s6+$0xE000]  }
0x26: {  	v0 =	vadd.s32 v2, v0;
	v2 =	vld [tilespmem:s6+$0xF000]  }
0x27: {  	v0 =	vadd.s32 v3, v0;
	v3 =	vld [tilespmem:s6+$0x10000]  }
0x28: {  	v60 =	vld [tilespmem:s6+$0x11000];
	v0 =	vadd.s32 v4, v0  }
0x29: {  	v61 =	vld [tilespmem:s6+$0x12000];
	v0 =	vadd.s32 v5, v0  }
0x2a: {  	v0 =	vadd.s32 v1, v0;
	v1 =	vld [tilespmem:s6+$0x13000]  }
0x2b: {  	v0 =	vadd.s32 v2, v0;
	v2 =	vld [tilespmem:s6+$0x14000]  }
0x2c: {  	v0 =	vadd.s32 v3, v0;
	v3 =	vld [tilespmem:s6+$0x15000]  }
0x2d: {  	v62 =	vld [tilespmem:s6+$0x16000];
	v0 =	vadd.s32 v60, v0  }
0x2e: {  	v63 =	vld [tilespmem:s6+$0x17000];
	v0 =	vadd.s32 v61, v0  }
0x2f: {  	v0 =	vadd.s32 v1, v0  }
0x30: {  	v0 =	vadd.s32 v2, v0  }
0x31: {  	v0 =	vadd.s32 v3, v0  }
0x32: {  	v0 =	vadd.s32 v62, v0  }
0x33: {  	s7 =	simm.s32 $0x10;
	s6 =	simm.s32 $0x18000;
	v0 =	vadd.s32 v63, v0  }
0x34: {  	s7 =	sand.u32 $0xFF0, s7;
	[tilespmem:s6+$0x0] =	vst v0  }
0x35: {  	s9 =	simm.s32 $0x20;
	s8 =	simm.s32 $0x8010;
	v0 =	vld [tilespmem:s7+$0x9000]  }
.LBB2_5:
0x36: {  	p0 =	sne.s32 s9, $0xFF0;
	v1 =	vld [tilespmem:s8+$0x0]  }
0x37: {  	v2 =	vld [tilespmem:s7+$0xA000]  }
0x38: {  	v3 =	vld [tilespmem:s7+$0xB000]  }
0x39: {  	v4 =	vld [tilespmem:s7+$0xC000]  }
0x3a: {  	v5 =	vld [tilespmem:s7+$0xD000]  }
0x3b: {  	v0 =	vadd.s32 v1, v0;
	v1 =	vld [tilespmem:s7+$0xE000]  }
0x3c: {  	v0 =	vadd.s32 v2, v0;
	v2 =	vld [tilespmem:s7+$0xF000]  }
0x3d: {  	v0 =	vadd.s32 v3, v0;
	v3 =	vld [tilespmem:s7+$0x10000]  }
0x3e: {  	v0 =	vadd.s32 v4, v0;
	v4 =	vld [tilespmem:s7+$0x11000]  }
0x3f: {  	v0 =	vadd.s32 v5, v0;
	v5 =	vld [tilespmem:s7+$0x12000]  }
0x40: {  	v0 =	vadd.s32 v1, v0;
	v1 =	vld [tilespmem:s7+$0x13000]  }
0x41: {  	v0 =	vadd.s32 v2, v0;
	v2 =	vld [tilespmem:s7+$0x14000]  }
0x42: {  	v0 =	vadd.s32 v3, v0;
	v3 =	vld [tilespmem:s7+$0x15000]  }
0x43: {  	v0 =	vadd.s32 v4, v0;
	v4 =	vld [tilespmem:s7+$0x16000]  }
0x44: {  	v0 =	vadd.s32 v5, v0;
	v5 =	vld [tilespmem:s7+$0x17000]  }
0x45: {  	v0 =	vadd.s32 v1, v0  }
0x46: {  	v0 =	vadd.s32 v2, v0  }
.Ltmp2:
0x47: {  	v0 =	vadd.s32 v3, v0;
	(pc) =	sbr.rel @p0 .LBB2_5-.Ltmp2, $4  }
0x48: {  	v0 =	vadd.s32 v4, v0  }
0x49: {  	s6 =	sadd.s32 $0x10, s6;
	v0 =	vadd.s32 v5, v0  }
0x4a: {  	s7 =	sand.u32 $0xFF0, s9;
	[tilespmem:s6+$0x0] =	vst v0  }
0x4b: {  	s8 =	sadd.s32 $0x10, s8;
	s9 =	sadd.s32 $0x10, s9;
	v0 =	vld [tilespmem:s7+$0x9000]  }
0x4c: {  	v1 =	vld [tilespmem:s8+$0x0]  }
0x4d: {  	v2 =	vld [tilespmem:s7+$0xA000]  }
0x4e: {  	v3 =	vld [tilespmem:s7+$0xB000]  }
0x4f: {  	v4 =	vld [tilespmem:s7+$0xC000]  }
0x50: {  	v5 =	vld [tilespmem:s7+$0xD000]  }
0x51: {  	v54 =	vld [tilespmem:s7+$0xE000];
	v0 =	vadd.s32 v1, v0  }
0x52: {  	v55 =	vld [tilespmem:s7+$0xF000];
	v0 =	vadd.s32 v2, v0  }
0x53: {  	v56 =	vld [tilespmem:s7+$0x10000];
	v0 =	vadd.s32 v3, v0  }
0x54: {  	v57 =	vld [tilespmem:s7+$0x11000];
	v0 =	vadd.s32 v4, v0  }
0x55: {  	v58 =	vld [tilespmem:s7+$0x12000];
	v0 =	vadd.s32 v5, v0  }
0x56: {  	v59 =	vld [tilespmem:s7+$0x13000];
	v0 =	vadd.s32 v54, v0  }
0x57: {  	v60 =	vld [tilespmem:s7+$0x14000];
	v0 =	vadd.s32 v55, v0  }
0x58: {  	v61 =	vld [tilespmem:s7+$0x15000];
	v0 =	vadd.s32 v56, v0  }
0x59: {  	v62 =	vld [tilespmem:s7+$0x16000];
	v0 =	vadd.s32 v57, v0  }
0x5a: {  	v63 =	vld [tilespmem:s7+$0x17000];
	v0 =	vadd.s32 v58, v0  }
0x5b: {  	v0 =	vadd.s32 v59, v0  }
0x5c: {  	v0 =	vadd.s32 v60, v0  }
0x5d: {  	s5 =	sand.u32 $0x8000, s5;
	v0 =	vadd.s32 v61, v0  }
0x5e: {  	s30 =	sshll.u32 s4, $0x7;
	s6 =	sadd.s32 $0x10, s6;
	s31 =	simm.s32 $0x18000;
	v0 =	vadd.s32 v62, v0  }
0x5f: {  	s17 =	simm.s32 $0x1;
	s7 =	sand.u32 $0x380, s30;
	s5 =	sadd.s32 s5, s3;
	v0 =	vadd.s32 v63, v0  }
0x60: {  	s7 =	sadd.s32 s7, s5;
	s5 =	simm.s32 $0x80;
	[tilespmem:s6+$0x0] =	vst v0;
	s6 =	simm.s32 $0x400  }
0x61: {  	[spmem:s7] =	stream.strided.scatter [tilespmem:s31], [sflag:$0x1], $0x1000, s6, s5, $0x38;
	[tilespmem:$0x1D100] =	vst v63  }
0x62: {  	_ =	swait.ge [sflag:s17], $0x1000  }
0x63: {  	[sflag:s17] =	ssyncset.done $0x0  }
0x64: {  	[sflag:s17] =	ssyncadd.s32 $0xFFFFF000  }
0x65: {  	p0 =	sne.s32 s4, $0x0;
	[bflag:$0x0] =	sbarrier.arrive $0xFFFF  }
0x66: {  	_ =	sfence.sel @p0 $0x180000  }
0x67: {  	[bflag:$0x0] =	sbarrier.arrive @p0 $0xFFFF  }
0x68: {  	_ =	strace @p0 $0x90000047  }
0x69: {  	[bflag:$0x2] =	sbarrier.arrive @p0 $0xFFFF  }
0x6a: {  	_ =	shalt @p0  }
.LBB2_7:
0x6b: {  	s16 =	sadd.s32 $0x100, s3  }
0x6c: {  	s15 =	sadd.s32 $0x180, s3;
	s14 =	sadd.s32 $0x200, s3;
	s4 =	simm.s32 $0x19000  }
0x6d: {  	[tilespmem:s4], [sflag:$0x1] =	stream.strided.gather [spmem:s3], $0x1000, s6, s5, $0x38;
	[tilespmem:$0x1D100] =	vst v63  }
0x6e: {  	s13 =	sadd.s32 $0x280, s3;
	s12 =	sadd.s32 $0x300, s3;
	_ =	swait.ge [sflag:s17], $0x1000  }
0x6f: {  	s11 =	sadd.s32 $0x380, s3;
	s10 =	sadd.s32 $0x8000, s3;
	[sflag:s17] =	ssyncset.done $0x0  }
0x70: {  	s31 =	sadd.s32 $0x80, s3;
	s7 =	simm.s32 $0x1B000;
	[sflag:s17] =	ssyncadd.s32 $0xFFFFF000  }
0x71: {  	[tilespmem:s7], [sflag:$0x1] =	stream.strided.gather [spmem:s31], $0x1000, s6, s5, $0x38;
	[tilespmem:$0x1D100] =	vst v63  }
0x72: {  	s9 =	sadd.s32 $0x8080, s3;
	s8 =	sadd.s32 $0x8100, s3;
	_ =	swait.ge [sflag:s17], $0x1000  }
0x73: {  	s18 =	simm.s32 $0x40;
	s4 =	sadd.s32 $0x8300, s3;
	[sflag:s17] =	ssyncset.done $0x0  }
0x74: {  	s7 =	sadd.s32 $0x8180, s3;
	[sflag:s17] =	ssyncadd.s32 $0xFFFFF000;
	s17 =	simm.s32 $0x0  }
0x75: {  	s6 =	sadd.s32 $0x8200, s3;
	s5 =	sadd.s32 $0x8280, s3;
	s3 =	sadd.s32 $0x8380, s3;
	v0 =	vld [tilespmem:s17+$0x1B000]  }
.LBB2_8:
0x76: {  	p0 =	sne.s32 s18, $0x3FC0;
	v1 =	vld [tilespmem:s17+$0x19000];
	_ =	sdelay $0x1  }
.Ltmp3:
0x77: {  	(pc) =	sbr.rel @p0 .LBB2_8-.Ltmp3, $3  }
0x78: {  	_ =	sdelay $0x1  }
0x79: {  	s19 =	sshra.s32 s18, $0x2;
	v1 =	vadd.s32 v1, v0  }
0x7a: {  	s18 =	sadd.s32 $0x40, s18;
	v0 =	vld [tilespmem:s19+$0x1B000];
	[tilespmem:s17+$0x19000] =	vst v1;
	s17 =	smov.u32 s19  }
0x7b: {  	v1 =	vld [tilespmem:s17+$0x19000];
	_ =	sdelay $0x4  }
0x7c: {  	s30 =	simm.s32 $0x80;
	v0 =	vadd.s32 v1, v0  }
0x7d: {  	s18 =	simm.s32 $0x400;
	s19 =	simm.s32 $0x1B000;
	s31 =	simm.s32 $0x1;
	[tilespmem:s17+$0x19000] =	vst v0  }
0x7e: {  	[tilespmem:s19], [sflag:$0x1] =	stream.strided.gather [spmem:s16], $0x1000, s18, s30, $0x38;
	[tilespmem:$0x1D100] =	vst v63  }
0x7f: {  	_ =	swait.ge [sflag:s31], $0x1000  }
0x80: {  	[sflag:s31] =	ssyncset.done $0x0  }
0x81: {  	s16 =	simm.s32 $0x0;
	[sflag:s31] =	ssyncadd.s32 $0xFFFFF000  }
0x82: {  	s17 =	simm.s32 $0x40;
	v0 =	vld [tilespmem:s16+$0x1B000]  }
.LBB2_10:
0x83: {  	p0 =	sne.s32 s17, $0x3FC0;
	v1 =	vld [tilespmem:s16+$0x19000];
	_ =	sdelay $0x1  }
.Ltmp4:
0x84: {  	(pc) =	sbr.rel @p0 .LBB2_10-.Ltmp4, $3  }
0x85: {  	_ =	sdelay $0x1  }
0x86: {  	s18 =	sshra.s32 s17, $0x2;
	v1 =	vadd.s32 v1, v0  }
0x87: {  	s17 =	sadd.s32 $0x40, s17;
	v0 =	vld [tilespmem:s18+$0x1B000];
	[tilespmem:s16+$0x19000] =	vst v1;
	s16 =	smov.u32 s18  }
0x88: {  	v1 =	vld [tilespmem:s16+$0x19000];
	_ =	sdelay $0x4  }
0x89: {  	s30 =	simm.s32 $0x80;
	v0 =	vadd.s32 v1, v0  }
0x8a: {  	s17 =	simm.s32 $0x400;
	s18 =	simm.s32 $0x1B000;
	s31 =	simm.s32 $0x1;
	[tilespmem:s16+$0x19000] =	vst v0  }
0x8b: {  	[tilespmem:s18], [sflag:$0x1] =	stream.strided.gather [spmem:s15], $0x1000, s17, s30, $0x38;
	[tilespmem:$0x1D100] =	vst v63  }
0x8c: {  	_ =	swait.ge [sflag:s31], $0x1000  }
0x8d: {  	[sflag:s31] =	ssyncset.done $0x0  }
0x8e: {  	s15 =	simm.s32 $0x0;
	[sflag:s31] =	ssyncadd.s32 $0xFFFFF000  }
0x8f: {  	s16 =	simm.s32 $0x40;
	v0 =	vld [tilespmem:s15+$0x1B000]  }
.LBB2_12:
0x90: {  	p0 =	sne.s32 s16, $0x3FC0;
	v1 =	vld [tilespmem:s15+$0x19000];
	_ =	sdelay $0x1  }
.Ltmp5:
0x91: {  	(pc) =	sbr.rel @p0 .LBB2_12-.Ltmp5, $3  }
0x92: {  	_ =	sdelay $0x1  }
0x93: {  	s17 =	sshra.s32 s16, $0x2;
	v1 =	vadd.s32 v1, v0  }
0x94: {  	s16 =	sadd.s32 $0x40, s16;
	v0 =	vld [tilespmem:s17+$0x1B000];
	[tilespmem:s15+$0x19000] =	vst v1;
	s15 =	smov.u32 s17  }
0x95: {  	v1 =	vld [tilespmem:s15+$0x19000];
	_ =	sdelay $0x4  }
0x96: {  	s30 =	simm.s32 $0x80;
	v0 =	vadd.s32 v1, v0  }
0x97: {  	s16 =	simm.s32 $0x400;
	s17 =	simm.s32 $0x1B000;
	s31 =	simm.s32 $0x1;
	[tilespmem:s15+$0x19000] =	vst v0  }
0x98: {  	[tilespmem:s17], [sflag:$0x1] =	stream.strided.gather [spmem:s14], $0x1000, s16, s30, $0x38;
	[tilespmem:$0x1D100] =	vst v63  }
0x99: {  	_ =	swait.ge [sflag:s31], $0x1000  }
0x9a: {  	[sflag:s31] =	ssyncset.done $0x0  }
0x9b: {  	s14 =	simm.s32 $0x0;
	[sflag:s31] =	ssyncadd.s32 $0xFFFFF000  }
0x9c: {  	s15 =	simm.s32 $0x40;
	v0 =	vld [tilespmem:s14+$0x1B000]  }
.LBB2_14:
0x9d: {  	p0 =	sne.s32 s15, $0x3FC0;
	v1 =	vld [tilespmem:s14+$0x19000];
	_ =	sdelay $0x1  }
.Ltmp6:
0x9e: {  	(pc) =	sbr.rel @p0 .LBB2_14-.Ltmp6, $3  }
0x9f: {  	_ =	sdelay $0x1  }
0xa0: {  	s16 =	sshra.s32 s15, $0x2;
	v1 =	vadd.s32 v1, v0  }
0xa1: {  	s15 =	sadd.s32 $0x40, s15;
	v0 =	vld [tilespmem:s16+$0x1B000];
	[tilespmem:s14+$0x19000] =	vst v1;
	s14 =	smov.u32 s16  }
0xa2: {  	v1 =	vld [tilespmem:s14+$0x19000];
	_ =	sdelay $0x4  }
0xa3: {  	s30 =	simm.s32 $0x80;
	v0 =	vadd.s32 v1, v0  }
0xa4: {  	s15 =	simm.s32 $0x400;
	s16 =	simm.s32 $0x1B000;
	s31 =	simm.s32 $0x1;
	[tilespmem:s14+$0x19000] =	vst v0  }
0xa5: {  	[tilespmem:s16], [sflag:$0x1] =	stream.strided.gather [spmem:s13], $0x1000, s15, s30, $0x38;
	[tilespmem:$0x1D100] =	vst v63  }
0xa6: {  	_ =	swait.ge [sflag:s31], $0x1000  }
0xa7: {  	[sflag:s31] =	ssyncset.done $0x0  }
0xa8: {  	s13 =	simm.s32 $0x0;
	[sflag:s31] =	ssyncadd.s32 $0xFFFFF000  }
0xa9: {  	s14 =	simm.s32 $0x40;
	v0 =	vld [tilespmem:s13+$0x1B000]  }
.LBB2_16:
0xaa: {  	p0 =	sne.s32 s14, $0x3FC0;
	v1 =	vld [tilespmem:s13+$0x19000];
	_ =	sdelay $0x1  }
.Ltmp7:
0xab: {  	(pc) =	sbr.rel @p0 .LBB2_16-.Ltmp7, $3  }
0xac: {  	_ =	sdelay $0x1  }
0xad: {  	s15 =	sshra.s32 s14, $0x2;
	v1 =	vadd.s32 v1, v0  }
0xae: {  	s14 =	sadd.s32 $0x40, s14;
	v0 =	vld [tilespmem:s15+$0x1B000];
	[tilespmem:s13+$0x19000] =	vst v1;
	s13 =	smov.u32 s15  }
0xaf: {  	v1 =	vld [tilespmem:s13+$0x19000];
	_ =	sdelay $0x4  }
0xb0: {  	s30 =	simm.s32 $0x80;
	v0 =	vadd.s32 v1, v0  }
0xb1: {  	s14 =	simm.s32 $0x400;
	s15 =	simm.s32 $0x1B000;
	s31 =	simm.s32 $0x1;
	[tilespmem:s13+$0x19000] =	vst v0  }
0xb2: {  	[tilespmem:s15], [sflag:$0x1] =	stream.strided.gather [spmem:s12], $0x1000, s14, s30, $0x38;
	[tilespmem:$0x1D100] =	vst v63  }
0xb3: {  	_ =	swait.ge [sflag:s31], $0x1000  }
0xb4: {  	[sflag:s31] =	ssyncset.done $0x0  }
0xb5: {  	s12 =	simm.s32 $0x0;
	[sflag:s31] =	ssyncadd.s32 $0xFFFFF000  }
0xb6: {  	s13 =	simm.s32 $0x40;
	v0 =	vld [tilespmem:s12+$0x1B000]  }
.LBB2_18:
0xb7: {  	p0 =	sne.s32 s13, $0x3FC0;
	v1 =	vld [tilespmem:s12+$0x19000];
	_ =	sdelay $0x1  }
.Ltmp8:
0xb8: {  	(pc) =	sbr.rel @p0 .LBB2_18-.Ltmp8, $3  }
0xb9: {  	_ =	sdelay $0x1  }
0xba: {  	s14 =	sshra.s32 s13, $0x2;
	v1 =	vadd.s32 v1, v0  }
0xbb: {  	s13 =	sadd.s32 $0x40, s13;
	v0 =	vld [tilespmem:s14+$0x1B000];
	[tilespmem:s12+$0x19000] =	vst v1;
	s12 =	smov.u32 s14  }
0xbc: {  	v1 =	vld [tilespmem:s12+$0x19000];
	_ =	sdelay $0x4  }
0xbd: {  	s30 =	simm.s32 $0x80;
	v0 =	vadd.s32 v1, v0  }
0xbe: {  	s13 =	simm.s32 $0x400;
	s14 =	simm.s32 $0x1B000;
	s31 =	simm.s32 $0x1;
	[tilespmem:s12+$0x19000] =	vst v0  }
0xbf: {  	[tilespmem:s14], [sflag:$0x1] =	stream.strided.gather [spmem:s11], $0x1000, s13, s30, $0x38;
	[tilespmem:$0x1D100] =	vst v63  }
0xc0: {  	_ =	swait.ge [sflag:s31], $0x1000  }
0xc1: {  	[sflag:s31] =	ssyncset.done $0x0  }
0xc2: {  	s11 =	simm.s32 $0x0;
	[sflag:s31] =	ssyncadd.s32 $0xFFFFF000  }
0xc3: {  	s12 =	simm.s32 $0x40;
	v0 =	vld [tilespmem:s11+$0x1B000]  }
.LBB2_20:
0xc4: {  	p0 =	sne.s32 s12, $0x3FC0;
	v1 =	vld [tilespmem:s11+$0x19000];
	_ =	sdelay $0x1  }
.Ltmp9:
0xc5: {  	(pc) =	sbr.rel @p0 .LBB2_20-.Ltmp9, $3  }
0xc6: {  	_ =	sdelay $0x1  }
0xc7: {  	s13 =	sshra.s32 s12, $0x2;
	v1 =	vadd.s32 v1, v0  }
0xc8: {  	s12 =	sadd.s32 $0x40, s12;
	v0 =	vld [tilespmem:s13+$0x1B000];
	[tilespmem:s11+$0x19000] =	vst v1;
	s11 =	smov.u32 s13  }
0xc9: {  	v1 =	vld [tilespmem:s11+$0x19000];
	_ =	sdelay $0x4  }
0xca: {  	s30 =	simm.s32 $0x80;
	v0 =	vadd.s32 v1, v0  }
0xcb: {  	s12 =	simm.s32 $0x400;
	s13 =	simm.s32 $0x1B000;
	s31 =	simm.s32 $0x1;
	[tilespmem:s11+$0x19000] =	vst v0  }
0xcc: {  	[tilespmem:s13], [sflag:$0x1] =	stream.strided.gather [spmem:s10], $0x1000, s12, s30, $0x38;
	[tilespmem:$0x1D100] =	vst v63  }
0xcd: {  	_ =	swait.ge [sflag:s31], $0x1000  }
0xce: {  	[sflag:s31] =	ssyncset.done $0x0  }
0xcf: {  	s10 =	simm.s32 $0x0;
	[sflag:s31] =	ssyncadd.s32 $0xFFFFF000  }
0xd0: {  	s11 =	simm.s32 $0x40;
	v0 =	vld [tilespmem:s10+$0x1B000]  }
.LBB2_22:
0xd1: {  	p0 =	sne.s32 s11, $0x3FC0;
	v1 =	vld [tilespmem:s10+$0x19000];
	_ =	sdelay $0x1  }
.Ltmp10:
0xd2: {  	(pc) =	sbr.rel @p0 .LBB2_22-.Ltmp10, $3  }
0xd3: {  	_ =	sdelay $0x1  }
0xd4: {  	s12 =	sshra.s32 s11, $0x2;
	v1 =	vadd.s32 v1, v0  }
0xd5: {  	s11 =	sadd.s32 $0x40, s11;
	v0 =	vld [tilespmem:s12+$0x1B000];
	[tilespmem:s10+$0x19000] =	vst v1;
	s10 =	smov.u32 s12  }
0xd6: {  	v1 =	vld [tilespmem:s10+$0x19000];
	_ =	sdelay $0x4  }
0xd7: {  	s30 =	simm.s32 $0x80;
	v0 =	vadd.s32 v1, v0  }
0xd8: {  	s11 =	simm.s32 $0x400;
	s12 =	simm.s32 $0x1B000;
	s31 =	simm.s32 $0x1;
	[tilespmem:s10+$0x19000] =	vst v0  }
0xd9: {  	[tilespmem:s12], [sflag:$0x1] =	stream.strided.gather [spmem:s9], $0x1000, s11, s30, $0x38;
	[tilespmem:$0x1D100] =	vst v63  }
0xda: {  	_ =	swait.ge [sflag:s31], $0x1000  }
0xdb: {  	[sflag:s31] =	ssyncset.done $0x0  }
0xdc: {  	s9 =	simm.s32 $0x0;
	[sflag:s31] =	ssyncadd.s32 $0xFFFFF000  }
0xdd: {  	s10 =	simm.s32 $0x40;
	v0 =	vld [tilespmem:s9+$0x1B000]  }
.LBB2_24:
0xde: {  	p0 =	sne.s32 s10, $0x3FC0;
	v1 =	vld [tilespmem:s9+$0x19000];
	_ =	sdelay $0x1  }
.Ltmp11:
0xdf: {  	(pc) =	sbr.rel @p0 .LBB2_24-.Ltmp11, $3  }
0xe0: {  	_ =	sdelay $0x1  }
0xe1: {  	s11 =	sshra.s32 s10, $0x2;
	v1 =	vadd.s32 v1, v0  }
0xe2: {  	s10 =	sadd.s32 $0x40, s10;
	v0 =	vld [tilespmem:s11+$0x1B000];
	[tilespmem:s9+$0x19000] =	vst v1;
	s9 =	smov.u32 s11  }
0xe3: {  	v1 =	vld [tilespmem:s9+$0x19000];
	_ =	sdelay $0x4  }
0xe4: {  	s30 =	simm.s32 $0x80;
	v0 =	vadd.s32 v1, v0  }
0xe5: {  	s10 =	simm.s32 $0x400;
	s11 =	simm.s32 $0x1B000;
	s31 =	simm.s32 $0x1;
	[tilespmem:s9+$0x19000] =	vst v0  }
0xe6: {  	[tilespmem:s11], [sflag:$0x1] =	stream.strided.gather [spmem:s8], $0x1000, s10, s30, $0x38;
	[tilespmem:$0x1D100] =	vst v63  }
0xe7: {  	_ =	swait.ge [sflag:s31], $0x1000  }
0xe8: {  	[sflag:s31] =	ssyncset.done $0x0  }
0xe9: {  	s8 =	simm.s32 $0x0;
	[sflag:s31] =	ssyncadd.s32 $0xFFFFF000  }
0xea: {  	s9 =	simm.s32 $0x40;
	v0 =	vld [tilespmem:s8+$0x1B000]  }
.LBB2_26:
0xeb: {  	p0 =	sne.s32 s9, $0x3FC0;
	v1 =	vld [tilespmem:s8+$0x19000];
	_ =	sdelay $0x1  }
.Ltmp12:
0xec: {  	(pc) =	sbr.rel @p0 .LBB2_26-.Ltmp12, $3  }
0xed: {  	_ =	sdelay $0x1  }
0xee: {  	s10 =	sshra.s32 s9, $0x2;
	v1 =	vadd.s32 v1, v0  }
0xef: {  	s9 =	sadd.s32 $0x40, s9;
	v0 =	vld [tilespmem:s10+$0x1B000];
	[tilespmem:s8+$0x19000] =	vst v1;
	s8 =	smov.u32 s10  }
0xf0: {  	v1 =	vld [tilespmem:s8+$0x19000];
	_ =	sdelay $0x4  }
0xf1: {  	s30 =	simm.s32 $0x80;
	v0 =	vadd.s32 v1, v0  }
0xf2: {  	s9 =	simm.s32 $0x400;
	s10 =	simm.s32 $0x1B000;
	s31 =	simm.s32 $0x1;
	[tilespmem:s8+$0x19000] =	vst v0  }
0xf3: {  	[tilespmem:s10], [sflag:$0x1] =	stream.strided.gather [spmem:s7], $0x1000, s9, s30, $0x38;
	[tilespmem:$0x1D100] =	vst v63  }
0xf4: {  	_ =	swait.ge [sflag:s31], $0x1000  }
0xf5: {  	[sflag:s31] =	ssyncset.done $0x0  }
0xf6: {  	s7 =	simm.s32 $0x0;
	[sflag:s31] =	ssyncadd.s32 $0xFFFFF000  }
0xf7: {  	s8 =	simm.s32 $0x40;
	v0 =	vld [tilespmem:s7+$0x1B000]  }
.LBB2_28:
0xf8: {  	p0 =	sne.s32 s8, $0x3FC0;
	v1 =	vld [tilespmem:s7+$0x19000];
	_ =	sdelay $0x1  }
.Ltmp13:
0xf9: {  	(pc) =	sbr.rel @p0 .LBB2_28-.Ltmp13, $3  }
0xfa: {  	_ =	sdelay $0x1  }
0xfb: {  	s9 =	sshra.s32 s8, $0x2;
	v1 =	vadd.s32 v1, v0  }
0xfc: {  	s8 =	sadd.s32 $0x40, s8;
	v0 =	vld [tilespmem:s9+$0x1B000];
	[tilespmem:s7+$0x19000] =	vst v1;
	s7 =	smov.u32 s9  }
0xfd: {  	v1 =	vld [tilespmem:s7+$0x19000];
	_ =	sdelay $0x4  }
0xfe: {  	s30 =	simm.s32 $0x80;
	v0 =	vadd.s32 v1, v0  }
0xff: {  	s8 =	simm.s32 $0x400;
	s9 =	simm.s32 $0x1B000;
	s31 =	simm.s32 $0x1;
	[tilespmem:s7+$0x19000] =	vst v0  }
0x100: {  	[tilespmem:s9], [sflag:$0x1] =	stream.strided.gather [spmem:s6], $0x1000, s8, s30, $0x38;
	[tilespmem:$0x1D100] =	vst v63  }
0x101: {  	_ =	swait.ge [sflag:s31], $0x1000  }
0x102: {  	[sflag:s31] =	ssyncset.done $0x0  }
0x103: {  	s6 =	simm.s32 $0x0;
	[sflag:s31] =	ssyncadd.s32 $0xFFFFF000  }
0x104: {  	s7 =	simm.s32 $0x40;
	v0 =	vld [tilespmem:s6+$0x1B000]  }
.LBB2_30:
0x105: {  	p0 =	sne.s32 s7, $0x3FC0;
	v1 =	vld [tilespmem:s6+$0x19000];
	_ =	sdelay $0x1  }
.Ltmp14:
0x106: {  	(pc) =	sbr.rel @p0 .LBB2_30-.Ltmp14, $3  }
0x107: {  	_ =	sdelay $0x1  }
0x108: {  	s8 =	sshra.s32 s7, $0x2;
	v1 =	vadd.s32 v1, v0  }
0x109: {  	s7 =	sadd.s32 $0x40, s7;
	v0 =	vld [tilespmem:s8+$0x1B000];
	[tilespmem:s6+$0x19000] =	vst v1;
	s6 =	smov.u32 s8  }
0x10a: {  	v1 =	vld [tilespmem:s6+$0x19000];
	_ =	sdelay $0x4  }
0x10b: {  	s30 =	simm.s32 $0x80;
	v0 =	vadd.s32 v1, v0  }
0x10c: {  	s7 =	simm.s32 $0x400;
	s8 =	simm.s32 $0x1B000;
	s31 =	simm.s32 $0x1;
	[tilespmem:s6+$0x19000] =	vst v0  }
0x10d: {  	[tilespmem:s8], [sflag:$0x1] =	stream.strided.gather [spmem:s5], $0x1000, s7, s30, $0x38;
	[tilespmem:$0x1D100] =	vst v63  }
0x10e: {  	_ =	swait.ge [sflag:s31], $0x1000  }
0x10f: {  	[sflag:s31] =	ssyncset.done $0x0  }
0x110: {  	s5 =	simm.s32 $0x0;
	[sflag:s31] =	ssyncadd.s32 $0xFFFFF000  }
0x111: {  	s6 =	simm.s32 $0x40;
	v0 =	vld [tilespmem:s5+$0x1B000]  }
.LBB2_32:
0x112: {  	p0 =	sne.s32 s6, $0x3FC0;
	v1 =	vld [tilespmem:s5+$0x19000];
	_ =	sdelay $0x1  }
.Ltmp15:
0x113: {  	(pc) =	sbr.rel @p0 .LBB2_32-.Ltmp15, $3  }
0x114: {  	_ =	sdelay $0x1  }
0x115: {  	s7 =	sshra.s32 s6, $0x2;
	v1 =	vadd.s32 v1, v0  }
0x116: {  	s6 =	sadd.s32 $0x40, s6;
	v0 =	vld [tilespmem:s7+$0x1B000];
	[tilespmem:s5+$0x19000] =	vst v1;
	s5 =	smov.u32 s7  }
0x117: {  	v1 =	vld [tilespmem:s5+$0x19000];
	_ =	sdelay $0x4  }
0x118: {  	s30 =	simm.s32 $0x80;
	v0 =	vadd.s32 v1, v0  }
0x119: {  	s6 =	simm.s32 $0x400;
	s7 =	simm.s32 $0x1B000;
	s31 =	simm.s32 $0x1;
	[tilespmem:s5+$0x19000] =	vst v0  }
0x11a: {  	[tilespmem:s7], [sflag:$0x1] =	stream.strided.gather [spmem:s4], $0x1000, s6, s30, $0x38;
	[tilespmem:$0x1D100] =	vst v63  }
0x11b: {  	_ =	swait.ge [sflag:s31], $0x1000  }
0x11c: {  	[sflag:s31] =	ssyncset.done $0x0  }
0x11d: {  	s4 =	simm.s32 $0x0;
	[sflag:s31] =	ssyncadd.s32 $0xFFFFF000  }
0x11e: {  	s5 =	simm.s32 $0x40;
	v0 =	vld [tilespmem:s4+$0x1B000]  }
.LBB2_34:
0x11f: {  	p0 =	sne.s32 s5, $0x3FC0;
	v1 =	vld [tilespmem:s4+$0x19000];
	_ =	sdelay $0x1  }
.Ltmp16:
0x120: {  	(pc) =	sbr.rel @p0 .LBB2_34-.Ltmp16, $3  }
0x121: {  	_ =	sdelay $0x1  }
0x122: {  	s6 =	sshra.s32 s5, $0x2;
	v1 =	vadd.s32 v1, v0  }
0x123: {  	s5 =	sadd.s32 $0x40, s5;
	v0 =	vld [tilespmem:s6+$0x1B000];
	[tilespmem:s4+$0x19000] =	vst v1;
	s4 =	smov.u32 s6  }
0x124: {  	v1 =	vld [tilespmem:s4+$0x19000];
	_ =	sdelay $0x4  }
0x125: {  	s30 =	simm.s32 $0x80;
	v0 =	vadd.s32 v1, v0  }
0x126: {  	s5 =	simm.s32 $0x400;
	s6 =	simm.s32 $0x1B000;
	s31 =	simm.s32 $0x1;
	[tilespmem:s4+$0x19000] =	vst v0  }
0x127: {  	[tilespmem:s6], [sflag:$0x1] =	stream.strided.gather [spmem:s3], $0x1000, s5, s30, $0x38;
	[tilespmem:$0x1D100] =	vst v63  }
0x128: {  	_ =	swait.ge [sflag:s31], $0x1000  }
0x129: {  	[sflag:s31] =	ssyncset.done $0x0  }
0x12a: {  	s3 =	simm.s32 $0x0;
	[sflag:s31] =	ssyncadd.s32 $0xFFFFF000  }
0x12b: {  	s4 =	simm.s32 $0x0;
	s6 =	simm.s32 $0x40;
	s5 =	simm.s32 $0x0;
	v0 =	vld [tilespmem:s3+$0x1B000]  }
.LBB2_36:
0x12c: {  	p0 =	sne.s32 s6, $0x3FC0;
	v1 =	vld [tilespmem:s5+$0x19000];
	_ =	sdelay $0x1  }
.Ltmp17:
0x12d: {  	(pc) =	sbr.rel @p0 .LBB2_36-.Ltmp17, $3  }
0x12e: {  	_ =	sdelay $0x1  }
0x12f: {  	s7 =	sshra.s32 s6, $0x2;
	v1 =	vadd.s32 v1, v0  }
0x130: {  	s6 =	sadd.s32 $0x40, s6;
	v0 =	vld [tilespmem:s7+$0x1B000];
	[tilespmem:s5+$0x19000] =	vst v1;
	s5 =	smov.u32 s7  }
0x131: {  	v1 =	vld [tilespmem:s5+$0x19000];
	_ =	sdelay $0x4  }
0x132: {  	v0 =	vadd.s32 v1, v0  }
0x133: {  	[tilespmem:s5+$0x19000] =	vst v0  }
0x134: {  	s6 =	simm.s32 $0x10;
	v0 =	vld [tilespmem:s3+$0x19000]  }
0x135: {  	v1 =	vld [tilespmem:s6+$0x19000];
	_ =	sdelay $0x3  }
0x136: {  	(xrf0) =	vadd.scan.msk.s32 $0xffff, v0  }
0x137: {  	(xrf0) =	vadd.scan.msk.s32 $0xffff, v1;
	_ =	sdelay $0x4  }
0x138: {  	s7 =	simm.s32 $0x20;
	v1, _, _ =	vpop (xrf0)  }
0x139: {  	v2 =	vld [tilespmem:s7+$0x19000];
	(v2sf) =	vpush v1, $0xF;
	v0, _, _ =	vpop (xrf0)  }
0x13a: {  	(v2sf) =	vpush v0, $0xF;
	_ =	sdelay $0x3  }
0x13b: {  	s5 =	simm.s32 $0x30;
	(xrf0) =	vadd.scan.msk.s32 $0xffff, v2  }
0x13c: {  	v2 =	vld [tilespmem:s5+$0x19000];
	_ =	sdelay $0x3  }
0x13d: {  	s8 =	simm.s32 $0x100  }
.LBB2_38:
0x13e: {  	s9 =	sshra.s32 s8, $0x2;
	p0 =	sne.s32 s8, $0x3FC0;
	s8 =	sadd.s32 $0x40, s8;
	(xrf0) =	vadd.scan.msk.s32 $0xffff, v2;
	v3 =	vadd.s32 s4, v1;
	v1 =	vmov v0;
	v0, _, _ =	vpop (xrf0)  }
.Ltmp18:
0x13f: {  	v2 =	vld [tilespmem:s9+$0x19000];
	(v2sf) =	vpush v0, $0xF;
	[tilespmem:s3+$0x1A000] =	vst v3;
	s3 =	smov.u32 s6;
	s6 =	smov.u32 s7;
	(pc) =	sbr.rel @p0 .LBB2_38-.Ltmp18, $3  }
0x140: {  	s7 =	smov.u32 s5;
	s5 =	smov.u32 s9;
	_ =	sdelay $0x1  }
0x141: {  	s9 =	spop (v2sf)  }
0x142: {  	s4 =	sadd.s32 s4, s9  }
0x143: {  	v3, _, _ =	vpop (xrf0)  }
0x144: {  	(v2sf) =	vpush v3, $0xF;
	_ =	sdelay $0x7  }
0x145: {  	v4 =	vimm.s32 $0x7FFFF;
	vm0 =	vcmask $0x300  }
0x146: {  	vm4 =	vcmask $0x704;
	v4 =	vsel vm0, $0x8888, v4  }
0x147: {  	(xrf0) =	vadd.scan.msk.s32 $0xffff, v2;
	vm5 =	vcmask $0xB08;
	v29 =	vsel vm4, $0x11110, v4  }
0x148: {  	vm6 =	vcmask $0xF0C;
	v2 =	vsel vm5, $0x19998, v29  }
0x149: {  	vm7 =	vcmask $0x1310;
	v2 =	vsel vm6, $0x22220, v2  }
0x14a: {  	v1 =	vadd.s32 s4, v1;
	s8 =	spop (v2sf);
	vm8 =	vcmask $0x1714;
	v2 =	vsel vm7, $0x2AAA8, v2  }
0x14b: {  	v30 =	vimm.s32 $0x7FF;
	vm9 =	vcmask $0x1B18;
	s21 =	sadd.s32 s4, s8;
	v2 =	vsel vm8, $0x33330, v2;
	s22 =	spop (v2sf)  }
0x14c: {  	vm10 =	vcmask $0x1F1C;
	[tilespmem:s3+$0x1A000] =	vst v1;
	v0 =	vadd.s32 s21, v0;
	v31 =	vsel vm9, $0x3BBB8, v2;
	s23 =	sadd.s32 s21, s22;
	s24 =	spop (v2sf)  }
0x14d: {  	vm11 =	vcmask $0x2320;
	[tilespmem:s6+$0x1A000] =	vst v0;
	v32, _, _ =	vpop (xrf0);
	v1 =	vsel vm10, $0x44440, v31;
	v33 =	vadd.s32 s23, v3;
	s3 =	sadd.s32 s23, s24  }
0x14e: {  	vm12 =	vcmask $0x2724;
	v1 =	vsel vm11, $0x4CCC8, v1;
	[tilespmem:s7+$0x1A000] =	vst v33;
	v34 =	vadd.s32 s3, v32  }
0x14f: {  	s25 =	simm.s32 $0x1A000;
	vm13 =	vcmask $0x2B28;
	v35 =	vsel vm12, $0x55550, v1;
	[tilespmem:s5+$0x1A000] =	vst v34  }
0x150: {  	vm14 =	vcmask $0x2F2C;
	v0 =	vsel vm13, $0x5DDD8, v35;
	v36 =	vld.idx.msk [tilespmem:v30+s25+$0x0], $0xffff  }
0x151: {  	vm15 =	vcmask $0x3330;
	v0 =	vsel vm14, $0x66660, v0  }
0x152: {  	vm4 =	vcmask $0x3734;
	v0 =	vsel vm15, $0x6EEE8, v0  }
0x153: {  	vm5 =	vcmask $0x3B38;
	v0 =	vsel vm4, $0x77770, v0  }
0x154: {  	v0 =	vsel vm5, $0x7FFF8, v0  }
0x155: {  	v37 =	vimm.s32 $0xBFF;
	vm0 =	vgt.s32 v36, v0  }
0x156: {  	v1 =	vsel vm0, $0x3FF, v37;
	_ =	sdelay $0x4  }
0x157: {  	v38 =	vld.idx.msk [tilespmem:v1+s25+$0x0], $0xffff;
	_ =	sdelay $0x3  }
0x158: {  	v39 =	vimm.s32 $0xFFF  }
0x159: {  	v5 =	vimm.s32 $0x800;
	v4 =	vsel vm0, $0x7FF, v39;
	vm1 =	vgt.s32 v38, v0  }
0x15a: {  	v40 =	vsel vm0, $0x0, v5;
	v4 =	vsel vm1, v1, v4;
	v1 =	vadd.s32 $0x1, v1  }
0x15b: {  	v1 =	vsel vm1, v40, v1;
	v41 =	vadd.s32 $0xFFFFFFFF, v4  }
0x15c: {  	v3 =	vadd.s32 v41, v1  }
0x15d: {  	v3 =	vshrl.u32 v3, $0x1;
	_ =	sdelay $0x4  }
0x15e: {  	v42 =	vld.idx.msk [tilespmem:v3+s25+$0x0], $0xffff;
	_ =	sdelay $0x4  }
0x15f: {  	vm6 =	vgt.s32 v42, v0  }
0x160: {  	v4 =	vsel vm6, v3, v4;
	v3 =	vadd.s32 $0x1, v3  }
0x161: {  	v1 =	vsel vm6, v1, v3;
	v43 =	vadd.s32 $0xFFFFFFFF, v4  }
0x162: {  	v44 =	vxor.u32 v43, v1  }
0x163: {  	v3 =	vor.u32 v43, v1;
	v5 =	vshrl.u32 v44, $0x1  }
0x164: {  	v3 =	vsub.s32 v3, v5;
	_ =	sdelay $0x4  }
0x165: {  	v5 =	vld.idx.msk [tilespmem:v3+s25+$0x0], $0xffff;
	_ =	sdelay $0x4  }
0x166: {  	v45 =	vadd.s32 $0x1, v3;
	vm7 =	vgt.s32 v5, v0  }
0x167: {  	v3 =	vsel vm7, v3, v4;
	v1 =	vsel vm7, v1, v45  }
0x168: {  	v4 =	vadd.s32 v3, v1  }
0x169: {  	v4 =	vshrl.u32 v4, $0x1;
	_ =	sdelay $0x4  }
0x16a: {  	v46 =	vld.idx.msk [tilespmem:v4+s25+$0x0], $0xffff;
	_ =	sdelay $0x4  }
0x16b: {  	v47 =	vadd.s32 $0x1, v4;
	vm8 =	vgt.s32 v46, v0  }
0x16c: {  	v3 =	vsel vm8, v4, v3;
	v1 =	vsel vm8, v1, v47  }
0x16d: {  	v4 =	vadd.s32 v3, v1  }
0x16e: {  	v4 =	vshrl.u32 v4, $0x1;
	_ =	sdelay $0x4  }
0x16f: {  	v48 =	vld.idx.msk [tilespmem:v4+s25+$0x0], $0xffff;
	_ =	sdelay $0x4  }
0x170: {  	v49 =	vadd.s32 $0x1, v4;
	vm9 =	vgt.s32 v48, v0  }
0x171: {  	v3 =	vsel vm9, v4, v3;
	v1 =	vsel vm9, v1, v49  }
0x172: {  	v4 =	vadd.s32 v3, v1  }
0x173: {  	v4 =	vshrl.u32 v4, $0x1;
	_ =	sdelay $0x4  }
0x174: {  	v50 =	vld.idx.msk [tilespmem:v4+s25+$0x0], $0xffff;
	_ =	sdelay $0x4  }
0x175: {  	v51 =	vadd.s32 $0x1, v4;
	vm10 =	vgt.s32 v50, v0  }
0x176: {  	v3 =	vsel vm10, v4, v3;
	v1 =	vsel vm10, v1, v51  }
0x177: {  	v4 =	vadd.s32 v3, v1  }
0x178: {  	v4 =	vshrl.u32 v4, $0x1;
	_ =	sdelay $0x4  }
0x179: {  	v52 =	vld.idx.msk [tilespmem:v4+s25+$0x0], $0xffff;
	_ =	sdelay $0x4  }
0x17a: {  	v53 =	vadd.s32 $0x1, v4;
	vm11 =	vgt.s32 v52, v0  }
0x17b: {  	v3 =	vsel vm11, v4, v3;
	v1 =	vsel vm11, v1, v53  }
0x17c: {  	v4 =	vadd.s32 v3, v1  }
0x17d: {  	v4 =	vshrl.u32 v4, $0x1;
	_ =	sdelay $0x4  }
0x17e: {  	v54 =	vld.idx.msk [tilespmem:v4+s25+$0x0], $0xffff;
	_ =	sdelay $0x4  }
0x17f: {  	v55 =	vadd.s32 $0x1, v4;
	vm12 =	vgt.s32 v54, v0  }
0x180: {  	v3 =	vsel vm12, v4, v3;
	v1 =	vsel vm12, v1, v55  }
0x181: {  	v4 =	vadd.s32 v3, v1  }
0x182: {  	v4 =	vshrl.u32 v4, $0x1;
	_ =	sdelay $0x4  }
0x183: {  	v56 =	vld.idx.msk [tilespmem:v4+s25+$0x0], $0xffff;
	_ =	sdelay $0x4  }
0x184: {  	v57 =	vadd.s32 $0x1, v4;
	vm13 =	vgt.s32 v56, v0  }
0x185: {  	v3 =	vsel vm13, v4, v3;
	v1 =	vsel vm13, v1, v57  }
0x186: {  	v4 =	vadd.s32 v3, v1  }
0x187: {  	v4 =	vshrl.u32 v4, $0x1;
	_ =	sdelay $0x4  }
0x188: {  	v58 =	vld.idx.msk [tilespmem:v4+s25+$0x0], $0xffff;
	_ =	sdelay $0x4  }
0x189: {  	v59 =	vadd.s32 $0x1, v4;
	vm14 =	vgt.s32 v58, v0  }
0x18a: {  	v3 =	vsel vm14, v4, v3;
	v1 =	vsel vm14, v1, v59  }
0x18b: {  	v1 =	vadd.s32 v3, v1  }
0x18c: {  	v1 =	vshrl.u32 v1, $0x1;
	_ =	sdelay $0x4  }
0x18d: {  	v60 =	vld.idx.msk [tilespmem:v1+s25+$0x0], $0xffff;
	_ =	sdelay $0x4  }
0x18e: {  	vm15 =	vgt.s32 v60, v0  }
0x18f: {  	v1 =	vsel vm15, v1, v3;
	_ =	sdelay $0x3  }
0x190: {  	s26 =	simm.s32 $0x19000  }
0x191: {  	v3 =	vld.idx.msk [tilespmem:v1+s26+$0x0], $0xffff;
	_ =	sdelay $0x4  }
0x192: {  	v61 =	vcvt.s32.f32 v3;
	_ =	sdelay $0x1  }
0x193: {  	(erf) = vrcp.f32 v61  }
0x194: {  	(v2sf) =	vpush v32, $0xF;
	v62 =	vld.idx.msk [tilespmem:v1+s25+$0x0], $0xffff;
	_ =	sdelay $0x4  }
0x195: {  	v2 =	vsub.s32 v3, v62  }
0x196: {  	v0 =	vadd.s32 v0, v2  }
0x197: {  	v0 =	vcvt.s32.f32 v0  }
0x198: {  	v63 =	vpop (erf)  }
0x199: {  	v0 =	vmul.f32 v0, v63;
	_ =	sdelay $0x1  }
0x19a: {  	v0 =	vsub.f32 $1.000000000e+00, v0  }
0x19b: {  	[tilespmem:$0x1C000] =	vst v1  }
0x19c: {  	s28 =	simm.s32 $0x0;
	s29 =	simm.s32 $0x1C000;
	[tilespmem:$0x1C080] =	vst v0  }
0x19d: {  	[hbm4b:s1+s28] =	stream.linear.scatter [tilespmem:s29], [sflag:$0x1], $0x80, $0x38;
	[tilespmem:$0x1D100] =	vst v63  }
0x19e: {  	s30 =	spop (v2sf);
	s1 =	simm.s32 $0x1  }
0x19f: {  	_ =	swait.ge [sflag:s1], $0x80  }
0x1a0: {  	[sflag:s1] =	ssyncset.done $0x0  }
0x1a1: {  	s31 =	simm.s32 $0x1C080;
	[sflag:s1] =	ssyncadd.s32 $0xFFFFFF80  }
0x1a2: {  	[hbm4b:s2+s28] =	stream.linear.scatter [tilespmem:s31], [sflag:$0x1], $0x80, $0x38;
	[tilespmem:$0x1D100] =	vst v63  }
0x1a3: {  	_ =	swait.ge [sflag:s1], $0x80  }
0x1a4: {  	[sflag:s1] =	ssyncset.done $0x0  }
0x1a5: {  	[sflag:s1] =	ssyncadd.s32 $0xFFFFFF80  }
0x1a6: {  	_ =	sfence.sel $0x180000  }
0x1a7: {  	[bflag:$0x0] =	sbarrier.arrive $0xFFFF  }
0x1a8: {  	_ =	strace $0x90000047  }
0x1a9: {  	s0 =	sadd.s32 $0x100000, s0;
	[bflag:$0x2] =	sbarrier.arrive $0xFFFF  }
0x1aa: {  	[sflag:s0] =	ssyncadd.tile.s32 $0x1;
	_ =	shalt  }
.Lfunc_end2:
_tile_overlayer_lowered:
.L_overlay_start_2:
0x1ab: {  	(tag) =	ssettag $0x2  }
0x1ac: {  	s0 =	rddreg [dreg:$0x0];
	s2 =	stileid.u32  }
0x1ad: {  	s1 =	rddreg [dreg:$0x1];
	p0 =	sne.s32 s2, $0x0  }
0x1ae: {  	s3 =	rddreg [dreg:$0x2];
	[bflag:$0x3] =	sbarrier.arrive $0xFFFF;
	s2 =	simm.s32 @!p0 $0x1C01  }
0x1af: {  	[timem:s3], [sflag:s2] =	dma.local @!p0 [hbm:s0], s1  }
0x1b0: {  	s0 =	simm.s32 @!p0 $0x1  }
0x1b1: {  	_ =	swait.ge @!p0 [sflag:s0], s1  }
0x1b2: {  	s1 =	ssub.s32 @!p0 $0x0, s1;
	[sflag:s0] =	ssyncset.done @!p0 $0x0  }
0x1b3: {  	[sflag:s0] =	ssyncadd.s32 @!p0 s1  }
0x1b4: {  	[bflag:$0x3] =	sbarrier.arrive $0xFFFF  }
0x1b5: {  	_ =	shalt  }

</sc_bundles>
